<compile_context>
chip_gen: v7x
topology: tpu7x:2x2x1
jax: 0.10.2.dev20260603
libtpu: 0.0.44.dev20260713+nightly
codegen_flags: <defaults>
</compile_context>

<pallas_src>
import jax
import jax.numpy as jnp
from jax import lax
from jax.experimental import pallas as pl
from jax.experimental.pallas import tpu as pltpu
from jax.experimental.pallas import tpu_sc as plsc

NUM_ENT = 1000000
NUM_REL = 1000
EMB_DIM = 64
BATCH = 16384

NC = 2
NS = 16
L = 16
NW = NC * NS

B_PER_W = BATCH // NW
CHUNK = 128
N_CHUNKS = B_PER_W // CHUNK
GROUPS = CHUNK // L
NSEG = EMB_DIM // L


def _body(heads_hbm, rels_hbm, tails_hbm, comb_hbm, relcat_hbm,
          out_hbm,
          hidx, ridx, tidx,
          hrow_v, trow_v, rrow_v,
          tile16, out_v, sem):
    wid = lax.axis_index("s") * NC + lax.axis_index("c")
    base = wid * B_PER_W

    iota16 = lax.iota(jnp.int32, L)

    def chunk_body(c, _):
        cbase = base + c * CHUNK
        pltpu.sync_copy(heads_hbm.at[pl.ds(cbase, CHUNK)], hidx)
        pltpu.sync_copy(rels_hbm.at[pl.ds(cbase, CHUNK)], ridx)
        pltpu.sync_copy(tails_hbm.at[pl.ds(cbase, CHUNK)], tidx)
        cp1 = pltpu.make_async_copy(comb_hbm.at[hidx], hrow_v, sem)
        cp2 = pltpu.make_async_copy(comb_hbm.at[tidx], trow_v, sem)
        cp3 = pltpu.make_async_copy(relcat_hbm.at[ridx], rrow_v, sem)
        for cp in (cp1, cp2, cp3):
            cp.start()
        for cp in (cp1, cp2, cp3):
            cp.wait()

        def group_body(g, _):
            eb = g * L
            for i in range(L):
                e = eb + i
                s = None
                for grp in range(2):
                    lo = pl.ds(grp * 32, 32)
                    hi = pl.ds(EMB_DIM + grp * 32, 32)
                    p1 = hrow_v[e, lo] * rrow_v[e, lo] * trow_v[e, hi]
                    p2 = trow_v[e, lo] * rrow_v[e, hi] * hrow_v[e, hi]
                    a1, b1 = plsc.unpack(p1, format=plsc.PackFormat.INTERLEAVED)
                    a2, b2 = plsc.unpack(p2, format=plsc.PackFormat.INTERLEAVED)
                    q = (a1 + b1) + (a2 + b2)
                    s = q if s is None else s + q
                tile16[i, :] = s
            acc = jnp.zeros((L,), jnp.float32)
            for j in range(L):
                col = plsc.load_gather(
                    tile16, [iota16, jnp.full((L,), j, jnp.int32)])
                acc = acc + col
            score = jnp.clip(acc * 0.5, -20.0, 20.0)
            out_v[pl.ds(c * CHUNK + eb, L)] = score
            return ()

        lax.fori_loop(0, GROUPS, group_body, (), unroll=1)
        return ()

    lax.fori_loop(0, N_CHUNKS, chunk_body, (), unroll=1)
    pltpu.sync_copy(out_v, out_hbm.at[pl.ds(base, B_PER_W)])


@jax.jit
def kernel(heads, rels, tails, ent_h_embs, ent_t_embs, rel_embs,
           rel_inv_embs):
    comb = jnp.concatenate([ent_h_embs, ent_t_embs],
                           axis=1).astype(jnp.bfloat16)
    relcat = jnp.concatenate([rel_embs, rel_inv_embs],
                             axis=1).astype(jnp.bfloat16)
    mesh = plsc.VectorSubcoreMesh(core_axis_name="c", subcore_axis_name="s",
                                  num_cores=NC, num_subcores=NS)
    f = pl.kernel(
        _body,
        out_type=jax.ShapeDtypeStruct((BATCH,), jnp.float32),
        mesh=mesh,
        compiler_params=pltpu.CompilerParams(needs_layout_passes=False,
                                             use_tc_tiling_on_sc=False),
        scratch_types=[
            pltpu.VMEM((CHUNK,), jnp.int32),
            pltpu.VMEM((CHUNK,), jnp.int32),
            pltpu.VMEM((CHUNK,), jnp.int32),
            pltpu.VMEM((CHUNK, 2 * EMB_DIM), jnp.bfloat16),
            pltpu.VMEM((CHUNK, 2 * EMB_DIM), jnp.bfloat16),
            pltpu.VMEM((CHUNK, 2 * EMB_DIM), jnp.bfloat16),
            pltpu.VMEM((L, L), jnp.float32),
            pltpu.VMEM((B_PER_W,), jnp.float32),
            pltpu.SemaphoreType.DMA,
        ],
    )
    return f(heads.astype(jnp.int32), rels.astype(jnp.int32),
             tails.astype(jnp.int32), comb, relcat)

# --- scband reference (transcript-rebuilt; emitter-appended) ---
"""Pipeline reference for scband-simpl-e-21715354649329 (READ-ONLY COPY).

The authoritative reference and input builder live on the scoring server;
editing this copy changes nothing except your own understanding.
"""

import jax, jax.numpy as jnp
import numpy as np
import math

NUM_ENT = 1000000
NUM_REL = 1000
EMB_DIM = 64
BATCH = 16384


def setup_inputs(seed: int = 0) -> dict:
    key = jax.random.key(seed)
    k1, k2, k3, k4, k5, k6, k7 = jax.random.split(key, 7)
    s = 6.0 / math.sqrt(EMB_DIM)
    ent_h_embs = jax.random.uniform(k1, (NUM_ENT, EMB_DIM), minval=-s, maxval=s, dtype=jnp.float32)
    ent_t_embs = jax.random.uniform(k2, (NUM_ENT, EMB_DIM), minval=-s, maxval=s, dtype=jnp.float32)
    rel_embs = jax.random.uniform(k3, (NUM_REL, EMB_DIM), minval=-s, maxval=s, dtype=jnp.float32)
    rel_inv_embs = jax.random.uniform(k4, (NUM_REL, EMB_DIM), minval=-s, maxval=s, dtype=jnp.float32)
    heads = jax.random.randint(k5, (BATCH,), 0, NUM_ENT, dtype=jnp.int64 if jax.config.jax_enable_x64 else jnp.int32)
    rels = jax.random.randint(k6, (BATCH,), 0, NUM_REL, dtype=jnp.int64 if jax.config.jax_enable_x64 else jnp.int32)
    tails = jax.random.randint(k7, (BATCH,), 0, NUM_ENT, dtype=jnp.int64 if jax.config.jax_enable_x64 else jnp.int32)
    return {
        "heads": heads,
        "rels": rels,
        "tails": tails,
        "ent_h_embs": ent_h_embs,
        "ent_t_embs": ent_t_embs,
        "rel_embs": rel_embs,
        "rel_inv_embs": rel_inv_embs,
    }


def reference(heads, rels, tails, ent_h_embs, ent_t_embs, rel_embs, rel_inv_embs):
    hh_embs = jnp.take(ent_h_embs, heads, axis=0)
    ht_embs = jnp.take(ent_h_embs, tails, axis=0)
    th_embs = jnp.take(ent_t_embs, heads, axis=0)
    tt_embs = jnp.take(ent_t_embs, tails, axis=0)
    r_embs = jnp.take(rel_embs, rels, axis=0)
    r_inv_embs = jnp.take(rel_inv_embs, rels, axis=0)
    scores1 = jnp.sum(hh_embs * r_embs * tt_embs, axis=1)
    scores2 = jnp.sum(ht_embs * r_inv_embs * th_embs, axis=1)
    return jnp.clip((scores1 + scores2) / 2.0, -20.0, 20.0)

if __name__ == "__main__":
    import jax
    _d = setup_inputs()
    print(jax.jit(kernel)(*tuple(_d.values())))

</pallas_src>

<mosaic_0001>
#map = affine_map<(d0, d1) -> (0)>
#map1 = affine_map<(d0, d1) -> (0, 0)>
module attributes {stable_mosaic.version = 14 : i64} {
  func.func @_body(%arg0: i32, %arg1: i32, %arg2: memref<16384xi32, #tpu.memory_space<hbm>>, %arg3: memref<16384xi32, #tpu.memory_space<hbm>>, %arg4: memref<16384xi32, #tpu.memory_space<hbm>>, %arg5: memref<1000000x128xbf16, #tpu.memory_space<hbm>>, %arg6: memref<1000x128xbf16, #tpu.memory_space<hbm>>, %arg7: memref<16384xf32, #tpu.memory_space<hbm>>, %arg8: memref<128xi32, #tpu.memory_space<vmem>>, %arg9: memref<128xi32, #tpu.memory_space<vmem>>, %arg10: memref<128xi32, #tpu.memory_space<vmem>>, %arg11: memref<128x128xbf16, #tpu.memory_space<vmem>>, %arg12: memref<128x128xbf16, #tpu.memory_space<vmem>>, %arg13: memref<128x128xbf16, #tpu.memory_space<vmem>>, %arg14: memref<16x16xf32, #tpu.memory_space<vmem>>, %arg15: memref<512xf32, #tpu.memory_space<vmem>>, %arg16: memref<!tpu.dma_semaphore, #tpu.memory_space<semaphore_mem>>) attributes {dimension_semantics = [#tpu.dimension_semantics<core_parallel>, #tpu.dimension_semantics<subcore_parallel>], iteration_bounds = array<i64: 2, 16>, scalar_prefetch = 0 : i64, scratch_operands = 9 : i64, tpu.core_type = #tpu.core_type<sc_vector_subcore>, window_params = [{transform_indices = #map}, {transform_indices = #map}, {transform_indices = #map}, {transform_indices = #map1}, {transform_indices = #map1}, {transform_indices = #map}]} {
    %mul3A = arith.constant 2 : i32
    %mul3A_0 = arith.muli %arg1, %mul3A : i32
    %add3A = arith.addi %mul3A_0, %arg0 : i32
    %mul3A_1 = arith.constant 512 : i32
    %mul3A_2 = arith.muli %add3A, %mul3A_1 : i32
    %iota3A = tpu.iota {dimensions = array<i32: 0>} : vector<16xi32>
    %scan3A = arith.constant 0 : i32
    %scan3A_3 = arith.constant 4 : i32
    %scan3A_4 = arith.addi %scan3A, %scan3A_3 : i32
    %scan3A_5 = arith.constant 1 : i32
    scf.for %scan3A_7 = %scan3A to %scan3A_4 step %scan3A_5  : i32 {
      %mul3A_8 = arith.constant 128 : i32
      %mul3A_9 = arith.muli %scan3A_7, %mul3A_8 : i32
      %add3A_10 = arith.addi %mul3A_2, %mul3A_9 : i32
      "tpu.region"() ({
        %run_scoped3A = tpu.sem_alloc : memref<!tpu.dma_semaphore, #tpu.memory_space<semaphore_mem>>
        %dma_start3A_32 = tpu.memref_slice %arg2[%add3A_10] : memref<16384xi32, #tpu.memory_space<hbm>> -> memref<128xi32, #tpu.memory_space<hbm>>
        %dma_start3A_33 = tpu.memref_slice %arg2[%add3A_10] : memref<16384xi32, #tpu.memory_space<hbm>> -> memref<128xi32, #tpu.memory_space<hbm>>
        tpu.enqueue_dma source(%dma_start3A_33 : memref<128xi32, #tpu.memory_space<hbm>>) target(%arg8 : memref<128xi32, #tpu.memory_space<vmem>>) target_semaphore(%run_scoped3A : memref<!tpu.dma_semaphore, #tpu.memory_space<semaphore_mem>>)
        %dma_wait3A_34 = tpu.memref_slice %arg2[%add3A_10] : memref<16384xi32, #tpu.memory_space<hbm>> -> memref<128xi32, #tpu.memory_space<hbm>>
        %dma_wait3A_35 = tpu.memref_slice %arg2[%add3A_10] : memref<16384xi32, #tpu.memory_space<hbm>> -> memref<128xi32, #tpu.memory_space<hbm>>
        tpu.wait_dma2 semaphore(%run_scoped3A : memref<!tpu.dma_semaphore, #tpu.memory_space<semaphore_mem>>) src(%dma_wait3A_35 : memref<128xi32, #tpu.memory_space<hbm>>) dst(%arg8 : memref<128xi32, #tpu.memory_space<vmem>>)
        tpu.yield
      }) : () -> ()
      "tpu.region"() ({
        %run_scoped3A = tpu.sem_alloc : memref<!tpu.dma_semaphore, #tpu.memory_space<semaphore_mem>>
        %dma_start3A_32 = tpu.memref_slice %arg3[%add3A_10] : memref<16384xi32, #tpu.memory_space<hbm>> -> memref<128xi32, #tpu.memory_space<hbm>>
        %dma_start3A_33 = tpu.memref_slice %arg3[%add3A_10] : memref<16384xi32, #tpu.memory_space<hbm>> -> memref<128xi32, #tpu.memory_space<hbm>>
        tpu.enqueue_dma source(%dma_start3A_33 : memref<128xi32, #tpu.memory_space<hbm>>) target(%arg9 : memref<128xi32, #tpu.memory_space<vmem>>) target_semaphore(%run_scoped3A : memref<!tpu.dma_semaphore, #tpu.memory_space<semaphore_mem>>)
        %dma_wait3A_34 = tpu.memref_slice %arg3[%add3A_10] : memref<16384xi32, #tpu.memory_space<hbm>> -> memref<128xi32, #tpu.memory_space<hbm>>
        %dma_wait3A_35 = tpu.memref_slice %arg3[%add3A_10] : memref<16384xi32, #tpu.memory_space<hbm>> -> memref<128xi32, #tpu.memory_space<hbm>>
        tpu.wait_dma2 semaphore(%run_scoped3A : memref<!tpu.dma_semaphore, #tpu.memory_space<semaphore_mem>>) src(%dma_wait3A_35 : memref<128xi32, #tpu.memory_space<hbm>>) dst(%arg9 : memref<128xi32, #tpu.memory_space<vmem>>)
        tpu.yield
      }) : () -> ()
      "tpu.region"() ({
        %run_scoped3A = tpu.sem_alloc : memref<!tpu.dma_semaphore, #tpu.memory_space<semaphore_mem>>
        %dma_start3A_32 = tpu.memref_slice %arg4[%add3A_10] : memref<16384xi32, #tpu.memory_space<hbm>> -> memref<128xi32, #tpu.memory_space<hbm>>
        %dma_start3A_33 = tpu.memref_slice %arg4[%add3A_10] : memref<16384xi32, #tpu.memory_space<hbm>> -> memref<128xi32, #tpu.memory_space<hbm>>
        tpu.enqueue_dma source(%dma_start3A_33 : memref<128xi32, #tpu.memory_space<hbm>>) target(%arg10 : memref<128xi32, #tpu.memory_space<vmem>>) target_semaphore(%run_scoped3A : memref<!tpu.dma_semaphore, #tpu.memory_space<semaphore_mem>>)
        %dma_wait3A_34 = tpu.memref_slice %arg4[%add3A_10] : memref<16384xi32, #tpu.memory_space<hbm>> -> memref<128xi32, #tpu.memory_space<hbm>>
        %dma_wait3A_35 = tpu.memref_slice %arg4[%add3A_10] : memref<16384xi32, #tpu.memory_space<hbm>> -> memref<128xi32, #tpu.memory_space<hbm>>
        tpu.wait_dma2 semaphore(%run_scoped3A : memref<!tpu.dma_semaphore, #tpu.memory_space<semaphore_mem>>) src(%dma_wait3A_35 : memref<128xi32, #tpu.memory_space<hbm>>) dst(%arg10 : memref<128xi32, #tpu.memory_space<vmem>>)
        tpu.yield
      }) : () -> ()
      %dma_start3A = arith.constant 0 : i32
      %dma_start3A_11 = arith.constant 0 : i32
      %dma_start3A_12 = tpu.memref_slice %arg5[%dma_start3A, %dma_start3A_11] : memref<1000000x128xbf16, #tpu.memory_space<hbm>> -> memref<1000000x128xbf16, #tpu.memory_space<hbm>>
      tpu.enqueue_indirect_dma source(%dma_start3A_12 : memref<1000000x128xbf16, #tpu.memory_space<hbm>>) target(%arg11 : memref<128x128xbf16, #tpu.memory_space<vmem>>) offsets(%arg8 : memref<128xi32, #tpu.memory_space<vmem>>) semaphore(%arg16 : memref<!tpu.dma_semaphore, #tpu.memory_space<semaphore_mem>>)
      %dma_start3A_13 = arith.constant 0 : i32
      %dma_start3A_14 = arith.constant 0 : i32
      %dma_start3A_15 = tpu.memref_slice %arg5[%dma_start3A_13, %dma_start3A_14] : memref<1000000x128xbf16, #tpu.memory_space<hbm>> -> memref<1000000x128xbf16, #tpu.memory_space<hbm>>
      tpu.enqueue_indirect_dma source(%dma_start3A_15 : memref<1000000x128xbf16, #tpu.memory_space<hbm>>) target(%arg12 : memref<128x128xbf16, #tpu.memory_space<vmem>>) offsets(%arg10 : memref<128xi32, #tpu.memory_space<vmem>>) semaphore(%arg16 : memref<!tpu.dma_semaphore, #tpu.memory_space<semaphore_mem>>)
      %dma_start3A_16 = arith.constant 0 : i32
      %dma_start3A_17 = arith.constant 0 : i32
      %dma_start3A_18 = tpu.memref_slice %arg6[%dma_start3A_16, %dma_start3A_17] : memref<1000x128xbf16, #tpu.memory_space<hbm>> -> memref<1000x128xbf16, #tpu.memory_space<hbm>>
      tpu.enqueue_indirect_dma source(%dma_start3A_18 : memref<1000x128xbf16, #tpu.memory_space<hbm>>) target(%arg13 : memref<128x128xbf16, #tpu.memory_space<vmem>>) offsets(%arg9 : memref<128xi32, #tpu.memory_space<vmem>>) semaphore(%arg16 : memref<!tpu.dma_semaphore, #tpu.memory_space<semaphore_mem>>)
      %dma_wait3A = arith.constant 0 : i32
      %dma_wait3A_19 = arith.constant 0 : i32
      %dma_wait3A_20 = tpu.memref_slice %arg5[%dma_wait3A, %dma_wait3A_19] : memref<1000000x128xbf16, #tpu.memory_space<hbm>> -> memref<1000000x128xbf16, #tpu.memory_space<hbm>>
      tpu.wait_indirect_dma semaphore(%arg16 : memref<!tpu.dma_semaphore, #tpu.memory_space<semaphore_mem>>) src(%dma_wait3A_20 : memref<1000000x128xbf16, #tpu.memory_space<hbm>>) dst(%arg11 : memref<128x128xbf16, #tpu.memory_space<vmem>>)
      %dma_wait3A_21 = arith.constant 0 : i32
      %dma_wait3A_22 = arith.constant 0 : i32
      %dma_wait3A_23 = tpu.memref_slice %arg5[%dma_wait3A_21, %dma_wait3A_22] : memref<1000000x128xbf16, #tpu.memory_space<hbm>> -> memref<1000000x128xbf16, #tpu.memory_space<hbm>>
      tpu.wait_indirect_dma semaphore(%arg16 : memref<!tpu.dma_semaphore, #tpu.memory_space<semaphore_mem>>) src(%dma_wait3A_23 : memref<1000000x128xbf16, #tpu.memory_space<hbm>>) dst(%arg12 : memref<128x128xbf16, #tpu.memory_space<vmem>>)
      %dma_wait3A_24 = arith.constant 0 : i32
      %dma_wait3A_25 = arith.constant 0 : i32
      %dma_wait3A_26 = tpu.memref_slice %arg6[%dma_wait3A_24, %dma_wait3A_25] : memref<1000x128xbf16, #tpu.memory_space<hbm>> -> memref<1000x128xbf16, #tpu.memory_space<hbm>>
      tpu.wait_indirect_dma semaphore(%arg16 : memref<!tpu.dma_semaphore, #tpu.memory_space<semaphore_mem>>) src(%dma_wait3A_26 : memref<1000x128xbf16, #tpu.memory_space<hbm>>) dst(%arg13 : memref<128x128xbf16, #tpu.memory_space<vmem>>)
      %scan3A_27 = arith.constant 0 : i32
      %scan3A_28 = arith.constant 8 : i32
      %scan3A_29 = arith.addi %scan3A_27, %scan3A_28 : i32
      %scan3A_30 = arith.constant 1 : i32
      scf.for %scan3A_32 = %scan3A_27 to %scan3A_29 step %scan3A_30  : i32 {
        %mul3A_33 = arith.constant 16 : i32
        %mul3A_34 = arith.muli %scan3A_32, %mul3A_33 : i32
        %add3A_35 = arith.constant 0 : i32
        %add3A_36 = arith.addi %mul3A_34, %add3A_35 : i32
        %get3A = arith.index_cast %add3A_36 : i32 to index
        %get3A_37 = arith.constant 0 : index
        %get3A_38 = tpu.vector_load %arg11[%get3A, %get3A_37] {strides = array<i32>} : memref<128x128xbf16, #tpu.memory_space<vmem>>, vector<32xbf16>,
        %get3A_39 = arith.index_cast %add3A_36 : i32 to index
        %get3A_40 = arith.constant 0 : index
        %get3A_41 = tpu.vector_load %arg13[%get3A_39, %get3A_40] {strides = array<i32>} : memref<128x128xbf16, #tpu.memory_space<vmem>>, vector<32xbf16>,
        %mul3A_42 = arith.mulf %get3A_38, %get3A_41 : vector<32xbf16>
        %get3A_43 = arith.index_cast %add3A_36 : i32 to index
        %get3A_44 = arith.constant 64 : index
        %get3A_45 = tpu.vector_load %arg12[%get3A_43, %get3A_44] {strides = array<i32>} : memref<128x128xbf16, #tpu.memory_space<vmem>>, vector<32xbf16>,
        %mul3A_46 = arith.mulf %mul3A_42, %get3A_45 : vector<32xbf16>
        %get3A_47 = arith.index_cast %add3A_36 : i32 to index
        %get3A_48 = arith.constant 0 : index
        %get3A_49 = tpu.vector_load %arg12[%get3A_47, %get3A_48] {strides = array<i32>} : memref<128x128xbf16, #tpu.memory_space<vmem>>, vector<32xbf16>,
        %get3A_50 = arith.index_cast %add3A_36 : i32 to index
        %get3A_51 = arith.constant 64 : index
        %get3A_52 = tpu.vector_load %arg13[%get3A_50, %get3A_51] {strides = array<i32>} : memref<128x128xbf16, #tpu.memory_space<vmem>>, vector<32xbf16>,
        %mul3A_53 = arith.mulf %get3A_49, %get3A_52 : vector<32xbf16>
        %get3A_54 = arith.index_cast %add3A_36 : i32 to index
        %get3A_55 = arith.constant 64 : index
        %get3A_56 = tpu.vector_load %arg11[%get3A_54, %get3A_55] {strides = array<i32>} : memref<128x128xbf16, #tpu.memory_space<vmem>>, vector<32xbf16>,
        %mul3A_57 = arith.mulf %mul3A_53, %get3A_56 : vector<32xbf16>
        %unpack3A = tpu.unpack_subelements %mul3A_46, 0 {pack_format = #tpu.pack_format<interleaved>} : vector<32xbf16> -> vector<16xf32>
        %unpack3A_58 = tpu.unpack_subelements %mul3A_46, 1 {pack_format = #tpu.pack_format<interleaved>} : vector<32xbf16> -> vector<16xf32>
        %unpack3A_59 = tpu.unpack_subelements %mul3A_57, 0 {pack_format = #tpu.pack_format<interleaved>} : vector<32xbf16> -> vector<16xf32>
        %unpack3A_60 = tpu.unpack_subelements %mul3A_57, 1 {pack_format = #tpu.pack_format<interleaved>} : vector<32xbf16> -> vector<16xf32>
        %add3A_61 = arith.addf %unpack3A, %unpack3A_58 : vector<16xf32>
        %add3A_62 = arith.addf %unpack3A_59, %unpack3A_60 : vector<16xf32>
        %add3A_63 = arith.addf %add3A_61, %add3A_62 : vector<16xf32>
        %get3A_64 = arith.index_cast %add3A_36 : i32 to index
        %get3A_65 = arith.constant 32 : index
        %get3A_66 = tpu.vector_load %arg11[%get3A_64, %get3A_65] {strides = array<i32>} : memref<128x128xbf16, #tpu.memory_space<vmem>>, vector<32xbf16>,
        %get3A_67 = arith.index_cast %add3A_36 : i32 to index
        %get3A_68 = arith.constant 32 : index
        %get3A_69 = tpu.vector_load %arg13[%get3A_67, %get3A_68] {strides = array<i32>} : memref<128x128xbf16, #tpu.memory_space<vmem>>, vector<32xbf16>,
        %mul3A_70 = arith.mulf %get3A_66, %get3A_69 : vector<32xbf16>
        %get3A_71 = arith.index_cast %add3A_36 : i32 to index
        %get3A_72 = arith.constant 96 : index
        %get3A_73 = tpu.vector_load %arg12[%get3A_71, %get3A_72] {strides = array<i32>} : memref<128x128xbf16, #tpu.memory_space<vmem>>, vector<32xbf16>,
        %mul3A_74 = arith.mulf %mul3A_70, %get3A_73 : vector<32xbf16>
        %get3A_75 = arith.index_cast %add3A_36 : i32 to index
        %get3A_76 = arith.constant 32 : index
        %get3A_77 = tpu.vector_load %arg12[%get3A_75, %get3A_76] {strides = array<i32>} : memref<128x128xbf16, #tpu.memory_space<vmem>>, vector<32xbf16>,
        %get3A_78 = arith.index_cast %add3A_36 : i32 to index
        %get3A_79 = arith.constant 96 : index
        %get3A_80 = tpu.vector_load %arg13[%get3A_78, %get3A_79] {strides = array<i32>} : memref<128x128xbf16, #tpu.memory_space<vmem>>, vector<32xbf16>,
        %mul3A_81 = arith.mulf %get3A_77, %get3A_80 : vector<32xbf16>
        %get3A_82 = arith.index_cast %add3A_36 : i32 to index
        %get3A_83 = arith.constant 96 : index
        %get3A_84 = tpu.vector_load %arg11[%get3A_82, %get3A_83] {strides = array<i32>} : memref<128x128xbf16, #tpu.memory_space<vmem>>, vector<32xbf16>,
        %mul3A_85 = arith.mulf %mul3A_81, %get3A_84 : vector<32xbf16>
        %unpack3A_86 = tpu.unpack_subelements %mul3A_74, 0 {pack_format = #tpu.pack_format<interleaved>} : vector<32xbf16> -> vector<16xf32>
        %unpack3A_87 = tpu.unpack_subelements %mul3A_74, 1 {pack_format = #tpu.pack_format<interleaved>} : vector<32xbf16> -> vector<16xf32>
        %unpack3A_88 = tpu.unpack_subelements %mul3A_85, 0 {pack_format = #tpu.pack_format<interleaved>} : vector<32xbf16> -> vector<16xf32>
        %unpack3A_89 = tpu.unpack_subelements %mul3A_85, 1 {pack_format = #tpu.pack_format<interleaved>} : vector<32xbf16> -> vector<16xf32>
        %add3A_90 = arith.addf %unpack3A_86, %unpack3A_87 : vector<16xf32>
        %add3A_91 = arith.addf %unpack3A_88, %unpack3A_89 : vector<16xf32>
        %add3A_92 = arith.addf %add3A_90, %add3A_91 : vector<16xf32>
        %add3A_93 = arith.addf %add3A_63, %add3A_92 : vector<16xf32>
        %swap3A = arith.constant 0 : i32
        %swap3A_94 = arith.index_cast %swap3A : i32 to index
        %swap3A_95 = arith.constant 0 : index
        %swap3A_96 = tpu.vector_load %arg14[%swap3A_94, %swap3A_95] {strides = array<i32>} : memref<16x16xf32, #tpu.memory_space<vmem>>, vector<16xf32>,
        tpu.vector_store %arg14[%swap3A_94, %swap3A_95], %add3A_93 {strides = array<i32>} : memref<16x16xf32, #tpu.memory_space<vmem>>, vector<16xf32>,
        %add3A_97 = arith.constant 1 : i32
        %add3A_98 = arith.addi %mul3A_34, %add3A_97 : i32
        %get3A_99 = arith.index_cast %add3A_98 : i32 to index
        %get3A_100 = arith.constant 0 : index
        %get3A_101 = tpu.vector_load %arg11[%get3A_99, %get3A_100] {strides = array<i32>} : memref<128x128xbf16, #tpu.memory_space<vmem>>, vector<32xbf16>,
        %get3A_102 = arith.index_cast %add3A_98 : i32 to index
        %get3A_103 = arith.constant 0 : index
        %get3A_104 = tpu.vector_load %arg13[%get3A_102, %get3A_103] {strides = array<i32>} : memref<128x128xbf16, #tpu.memory_space<vmem>>, vector<32xbf16>,
        %mul3A_105 = arith.mulf %get3A_101, %get3A_104 : vector<32xbf16>
        %get3A_106 = arith.index_cast %add3A_98 : i32 to index
        %get3A_107 = arith.constant 64 : index
        %get3A_108 = tpu.vector_load %arg12[%get3A_106, %get3A_107] {strides = array<i32>} : memref<128x128xbf16, #tpu.memory_space<vmem>>, vector<32xbf16>,
        %mul3A_109 = arith.mulf %mul3A_105, %get3A_108 : vector<32xbf16>
        %get3A_110 = arith.index_cast %add3A_98 : i32 to index
        %get3A_111 = arith.constant 0 : index
        %get3A_112 = tpu.vector_load %arg12[%get3A_110, %get3A_111] {strides = array<i32>} : memref<128x128xbf16, #tpu.memory_space<vmem>>, vector<32xbf16>,
        %get3A_113 = arith.index_cast %add3A_98 : i32 to index
        %get3A_114 = arith.constant 64 : index
        %get3A_115 = tpu.vector_load %arg13[%get3A_113, %get3A_114] {strides = array<i32>} : memref<128x128xbf16, #tpu.memory_space<vmem>>, vector<32xbf16>,
        %mul3A_116 = arith.mulf %get3A_112, %get3A_115 : vector<32xbf16>
        %get3A_117 = arith.index_cast %add3A_98 : i32 to index
        %get3A_118 = arith.constant 64 : index
        %get3A_119 = tpu.vector_load %arg11[%get3A_117, %get3A_118] {strides = array<i32>} : memref<128x128xbf16, #tpu.memory_space<vmem>>, vector<32xbf16>,
        %mul3A_120 = arith.mulf %mul3A_116, %get3A_119 : vector<32xbf16>
        %unpack3A_121 = tpu.unpack_subelements %mul3A_109, 0 {pack_format = #tpu.pack_format<interleaved>} : vector<32xbf16> -> vector<16xf32>
        %unpack3A_122 = tpu.unpack_subelements %mul3A_109, 1 {pack_format = #tpu.pack_format<interleaved>} : vector<32xbf16> -> vector<16xf32>
        %unpack3A_123 = tpu.unpack_subelements %mul3A_120, 0 {pack_format = #tpu.pack_format<interleaved>} : vector<32xbf16> -> vector<16xf32>
        %unpack3A_124 = tpu.unpack_subelements %mul3A_120, 1 {pack_format = #tpu.pack_format<interleaved>} : vector<32xbf16> -> vector<16xf32>
        %add3A_125 = arith.addf %unpack3A_121, %unpack3A_122 : vector<16xf32>
        %add3A_126 = arith.addf %unpack3A_123, %unpack3A_124 : vector<16xf32>
        %add3A_127 = arith.addf %add3A_125, %add3A_126 : vector<16xf32>
        %get3A_128 = arith.index_cast %add3A_98 : i32 to index
        %get3A_129 = arith.constant 32 : index
        %get3A_130 = tpu.vector_load %arg11[%get3A_128, %get3A_129] {strides = array<i32>} : memref<128x128xbf16, #tpu.memory_space<vmem>>, vector<32xbf16>,
        %get3A_131 = arith.index_cast %add3A_98 : i32 to index
        %get3A_132 = arith.constant 32 : index
        %get3A_133 = tpu.vector_load %arg13[%get3A_131, %get3A_132] {strides = array<i32>} : memref<128x128xbf16, #tpu.memory_space<vmem>>, vector<32xbf16>,
        %mul3A_134 = arith.mulf %get3A_130, %get3A_133 : vector<32xbf16>
        %get3A_135 = arith.index_cast %add3A_98 : i32 to index
        %get3A_136 = arith.constant 96 : index
        %get3A_137 = tpu.vector_load %arg12[%get3A_135, %get3A_136] {strides = array<i32>} : memref<128x128xbf16, #tpu.memory_space<vmem>>, vector<32xbf16>,
        %mul3A_138 = arith.mulf %mul3A_134, %get3A_137 : vector<32xbf16>
        %get3A_139 = arith.index_cast %add3A_98 : i32 to index
        %get3A_140 = arith.constant 32 : index
        %get3A_141 = tpu.vector_load %arg12[%get3A_139, %get3A_140] {strides = array<i32>} : memref<128x128xbf16, #tpu.memory_space<vmem>>, vector<32xbf16>,
        %get3A_142 = arith.index_cast %add3A_98 : i32 to index
        %get3A_143 = arith.constant 96 : index
        %get3A_144 = tpu.vector_load %arg13[%get3A_142, %get3A_143] {strides = array<i32>} : memref<128x128xbf16, #tpu.memory_space<vmem>>, vector<32xbf16>,
        %mul3A_145 = arith.mulf %get3A_141, %get3A_144 : vector<32xbf16>
        %get3A_146 = arith.index_cast %add3A_98 : i32 to index
        %get3A_147 = arith.constant 96 : index
        %get3A_148 = tpu.vector_load %arg11[%get3A_146, %get3A_147] {strides = array<i32>} : memref<128x128xbf16, #tpu.memory_space<vmem>>, vector<32xbf16>,
        %mul3A_149 = arith.mulf %mul3A_145, %get3A_148 : vector<32xbf16>
        %unpack3A_150 = tpu.unpack_subelements %mul3A_138, 0 {pack_format = #tpu.pack_format<interleaved>} : vector<32xbf16> -> vector<16xf32>
        %unpack3A_151 = tpu.unpack_subelements %mul3A_138, 1 {pack_format = #tpu.pack_format<interleaved>} : vector<32xbf16> -> vector<16xf32>
        %unpack3A_152 = tpu.unpack_subelements %mul3A_149, 0 {pack_format = #tpu.pack_format<interleaved>} : vector<32xbf16> -> vector<16xf32>
        %unpack3A_153 = tpu.unpack_subelements %mul3A_149, 1 {pack_format = #tpu.pack_format<interleaved>} : vector<32xbf16> -> vector<16xf32>
        %add3A_154 = arith.addf %unpack3A_150, %unpack3A_151 : vector<16xf32>
        %add3A_155 = arith.addf %unpack3A_152, %unpack3A_153 : vector<16xf32>
        %add3A_156 = arith.addf %add3A_154, %add3A_155 : vector<16xf32>
        %add3A_157 = arith.addf %add3A_127, %add3A_156 : vector<16xf32>
        %swap3A_158 = arith.constant 1 : i32
        %swap3A_159 = arith.index_cast %swap3A_158 : i32 to index
        %swap3A_160 = arith.constant 0 : index
        %swap3A_161 = tpu.vector_load %arg14[%swap3A_159, %swap3A_160] {strides = array<i32>} : memref<16x16xf32, #tpu.memory_space<vmem>>, vector<16xf32>,
        tpu.vector_store %arg14[%swap3A_159, %swap3A_160], %add3A_157 {strides = array<i32>} : memref<16x16xf32, #tpu.memory_space<vmem>>, vector<16xf32>,
        %add3A_162 = arith.constant 2 : i32
        %add3A_163 = arith.addi %mul3A_34, %add3A_162 : i32
        %get3A_164 = arith.index_cast %add3A_163 : i32 to index
        %get3A_165 = arith.constant 0 : index
        %get3A_166 = tpu.vector_load %arg11[%get3A_164, %get3A_165] {strides = array<i32>} : memref<128x128xbf16, #tpu.memory_space<vmem>>, vector<32xbf16>,
        %get3A_167 = arith.index_cast %add3A_163 : i32 to index
        %get3A_168 = arith.constant 0 : index
        %get3A_169 = tpu.vector_load %arg13[%get3A_167, %get3A_168] {strides = array<i32>} : memref<128x128xbf16, #tpu.memory_space<vmem>>, vector<32xbf16>,
        %mul3A_170 = arith.mulf %get3A_166, %get3A_169 : vector<32xbf16>
        %get3A_171 = arith.index_cast %add3A_163 : i32 to index
        %get3A_172 = arith.constant 64 : index
        %get3A_173 = tpu.vector_load %arg12[%get3A_171, %get3A_172] {strides = array<i32>} : memref<128x128xbf16, #tpu.memory_space<vmem>>, vector<32xbf16>,
        %mul3A_174 = arith.mulf %mul3A_170, %get3A_173 : vector<32xbf16>
        %get3A_175 = arith.index_cast %add3A_163 : i32 to index
        %get3A_176 = arith.constant 0 : index
        %get3A_177 = tpu.vector_load %arg12[%get3A_175, %get3A_176] {strides = array<i32>} : memref<128x128xbf16, #tpu.memory_space<vmem>>, vector<32xbf16>,
        %get3A_178 = arith.index_cast %add3A_163 : i32 to index
        %get3A_179 = arith.constant 64 : index
        %get3A_180 = tpu.vector_load %arg13[%get3A_178, %get3A_179] {strides = array<i32>} : memref<128x128xbf16, #tpu.memory_space<vmem>>, vector<32xbf16>,
        %mul3A_181 = arith.mulf %get3A_177, %get3A_180 : vector<32xbf16>
        %get3A_182 = arith.index_cast %add3A_163 : i32 to index
        %get3A_183 = arith.constant 64 : index
        %get3A_184 = tpu.vector_load %arg11[%get3A_182, %get3A_183] {strides = array<i32>} : memref<128x128xbf16, #tpu.memory_space<vmem>>, vector<32xbf16>,
        %mul3A_185 = arith.mulf %mul3A_181, %get3A_184 : vector<32xbf16>
        %unpack3A_186 = tpu.unpack_subelements %mul3A_174, 0 {pack_format = #tpu.pack_format<interleaved>} : vector<32xbf16> -> vector<16xf32>
        %unpack3A_187 = tpu.unpack_subelements %mul3A_174, 1 {pack_format = #tpu.pack_format<interleaved>} : vector<32xbf16> -> vector<16xf32>
        %unpack3A_188 = tpu.unpack_subelements %mul3A_185, 0 {pack_format = #tpu.pack_format<interleaved>} : vector<32xbf16> -> vector<16xf32>
        %unpack3A_189 = tpu.unpack_subelements %mul3A_185, 1 {pack_format = #tpu.pack_format<interleaved>} : vector<32xbf16> -> vector<16xf32>
        %add3A_190 = arith.addf %unpack3A_186, %unpack3A_187 : vector<16xf32>
        %add3A_191 = arith.addf %unpack3A_188, %unpack3A_189 : vector<16xf32>
        %add3A_192 = arith.addf %add3A_190, %add3A_191 : vector<16xf32>
        %get3A_193 = arith.index_cast %add3A_163 : i32 to index
        %get3A_194 = arith.constant 32 : index
        %get3A_195 = tpu.vector_load %arg11[%get3A_193, %get3A_194] {strides = array<i32>} : memref<128x128xbf16, #tpu.memory_space<vmem>>, vector<32xbf16>,
        %get3A_196 = arith.index_cast %add3A_163 : i32 to index
        %get3A_197 = arith.constant 32 : index
        %get3A_198 = tpu.vector_load %arg13[%get3A_196, %get3A_197] {strides = array<i32>} : memref<128x128xbf16, #tpu.memory_space<vmem>>, vector<32xbf16>,
        %mul3A_199 = arith.mulf %get3A_195, %get3A_198 : vector<32xbf16>
        %get3A_200 = arith.index_cast %add3A_163 : i32 to index
        %get3A_201 = arith.constant 96 : index
        %get3A_202 = tpu.vector_load %arg12[%get3A_200, %get3A_201] {strides = array<i32>} : memref<128x128xbf16, #tpu.memory_space<vmem>>, vector<32xbf16>,
        %mul3A_203 = arith.mulf %mul3A_199, %get3A_202 : vector<32xbf16>
        %get3A_204 = arith.index_cast %add3A_163 : i32 to index
        %get3A_205 = arith.constant 32 : index
        %get3A_206 = tpu.vector_load %arg12[%get3A_204, %get3A_205] {strides = array<i32>} : memref<128x128xbf16, #tpu.memory_space<vmem>>, vector<32xbf16>,
        %get3A_207 = arith.index_cast %add3A_163 : i32 to index
        %get3A_208 = arith.constant 96 : index
        %get3A_209 = tpu.vector_load %arg13[%get3A_207, %get3A_208] {strides = array<i32>} : memref<128x128xbf16, #tpu.memory_space<vmem>>, vector<32xbf16>,
        %mul3A_210 = arith.mulf %get3A_206, %get3A_209 : vector<32xbf16>
        %get3A_211 = arith.index_cast %add3A_163 : i32 to index
        %get3A_212 = arith.constant 96 : index
        %get3A_213 = tpu.vector_load %arg11[%get3A_211, %get3A_212] {strides = array<i32>} : memref<128x128xbf16, #tpu.memory_space<vmem>>, vector<32xbf16>,
        %mul3A_214 = arith.mulf %mul3A_210, %get3A_213 : vector<32xbf16>
        %unpack3A_215 = tpu.unpack_subelements %mul3A_203, 0 {pack_format = #tpu.pack_format<interleaved>} : vector<32xbf16> -> vector<16xf32>
        %unpack3A_216 = tpu.unpack_subelements %mul3A_203, 1 {pack_format = #tpu.pack_format<interleaved>} : vector<32xbf16> -> vector<16xf32>
        %unpack3A_217 = tpu.unpack_subelements %mul3A_214, 0 {pack_format = #tpu.pack_format<interleaved>} : vector<32xbf16> -> vector<16xf32>
        %unpack3A_218 = tpu.unpack_subelements %mul3A_214, 1 {pack_format = #tpu.pack_format<interleaved>} : vector<32xbf16> -> vector<16xf32>
        %add3A_219 = arith.addf %unpack3A_215, %unpack3A_216 : vector<16xf32>
        %add3A_220 = arith.addf %unpack3A_217, %unpack3A_218 : vector<16xf32>
        %add3A_221 = arith.addf %add3A_219, %add3A_220 : vector<16xf32>
        %add3A_222 = arith.addf %add3A_192, %add3A_221 : vector<16xf32>
        %swap3A_223 = arith.constant 2 : i32
        %swap3A_224 = arith.index_cast %swap3A_223 : i32 to index
        %swap3A_225 = arith.constant 0 : index
        %swap3A_226 = tpu.vector_load %arg14[%swap3A_224, %swap3A_225] {strides = array<i32>} : memref<16x16xf32, #tpu.memory_space<vmem>>, vector<16xf32>,
        tpu.vector_store %arg14[%swap3A_224, %swap3A_225], %add3A_222 {strides = array<i32>} : memref<16x16xf32, #tpu.memory_space<vmem>>, vector<16xf32>,
        %add3A_227 = arith.constant 3 : i32
        %add3A_228 = arith.addi %mul3A_34, %add3A_227 : i32
        %get3A_229 = arith.index_cast %add3A_228 : i32 to index
        %get3A_230 = arith.constant 0 : index
        %get3A_231 = tpu.vector_load %arg11[%get3A_229, %get3A_230] {strides = array<i32>} : memref<128x128xbf16, #tpu.memory_space<vmem>>, vector<32xbf16>,
        %get3A_232 = arith.index_cast %add3A_228 : i32 to index
        %get3A_233 = arith.constant 0 : index
        %get3A_234 = tpu.vector_load %arg13[%get3A_232, %get3A_233] {strides = array<i32>} : memref<128x128xbf16, #tpu.memory_space<vmem>>, vector<32xbf16>,
        %mul3A_235 = arith.mulf %get3A_231, %get3A_234 : vector<32xbf16>
        %get3A_236 = arith.index_cast %add3A_228 : i32 to index
        %get3A_237 = arith.constant 64 : index
        %get3A_238 = tpu.vector_load %arg12[%get3A_236, %get3A_237] {strides = array<i32>} : memref<128x128xbf16, #tpu.memory_space<vmem>>, vector<32xbf16>,
        %mul3A_239 = arith.mulf %mul3A_235, %get3A_238 : vector<32xbf16>
        %get3A_240 = arith.index_cast %add3A_228 : i32 to index
        %get3A_241 = arith.constant 0 : index
        %get3A_242 = tpu.vector_load %arg12[%get3A_240, %get3A_241] {strides = array<i32>} : memref<128x128xbf16, #tpu.memory_space<vmem>>, vector<32xbf16>,
        %get3A_243 = arith.index_cast %add3A_228 : i32 to index
        %get3A_244 = arith.constant 64 : index
        %get3A_245 = tpu.vector_load %arg13[%get3A_243, %get3A_244] {strides = array<i32>} : memref<128x128xbf16, #tpu.memory_space<vmem>>, vector<32xbf16>,
        %mul3A_246 = arith.mulf %get3A_242, %get3A_245 : vector<32xbf16>
        %get3A_247 = arith.index_cast %add3A_228 : i32 to index
        %get3A_248 = arith.constant 64 : index
        %get3A_249 = tpu.vector_load %arg11[%get3A_247, %get3A_248] {strides = array<i32>} : memref<128x128xbf16, #tpu.memory_space<vmem>>, vector<32xbf16>,
        %mul3A_250 = arith.mulf %mul3A_246, %get3A_249 : vector<32xbf16>
        %unpack3A_251 = tpu.unpack_subelements %mul3A_239, 0 {pack_format = #tpu.pack_format<interleaved>} : vector<32xbf16> -> vector<16xf32>
        %unpack3A_252 = tpu.unpack_subelements %mul3A_239, 1 {pack_format = #tpu.pack_format<interleaved>} : vector<32xbf16> -> vector<16xf32>
        %unpack3A_253 = tpu.unpack_subelements %mul3A_250, 0 {pack_format = #tpu.pack_format<interleaved>} : vector<32xbf16> -> vector<16xf32>
        %unpack3A_254 = tpu.unpack_subelements %mul3A_250, 1 {pack_format = #tpu.pack_format<interleaved>} : vector<32xbf16> -> vector<16xf32>
        %add3A_255 = arith.addf %unpack3A_251, %unpack3A_252 : vector<16xf32>
        %add3A_256 = arith.addf %unpack3A_253, %unpack3A_254 : vector<16xf32>
        %add3A_257 = arith.addf %add3A_255, %add3A_256 : vector<16xf32>
        %get3A_258 = arith.index_cast %add3A_228 : i32 to index
        %get3A_259 = arith.constant 32 : index
        %get3A_260 = tpu.vector_load %arg11[%get3A_258, %get3A_259] {strides = array<i32>} : memref<128x128xbf16, #tpu.memory_space<vmem>>, vector<32xbf16>,
        %get3A_261 = arith.index_cast %add3A_228 : i32 to index
        %get3A_262 = arith.constant 32 : index
        %get3A_263 = tpu.vector_load %arg13[%get3A_261, %get3A_262] {strides = array<i32>} : memref<128x128xbf16, #tpu.memory_space<vmem>>, vector<32xbf16>,
        %mul3A_264 = arith.mulf %get3A_260, %get3A_263 : vector<32xbf16>
        %get3A_265 = arith.index_cast %add3A_228 : i32 to index
        %get3A_266 = arith.constant 96 : index
        %get3A_267 = tpu.vector_load %arg12[%get3A_265, %get3A_266] {strides = array<i32>} : memref<128x128xbf16, #tpu.memory_space<vmem>>, vector<32xbf16>,
        %mul3A_268 = arith.mulf %mul3A_264, %get3A_267 : vector<32xbf16>
        %get3A_269 = arith.index_cast %add3A_228 : i32 to index
        %get3A_270 = arith.constant 32 : index
        %get3A_271 = tpu.vector_load %arg12[%get3A_269, %get3A_270] {strides = array<i32>} : memref<128x128xbf16, #tpu.memory_space<vmem>>, vector<32xbf16>,
        %get3A_272 = arith.index_cast %add3A_228 : i32 to index
        %get3A_273 = arith.constant 96 : index
        %get3A_274 = tpu.vector_load %arg13[%get3A_272, %get3A_273] {strides = array<i32>} : memref<128x128xbf16, #tpu.memory_space<vmem>>, vector<32xbf16>,
        %mul3A_275 = arith.mulf %get3A_271, %get3A_274 : vector<32xbf16>
        %get3A_276 = arith.index_cast %add3A_228 : i32 to index
        %get3A_277 = arith.constant 96 : index
        %get3A_278 = tpu.vector_load %arg11[%get3A_276, %get3A_277] {strides = array<i32>} : memref<128x128xbf16, #tpu.memory_space<vmem>>, vector<32xbf16>,
        %mul3A_279 = arith.mulf %mul3A_275, %get3A_278 : vector<32xbf16>
        %unpack3A_280 = tpu.unpack_subelements %mul3A_268, 0 {pack_format = #tpu.pack_format<interleaved>} : vector<32xbf16> -> vector<16xf32>
        %unpack3A_281 = tpu.unpack_subelements %mul3A_268, 1 {pack_format = #tpu.pack_format<interleaved>} : vector<32xbf16> -> vector<16xf32>
        %unpack3A_282 = tpu.unpack_subelements %mul3A_279, 0 {pack_format = #tpu.pack_format<interleaved>} : vector<32xbf16> -> vector<16xf32>
        %unpack3A_283 = tpu.unpack_subelements %mul3A_279, 1 {pack_format = #tpu.pack_format<interleaved>} : vector<32xbf16> -> vector<16xf32>
        %add3A_284 = arith.addf %unpack3A_280, %unpack3A_281 : vector<16xf32>
        %add3A_285 = arith.addf %unpack3A_282, %unpack3A_283 : vector<16xf32>
        %add3A_286 = arith.addf %add3A_284, %add3A_285 : vector<16xf32>
        %add3A_287 = arith.addf %add3A_257, %add3A_286 : vector<16xf32>
        %swap3A_288 = arith.constant 3 : i32
        %swap3A_289 = arith.index_cast %swap3A_288 : i32 to index
        %swap3A_290 = arith.constant 0 : index
        %swap3A_291 = tpu.vector_load %arg14[%swap3A_289, %swap3A_290] {strides = array<i32>} : memref<16x16xf32, #tpu.memory_space<vmem>>, vector<16xf32>,
        tpu.vector_store %arg14[%swap3A_289, %swap3A_290], %add3A_287 {strides = array<i32>} : memref<16x16xf32, #tpu.memory_space<vmem>>, vector<16xf32>,
        %add3A_292 = arith.constant 4 : i32
        %add3A_293 = arith.addi %mul3A_34, %add3A_292 : i32
        %get3A_294 = arith.index_cast %add3A_293 : i32 to index
        %get3A_295 = arith.constant 0 : index
        %get3A_296 = tpu.vector_load %arg11[%get3A_294, %get3A_295] {strides = array<i32>} : memref<128x128xbf16, #tpu.memory_space<vmem>>, vector<32xbf16>,
        %get3A_297 = arith.index_cast %add3A_293 : i32 to index
        %get3A_298 = arith.constant 0 : index
        %get3A_299 = tpu.vector_load %arg13[%get3A_297, %get3A_298] {strides = array<i32>} : memref<128x128xbf16, #tpu.memory_space<vmem>>, vector<32xbf16>,
        %mul3A_300 = arith.mulf %get3A_296, %get3A_299 : vector<32xbf16>
        %get3A_301 = arith.index_cast %add3A_293 : i32 to index
        %get3A_302 = arith.constant 64 : index
        %get3A_303 = tpu.vector_load %arg12[%get3A_301, %get3A_302] {strides = array<i32>} : memref<128x128xbf16, #tpu.memory_space<vmem>>, vector<32xbf16>,
        %mul3A_304 = arith.mulf %mul3A_300, %get3A_303 : vector<32xbf16>
        %get3A_305 = arith.index_cast %add3A_293 : i32 to index
        %get3A_306 = arith.constant 0 : index
        %get3A_307 = tpu.vector_load %arg12[%get3A_305, %get3A_306] {strides = array<i32>} : memref<128x128xbf16, #tpu.memory_space<vmem>>, vector<32xbf16>,
        %get3A_308 = arith.index_cast %add3A_293 : i32 to index
        %get3A_309 = arith.constant 64 : index
        %get3A_310 = tpu.vector_load %arg13[%get3A_308, %get3A_309] {strides = array<i32>} : memref<128x128xbf16, #tpu.memory_space<vmem>>, vector<32xbf16>,
        %mul3A_311 = arith.mulf %get3A_307, %get3A_310 : vector<32xbf16>
        %get3A_312 = arith.index_cast %add3A_293 : i32 to index
        %get3A_313 = arith.constant 64 : index
        %get3A_314 = tpu.vector_load %arg11[%get3A_312, %get3A_313] {strides = array<i32>} : memref<128x128xbf16, #tpu.memory_space<vmem>>, vector<32xbf16>,
        %mul3A_315 = arith.mulf %mul3A_311, %get3A_314 : vector<32xbf16>
        %unpack3A_316 = tpu.unpack_subelements %mul3A_304, 0 {pack_format = #tpu.pack_format<interleaved>} : vector<32xbf16> -> vector<16xf32>
        %unpack3A_317 = tpu.unpack_subelements %mul3A_304, 1 {pack_format = #tpu.pack_format<interleaved>} : vector<32xbf16> -> vector<16xf32>
        %unpack3A_318 = tpu.unpack_subelements %mul3A_315, 0 {pack_format = #tpu.pack_format<interleaved>} : vector<32xbf16> -> vector<16xf32>
        %unpack3A_319 = tpu.unpack_subelements %mul3A_315, 1 {pack_format = #tpu.pack_format<interleaved>} : vector<32xbf16> -> vector<16xf32>
        %add3A_320 = arith.addf %unpack3A_316, %unpack3A_317 : vector<16xf32>
        %add3A_321 = arith.addf %unpack3A_318, %unpack3A_319 : vector<16xf32>
        %add3A_322 = arith.addf %add3A_320, %add3A_321 : vector<16xf32>
        %get3A_323 = arith.index_cast %add3A_293 : i32 to index
        %get3A_324 = arith.constant 32 : index
        %get3A_325 = tpu.vector_load %arg11[%get3A_323, %get3A_324] {strides = array<i32>} : memref<128x128xbf16, #tpu.memory_space<vmem>>, vector<32xbf16>,
        %get3A_326 = arith.index_cast %add3A_293 : i32 to index
        %get3A_327 = arith.constant 32 : index
        %get3A_328 = tpu.vector_load %arg13[%get3A_326, %get3A_327] {strides = array<i32>} : memref<128x128xbf16, #tpu.memory_space<vmem>>, vector<32xbf16>,
        %mul3A_329 = arith.mulf %get3A_325, %get3A_328 : vector<32xbf16>
        %get3A_330 = arith.index_cast %add3A_293 : i32 to index
        %get3A_331 = arith.constant 96 : index
        %get3A_332 = tpu.vector_load %arg12[%get3A_330, %get3A_331] {strides = array<i32>} : memref<128x128xbf16, #tpu.memory_space<vmem>>, vector<32xbf16>,
        %mul3A_333 = arith.mulf %mul3A_329, %get3A_332 : vector<32xbf16>
        %get3A_334 = arith.index_cast %add3A_293 : i32 to index
        %get3A_335 = arith.constant 32 : index
        %get3A_336 = tpu.vector_load %arg12[%get3A_334, %get3A_335] {strides = array<i32>} : memref<128x128xbf16, #tpu.memory_space<vmem>>, vector<32xbf16>,
        %get3A_337 = arith.index_cast %add3A_293 : i32 to index
        %get3A_338 = arith.constant 96 : index
        %get3A_339 = tpu.vector_load %arg13[%get3A_337, %get3A_338] {strides = array<i32>} : memref<128x128xbf16, #tpu.memory_space<vmem>>, vector<32xbf16>,
        %mul3A_340 = arith.mulf %get3A_336, %get3A_339 : vector<32xbf16>
        %get3A_341 = arith.index_cast %add3A_293 : i32 to index
        %get3A_342 = arith.constant 96 : index
        %get3A_343 = tpu.vector_load %arg11[%get3A_341, %get3A_342] {strides = array<i32>} : memref<128x128xbf16, #tpu.memory_space<vmem>>, vector<32xbf16>,
        %mul3A_344 = arith.mulf %mul3A_340, %get3A_343 : vector<32xbf16>
        %unpack3A_345 = tpu.unpack_subelements %mul3A_333, 0 {pack_format = #tpu.pack_format<interleaved>} : vector<32xbf16> -> vector<16xf32>
        %unpack3A_346 = tpu.unpack_subelements %mul3A_333, 1 {pack_format = #tpu.pack_format<interleaved>} : vector<32xbf16> -> vector<16xf32>
        %unpack3A_347 = tpu.unpack_subelements %mul3A_344, 0 {pack_format = #tpu.pack_format<interleaved>} : vector<32xbf16> -> vector<16xf32>
        %unpack3A_348 = tpu.unpack_subelements %mul3A_344, 1 {pack_format = #tpu.pack_format<interleaved>} : vector<32xbf16> -> vector<16xf32>
        %add3A_349 = arith.addf %unpack3A_345, %unpack3A_346 : vector<16xf32>
        %add3A_350 = arith.addf %unpack3A_347, %unpack3A_348 : vector<16xf32>
        %add3A_351 = arith.addf %add3A_349, %add3A_350 : vector<16xf32>
        %add3A_352 = arith.addf %add3A_322, %add3A_351 : vector<16xf32>
        %swap3A_353 = arith.constant 4 : i32
        %swap3A_354 = arith.index_cast %swap3A_353 : i32 to index
        %swap3A_355 = arith.constant 0 : index
        %swap3A_356 = tpu.vector_load %arg14[%swap3A_354, %swap3A_355] {strides = array<i32>} : memref<16x16xf32, #tpu.memory_space<vmem>>, vector<16xf32>,
        tpu.vector_store %arg14[%swap3A_354, %swap3A_355], %add3A_352 {strides = array<i32>} : memref<16x16xf32, #tpu.memory_space<vmem>>, vector<16xf32>,
        %add3A_357 = arith.constant 5 : i32
        %add3A_358 = arith.addi %mul3A_34, %add3A_357 : i32
        %get3A_359 = arith.index_cast %add3A_358 : i32 to index
        %get3A_360 = arith.constant 0 : index
        %get3A_361 = tpu.vector_load %arg11[%get3A_359, %get3A_360] {strides = array<i32>} : memref<128x128xbf16, #tpu.memory_space<vmem>>, vector<32xbf16>,
        %get3A_362 = arith.index_cast %add3A_358 : i32 to index
        %get3A_363 = arith.constant 0 : index
        %get3A_364 = tpu.vector_load %arg13[%get3A_362, %get3A_363] {strides = array<i32>} : memref<128x128xbf16, #tpu.memory_space<vmem>>, vector<32xbf16>,
        %mul3A_365 = arith.mulf %get3A_361, %get3A_364 : vector<32xbf16>
        %get3A_366 = arith.index_cast %add3A_358 : i32 to index
        %get3A_367 = arith.constant 64 : index
        %get3A_368 = tpu.vector_load %arg12[%get3A_366, %get3A_367] {strides = array<i32>} : memref<128x128xbf16, #tpu.memory_space<vmem>>, vector<32xbf16>,
        %mul3A_369 = arith.mulf %mul3A_365, %get3A_368 : vector<32xbf16>
        %get3A_370 = arith.index_cast %add3A_358 : i32 to index
        %get3A_371 = arith.constant 0 : index
        %get3A_372 = tpu.vector_load %arg12[%get3A_370, %get3A_371] {strides = array<i32>} : memref<128x128xbf16, #tpu.memory_space<vmem>>, vector<32xbf16>,
        %get3A_373 = arith.index_cast %add3A_358 : i32 to index
        %get3A_374 = arith.constant 64 : index
        %get3A_375 = tpu.vector_load %arg13[%get3A_373, %get3A_374] {strides = array<i32>} : memref<128x128xbf16, #tpu.memory_space<vmem>>, vector<32xbf16>,
        %mul3A_376 = arith.mulf %get3A_372, %get3A_375 : vector<32xbf16>
        %get3A_377 = arith.index_cast %add3A_358 : i32 to index
        %get3A_378 = arith.constant 64 : index
        %get3A_379 = tpu.vector_load %arg11[%get3A_377, %get3A_378] {strides = array<i32>} : memref<128x128xbf16, #tpu.memory_space<vmem>>, vector<32xbf16>,
        %mul3A_380 = arith.mulf %mul3A_376, %get3A_379 : vector<32xbf16>
        %unpack3A_381 = tpu.unpack_subelements %mul3A_369, 0 {pack_format = #tpu.pack_format<interleaved>} : vector<32xbf16> -> vector<16xf32>
        %unpack3A_382 = tpu.unpack_subelements %mul3A_369, 1 {pack_format = #tpu.pack_format<interleaved>} : vector<32xbf16> -> vector<16xf32>
        %unpack3A_383 = tpu.unpack_subelements %mul3A_380, 0 {pack_format = #tpu.pack_format<interleaved>} : vector<32xbf16> -> vector<16xf32>
        %unpack3A_384 = tpu.unpack_subelements %mul3A_380, 1 {pack_format = #tpu.pack_format<interleaved>} : vector<32xbf16> -> vector<16xf32>
        %add3A_385 = arith.addf %unpack3A_381, %unpack3A_382 : vector<16xf32>
        %add3A_386 = arith.addf %unpack3A_383, %unpack3A_384 : vector<16xf32>
        %add3A_387 = arith.addf %add3A_385, %add3A_386 : vector<16xf32>
        %get3A_388 = arith.index_cast %add3A_358 : i32 to index
        %get3A_389 = arith.constant 32 : index
        %get3A_390 = tpu.vector_load %arg11[%get3A_388, %get3A_389] {strides = array<i32>} : memref<128x128xbf16, #tpu.memory_space<vmem>>, vector<32xbf16>,
        %get3A_391 = arith.index_cast %add3A_358 : i32 to index
        %get3A_392 = arith.constant 32 : index
        %get3A_393 = tpu.vector_load %arg13[%get3A_391, %get3A_392] {strides = array<i32>} : memref<128x128xbf16, #tpu.memory_space<vmem>>, vector<32xbf16>,
        %mul3A_394 = arith.mulf %get3A_390, %get3A_393 : vector<32xbf16>
        %get3A_395 = arith.index_cast %add3A_358 : i32 to index
        %get3A_396 = arith.constant 96 : index
        %get3A_397 = tpu.vector_load %arg12[%get3A_395, %get3A_396] {strides = array<i32>} : memref<128x128xbf16, #tpu.memory_space<vmem>>, vector<32xbf16>,
        %mul3A_398 = arith.mulf %mul3A_394, %get3A_397 : vector<32xbf16>
        %get3A_399 = arith.index_cast %add3A_358 : i32 to index
        %get3A_400 = arith.constant 32 : index
        %get3A_401 = tpu.vector_load %arg12[%get3A_399, %get3A_400] {strides = array<i32>} : memref<128x128xbf16, #tpu.memory_space<vmem>>, vector<32xbf16>,
        %get3A_402 = arith.index_cast %add3A_358 : i32 to index
        %get3A_403 = arith.constant 96 : index
        %get3A_404 = tpu.vector_load %arg13[%get3A_402, %get3A_403] {strides = array<i32>} : memref<128x128xbf16, #tpu.memory_space<vmem>>, vector<32xbf16>,
        %mul3A_405 = arith.mulf %get3A_401, %get3A_404 : vector<32xbf16>
        %get3A_406 = arith.index_cast %add3A_358 : i32 to index
        %get3A_407 = arith.constant 96 : index
        %get3A_408 = tpu.vector_load %arg11[%get3A_406, %get3A_407] {strides = array<i32>} : memref<128x128xbf16, #tpu.memory_space<vmem>>, vector<32xbf16>,
        %mul3A_409 = arith.mulf %mul3A_405, %get3A_408 : vector<32xbf16>
        %unpack3A_410 = tpu.unpack_subelements %mul3A_398, 0 {pack_format = #tpu.pack_format<interleaved>} : vector<32xbf16> -> vector<16xf32>
        %unpack3A_411 = tpu.unpack_subelements %mul3A_398, 1 {pack_format = #tpu.pack_format<interleaved>} : vector<32xbf16> -> vector<16xf32>
        %unpack3A_412 = tpu.unpack_subelements %mul3A_409, 0 {pack_format = #tpu.pack_format<interleaved>} : vector<32xbf16> -> vector<16xf32>
        %unpack3A_413 = tpu.unpack_subelements %mul3A_409, 1 {pack_format = #tpu.pack_format<interleaved>} : vector<32xbf16> -> vector<16xf32>
        %add3A_414 = arith.addf %unpack3A_410, %unpack3A_411 : vector<16xf32>
        %add3A_415 = arith.addf %unpack3A_412, %unpack3A_413 : vector<16xf32>
        %add3A_416 = arith.addf %add3A_414, %add3A_415 : vector<16xf32>
        %add3A_417 = arith.addf %add3A_387, %add3A_416 : vector<16xf32>
        %swap3A_418 = arith.constant 5 : i32
        %swap3A_419 = arith.index_cast %swap3A_418 : i32 to index
        %swap3A_420 = arith.constant 0 : index
        %swap3A_421 = tpu.vector_load %arg14[%swap3A_419, %swap3A_420] {strides = array<i32>} : memref<16x16xf32, #tpu.memory_space<vmem>>, vector<16xf32>,
        tpu.vector_store %arg14[%swap3A_419, %swap3A_420], %add3A_417 {strides = array<i32>} : memref<16x16xf32, #tpu.memory_space<vmem>>, vector<16xf32>,
        %add3A_422 = arith.constant 6 : i32
        %add3A_423 = arith.addi %mul3A_34, %add3A_422 : i32
        %get3A_424 = arith.index_cast %add3A_423 : i32 to index
        %get3A_425 = arith.constant 0 : index
        %get3A_426 = tpu.vector_load %arg11[%get3A_424, %get3A_425] {strides = array<i32>} : memref<128x128xbf16, #tpu.memory_space<vmem>>, vector<32xbf16>,
        %get3A_427 = arith.index_cast %add3A_423 : i32 to index
        %get3A_428 = arith.constant 0 : index
        %get3A_429 = tpu.vector_load %arg13[%get3A_427, %get3A_428] {strides = array<i32>} : memref<128x128xbf16, #tpu.memory_space<vmem>>, vector<32xbf16>,
        %mul3A_430 = arith.mulf %get3A_426, %get3A_429 : vector<32xbf16>
        %get3A_431 = arith.index_cast %add3A_423 : i32 to index
        %get3A_432 = arith.constant 64 : index
        %get3A_433 = tpu.vector_load %arg12[%get3A_431, %get3A_432] {strides = array<i32>} : memref<128x128xbf16, #tpu.memory_space<vmem>>, vector<32xbf16>,
        %mul3A_434 = arith.mulf %mul3A_430, %get3A_433 : vector<32xbf16>
        %get3A_435 = arith.index_cast %add3A_423 : i32 to index
        %get3A_436 = arith.constant 0 : index
        %get3A_437 = tpu.vector_load %arg12[%get3A_435, %get3A_436] {strides = array<i32>} : memref<128x128xbf16, #tpu.memory_space<vmem>>, vector<32xbf16>,
        %get3A_438 = arith.index_cast %add3A_423 : i32 to index
        %get3A_439 = arith.constant 64 : index
        %get3A_440 = tpu.vector_load %arg13[%get3A_438, %get3A_439] {strides = array<i32>} : memref<128x128xbf16, #tpu.memory_space<vmem>>, vector<32xbf16>,
        %mul3A_441 = arith.mulf %get3A_437, %get3A_440 : vector<32xbf16>
        %get3A_442 = arith.index_cast %add3A_423 : i32 to index
        %get3A_443 = arith.constant 64 : index
        %get3A_444 = tpu.vector_load %arg11[%get3A_442, %get3A_443] {strides = array<i32>} : memref<128x128xbf16, #tpu.memory_space<vmem>>, vector<32xbf16>,
        %mul3A_445 = arith.mulf %mul3A_441, %get3A_444 : vector<32xbf16>
        %unpack3A_446 = tpu.unpack_subelements %mul3A_434, 0 {pack_format = #tpu.pack_format<interleaved>} : vector<32xbf16> -> vector<16xf32>
        %unpack3A_447 = tpu.unpack_subelements %mul3A_434, 1 {pack_format = #tpu.pack_format<interleaved>} : vector<32xbf16> -> vector<16xf32>
        %unpack3A_448 = tpu.unpack_subelements %mul3A_445, 0 {pack_format = #tpu.pack_format<interleaved>} : vector<32xbf16> -> vector<16xf32>
        %unpack3A_449 = tpu.unpack_subelements %mul3A_445, 1 {pack_format = #tpu.pack_format<interleaved>} : vector<32xbf16> -> vector<16xf32>
        %add3A_450 = arith.addf %unpack3A_446, %unpack3A_447 : vector<16xf32>
        %add3A_451 = arith.addf %unpack3A_448, %unpack3A_449 : vector<16xf32>
        %add3A_452 = arith.addf %add3A_450, %add3A_451 : vector<16xf32>
        %get3A_453 = arith.index_cast %add3A_423 : i32 to index
        %get3A_454 = arith.constant 32 : index
        %get3A_455 = tpu.vector_load %arg11[%get3A_453, %get3A_454] {strides = array<i32>} : memref<128x128xbf16, #tpu.memory_space<vmem>>, vector<32xbf16>,
        %get3A_456 = arith.index_cast %add3A_423 : i32 to index
        %get3A_457 = arith.constant 32 : index
        %get3A_458 = tpu.vector_load %arg13[%get3A_456, %get3A_457] {strides = array<i32>} : memref<128x128xbf16, #tpu.memory_space<vmem>>, vector<32xbf16>,
        %mul3A_459 = arith.mulf %get3A_455, %get3A_458 : vector<32xbf16>
        %get3A_460 = arith.index_cast %add3A_423 : i32 to index
        %get3A_461 = arith.constant 96 : index
        %get3A_462 = tpu.vector_load %arg12[%get3A_460, %get3A_461] {strides = array<i32>} : memref<128x128xbf16, #tpu.memory_space<vmem>>, vector<32xbf16>,
        %mul3A_463 = arith.mulf %mul3A_459, %get3A_462 : vector<32xbf16>
        %get3A_464 = arith.index_cast %add3A_423 : i32 to index
        %get3A_465 = arith.constant 32 : index
        %get3A_466 = tpu.vector_load %arg12[%get3A_464, %get3A_465] {strides = array<i32>} : memref<128x128xbf16, #tpu.memory_space<vmem>>, vector<32xbf16>,
        %get3A_467 = arith.index_cast %add3A_423 : i32 to index
        %get3A_468 = arith.constant 96 : index
        %get3A_469 = tpu.vector_load %arg13[%get3A_467, %get3A_468] {strides = array<i32>} : memref<128x128xbf16, #tpu.memory_space<vmem>>, vector<32xbf16>,
        %mul3A_470 = arith.mulf %get3A_466, %get3A_469 : vector<32xbf16>
        %get3A_471 = arith.index_cast %add3A_423 : i32 to index
        %get3A_472 = arith.constant 96 : index
        %get3A_473 = tpu.vector_load %arg11[%get3A_471, %get3A_472] {strides = array<i32>} : memref<128x128xbf16, #tpu.memory_space<vmem>>, vector<32xbf16>,
        %mul3A_474 = arith.mulf %mul3A_470, %get3A_473 : vector<32xbf16>
        %unpack3A_475 = tpu.unpack_subelements %mul3A_463, 0 {pack_format = #tpu.pack_format<interleaved>} : vector<32xbf16> -> vector<16xf32>
        %unpack3A_476 = tpu.unpack_subelements %mul3A_463, 1 {pack_format = #tpu.pack_format<interleaved>} : vector<32xbf16> -> vector<16xf32>
        %unpack3A_477 = tpu.unpack_subelements %mul3A_474, 0 {pack_format = #tpu.pack_format<interleaved>} : vector<32xbf16> -> vector<16xf32>
        %unpack3A_478 = tpu.unpack_subelements %mul3A_474, 1 {pack_format = #tpu.pack_format<interleaved>} : vector<32xbf16> -> vector<16xf32>
        %add3A_479 = arith.addf %unpack3A_475, %unpack3A_476 : vector<16xf32>
        %add3A_480 = arith.addf %unpack3A_477, %unpack3A_478 : vector<16xf32>
        %add3A_481 = arith.addf %add3A_479, %add3A_480 : vector<16xf32>
        %add3A_482 = arith.addf %add3A_452, %add3A_481 : vector<16xf32>
        %swap3A_483 = arith.constant 6 : i32
        %swap3A_484 = arith.index_cast %swap3A_483 : i32 to index
        %swap3A_485 = arith.constant 0 : index
        %swap3A_486 = tpu.vector_load %arg14[%swap3A_484, %swap3A_485] {strides = array<i32>} : memref<16x16xf32, #tpu.memory_space<vmem>>, vector<16xf32>,
        tpu.vector_store %arg14[%swap3A_484, %swap3A_485], %add3A_482 {strides = array<i32>} : memref<16x16xf32, #tpu.memory_space<vmem>>, vector<16xf32>,
        %add3A_487 = arith.constant 7 : i32
        %add3A_488 = arith.addi %mul3A_34, %add3A_487 : i32
        %get3A_489 = arith.index_cast %add3A_488 : i32 to index
        %get3A_490 = arith.constant 0 : index
        %get3A_491 = tpu.vector_load %arg11[%get3A_489, %get3A_490] {strides = array<i32>} : memref<128x128xbf16, #tpu.memory_space<vmem>>, vector<32xbf16>,
        %get3A_492 = arith.index_cast %add3A_488 : i32 to index
        %get3A_493 = arith.constant 0 : index
        %get3A_494 = tpu.vector_load %arg13[%get3A_492, %get3A_493] {strides = array<i32>} : memref<128x128xbf16, #tpu.memory_space<vmem>>, vector<32xbf16>,
        %mul3A_495 = arith.mulf %get3A_491, %get3A_494 : vector<32xbf16>
        %get3A_496 = arith.index_cast %add3A_488 : i32 to index
        %get3A_497 = arith.constant 64 : index
        %get3A_498 = tpu.vector_load %arg12[%get3A_496, %get3A_497] {strides = array<i32>} : memref<128x128xbf16, #tpu.memory_space<vmem>>, vector<32xbf16>,
        %mul3A_499 = arith.mulf %mul3A_495, %get3A_498 : vector<32xbf16>
        %get3A_500 = arith.index_cast %add3A_488 : i32 to index
        %get3A_501 = arith.constant 0 : index
        %get3A_502 = tpu.vector_load %arg12[%get3A_500, %get3A_501] {strides = array<i32>} : memref<128x128xbf16, #tpu.memory_space<vmem>>, vector<32xbf16>,
        %get3A_503 = arith.index_cast %add3A_488 : i32 to index
        %get3A_504 = arith.constant 64 : index
        %get3A_505 = tpu.vector_load %arg13[%get3A_503, %get3A_504] {strides = array<i32>} : memref<128x128xbf16, #tpu.memory_space<vmem>>, vector<32xbf16>,
        %mul3A_506 = arith.mulf %get3A_502, %get3A_505 : vector<32xbf16>
        %get3A_507 = arith.index_cast %add3A_488 : i32 to index
        %get3A_508 = arith.constant 64 : index
        %get3A_509 = tpu.vector_load %arg11[%get3A_507, %get3A_508] {strides = array<i32>} : memref<128x128xbf16, #tpu.memory_space<vmem>>, vector<32xbf16>,
        %mul3A_510 = arith.mulf %mul3A_506, %get3A_509 : vector<32xbf16>
        %unpack3A_511 = tpu.unpack_subelements %mul3A_499, 0 {pack_format = #tpu.pack_format<interleaved>} : vector<32xbf16> -> vector<16xf32>
        %unpack3A_512 = tpu.unpack_subelements %mul3A_499, 1 {pack_format = #tpu.pack_format<interleaved>} : vector<32xbf16> -> vector<16xf32>
        %unpack3A_513 = tpu.unpack_subelements %mul3A_510, 0 {pack_format = #tpu.pack_format<interleaved>} : vector<32xbf16> -> vector<16xf32>
        %unpack3A_514 = tpu.unpack_subelements %mul3A_510, 1 {pack_format = #tpu.pack_format<interleaved>} : vector<32xbf16> -> vector<16xf32>
        %add3A_515 = arith.addf %unpack3A_511, %unpack3A_512 : vector<16xf32>
        %add3A_516 = arith.addf %unpack3A_513, %unpack3A_514 : vector<16xf32>
        %add3A_517 = arith.addf %add3A_515, %add3A_516 : vector<16xf32>
        %get3A_518 = arith.index_cast %add3A_488 : i32 to index
        %get3A_519 = arith.constant 32 : index
        %get3A_520 = tpu.vector_load %arg11[%get3A_518, %get3A_519] {strides = array<i32>} : memref<128x128xbf16, #tpu.memory_space<vmem>>, vector<32xbf16>,
        %get3A_521 = arith.index_cast %add3A_488 : i32 to index
        %get3A_522 = arith.constant 32 : index
        %get3A_523 = tpu.vector_load %arg13[%get3A_521, %get3A_522] {strides = array<i32>} : memref<128x128xbf16, #tpu.memory_space<vmem>>, vector<32xbf16>,
        %mul3A_524 = arith.mulf %get3A_520, %get3A_523 : vector<32xbf16>
        %get3A_525 = arith.index_cast %add3A_488 : i32 to index
        %get3A_526 = arith.constant 96 : index
        %get3A_527 = tpu.vector_load %arg12[%get3A_525, %get3A_526] {strides = array<i32>} : memref<128x128xbf16, #tpu.memory_space<vmem>>, vector<32xbf16>,
        %mul3A_528 = arith.mulf %mul3A_524, %get3A_527 : vector<32xbf16>
        %get3A_529 = arith.index_cast %add3A_488 : i32 to index
        %get3A_530 = arith.constant 32 : index
        %get3A_531 = tpu.vector_load %arg12[%get3A_529, %get3A_530] {strides = array<i32>} : memref<128x128xbf16, #tpu.memory_space<vmem>>, vector<32xbf16>,
        %get3A_532 = arith.index_cast %add3A_488 : i32 to index
        %get3A_533 = arith.constant 96 : index
        %get3A_534 = tpu.vector_load %arg13[%get3A_532, %get3A_533] {strides = array<i32>} : memref<128x128xbf16, #tpu.memory_space<vmem>>, vector<32xbf16>,
        %mul3A_535 = arith.mulf %get3A_531, %get3A_534 : vector<32xbf16>
        %get3A_536 = arith.index_cast %add3A_488 : i32 to index
        %get3A_537 = arith.constant 96 : index
        %get3A_538 = tpu.vector_load %arg11[%get3A_536, %get3A_537] {strides = array<i32>} : memref<128x128xbf16, #tpu.memory_space<vmem>>, vector<32xbf16>,
        %mul3A_539 = arith.mulf %mul3A_535, %get3A_538 : vector<32xbf16>
        %unpack3A_540 = tpu.unpack_subelements %mul3A_528, 0 {pack_format = #tpu.pack_format<interleaved>} : vector<32xbf16> -> vector<16xf32>
        %unpack3A_541 = tpu.unpack_subelements %mul3A_528, 1 {pack_format = #tpu.pack_format<interleaved>} : vector<32xbf16> -> vector<16xf32>
        %unpack3A_542 = tpu.unpack_subelements %mul3A_539, 0 {pack_format = #tpu.pack_format<interleaved>} : vector<32xbf16> -> vector<16xf32>
        %unpack3A_543 = tpu.unpack_subelements %mul3A_539, 1 {pack_format = #tpu.pack_format<interleaved>} : vector<32xbf16> -> vector<16xf32>
        %add3A_544 = arith.addf %unpack3A_540, %unpack3A_541 : vector<16xf32>
        %add3A_545 = arith.addf %unpack3A_542, %unpack3A_543 : vector<16xf32>
        %add3A_546 = arith.addf %add3A_544, %add3A_545 : vector<16xf32>
        %add3A_547 = arith.addf %add3A_517, %add3A_546 : vector<16xf32>
        %swap3A_548 = arith.constant 7 : i32
        %swap3A_549 = arith.index_cast %swap3A_548 : i32 to index
        %swap3A_550 = arith.constant 0 : index
        %swap3A_551 = tpu.vector_load %arg14[%swap3A_549, %swap3A_550] {strides = array<i32>} : memref<16x16xf32, #tpu.memory_space<vmem>>, vector<16xf32>,
        tpu.vector_store %arg14[%swap3A_549, %swap3A_550], %add3A_547 {strides = array<i32>} : memref<16x16xf32, #tpu.memory_space<vmem>>, vector<16xf32>,
        %add3A_552 = arith.constant 8 : i32
        %add3A_553 = arith.addi %mul3A_34, %add3A_552 : i32
        %get3A_554 = arith.index_cast %add3A_553 : i32 to index
        %get3A_555 = arith.constant 0 : index
        %get3A_556 = tpu.vector_load %arg11[%get3A_554, %get3A_555] {strides = array<i32>} : memref<128x128xbf16, #tpu.memory_space<vmem>>, vector<32xbf16>,
        %get3A_557 = arith.index_cast %add3A_553 : i32 to index
        %get3A_558 = arith.constant 0 : index
        %get3A_559 = tpu.vector_load %arg13[%get3A_557, %get3A_558] {strides = array<i32>} : memref<128x128xbf16, #tpu.memory_space<vmem>>, vector<32xbf16>,
        %mul3A_560 = arith.mulf %get3A_556, %get3A_559 : vector<32xbf16>
        %get3A_561 = arith.index_cast %add3A_553 : i32 to index
        %get3A_562 = arith.constant 64 : index
        %get3A_563 = tpu.vector_load %arg12[%get3A_561, %get3A_562] {strides = array<i32>} : memref<128x128xbf16, #tpu.memory_space<vmem>>, vector<32xbf16>,
        %mul3A_564 = arith.mulf %mul3A_560, %get3A_563 : vector<32xbf16>
        %get3A_565 = arith.index_cast %add3A_553 : i32 to index
        %get3A_566 = arith.constant 0 : index
        %get3A_567 = tpu.vector_load %arg12[%get3A_565, %get3A_566] {strides = array<i32>} : memref<128x128xbf16, #tpu.memory_space<vmem>>, vector<32xbf16>,
        %get3A_568 = arith.index_cast %add3A_553 : i32 to index
        %get3A_569 = arith.constant 64 : index
        %get3A_570 = tpu.vector_load %arg13[%get3A_568, %get3A_569] {strides = array<i32>} : memref<128x128xbf16, #tpu.memory_space<vmem>>, vector<32xbf16>,
        %mul3A_571 = arith.mulf %get3A_567, %get3A_570 : vector<32xbf16>
        %get3A_572 = arith.index_cast %add3A_553 : i32 to index
        %get3A_573 = arith.constant 64 : index
        %get3A_574 = tpu.vector_load %arg11[%get3A_572, %get3A_573] {strides = array<i32>} : memref<128x128xbf16, #tpu.memory_space<vmem>>, vector<32xbf16>,
        %mul3A_575 = arith.mulf %mul3A_571, %get3A_574 : vector<32xbf16>
        %unpack3A_576 = tpu.unpack_subelements %mul3A_564, 0 {pack_format = #tpu.pack_format<interleaved>} : vector<32xbf16> -> vector<16xf32>
        %unpack3A_577 = tpu.unpack_subelements %mul3A_564, 1 {pack_format = #tpu.pack_format<interleaved>} : vector<32xbf16> -> vector<16xf32>
        %unpack3A_578 = tpu.unpack_subelements %mul3A_575, 0 {pack_format = #tpu.pack_format<interleaved>} : vector<32xbf16> -> vector<16xf32>
        %unpack3A_579 = tpu.unpack_subelements %mul3A_575, 1 {pack_format = #tpu.pack_format<interleaved>} : vector<32xbf16> -> vector<16xf32>
        %add3A_580 = arith.addf %unpack3A_576, %unpack3A_577 : vector<16xf32>
        %add3A_581 = arith.addf %unpack3A_578, %unpack3A_579 : vector<16xf32>
        %add3A_582 = arith.addf %add3A_580, %add3A_581 : vector<16xf32>
        %get3A_583 = arith.index_cast %add3A_553 : i32 to index
        %get3A_584 = arith.constant 32 : index
        %get3A_585 = tpu.vector_load %arg11[%get3A_583, %get3A_584] {strides = array<i32>} : memref<128x128xbf16, #tpu.memory_space<vmem>>, vector<32xbf16>,
        %get3A_586 = arith.index_cast %add3A_553 : i32 to index
        %get3A_587 = arith.constant 32 : index
        %get3A_588 = tpu.vector_load %arg13[%get3A_586, %get3A_587] {strides = array<i32>} : memref<128x128xbf16, #tpu.memory_space<vmem>>, vector<32xbf16>,
        %mul3A_589 = arith.mulf %get3A_585, %get3A_588 : vector<32xbf16>
        %get3A_590 = arith.index_cast %add3A_553 : i32 to index
        %get3A_591 = arith.constant 96 : index
        %get3A_592 = tpu.vector_load %arg12[%get3A_590, %get3A_591] {strides = array<i32>} : memref<128x128xbf16, #tpu.memory_space<vmem>>, vector<32xbf16>,
        %mul3A_593 = arith.mulf %mul3A_589, %get3A_592 : vector<32xbf16>
        %get3A_594 = arith.index_cast %add3A_553 : i32 to index
        %get3A_595 = arith.constant 32 : index
        %get3A_596 = tpu.vector_load %arg12[%get3A_594, %get3A_595] {strides = array<i32>} : memref<128x128xbf16, #tpu.memory_space<vmem>>, vector<32xbf16>,
        %get3A_597 = arith.index_cast %add3A_553 : i32 to index
        %get3A_598 = arith.constant 96 : index
        %get3A_599 = tpu.vector_load %arg13[%get3A_597, %get3A_598] {strides = array<i32>} : memref<128x128xbf16, #tpu.memory_space<vmem>>, vector<32xbf16>,
        %mul3A_600 = arith.mulf %get3A_596, %get3A_599 : vector<32xbf16>
        %get3A_601 = arith.index_cast %add3A_553 : i32 to index
        %get3A_602 = arith.constant 96 : index
        %get3A_603 = tpu.vector_load %arg11[%get3A_601, %get3A_602] {strides = array<i32>} : memref<128x128xbf16, #tpu.memory_space<vmem>>, vector<32xbf16>,
        %mul3A_604 = arith.mulf %mul3A_600, %get3A_603 : vector<32xbf16>
        %unpack3A_605 = tpu.unpack_subelements %mul3A_593, 0 {pack_format = #tpu.pack_format<interleaved>} : vector<32xbf16> -> vector<16xf32>
        %unpack3A_606 = tpu.unpack_subelements %mul3A_593, 1 {pack_format = #tpu.pack_format<interleaved>} : vector<32xbf16> -> vector<16xf32>
        %unpack3A_607 = tpu.unpack_subelements %mul3A_604, 0 {pack_format = #tpu.pack_format<interleaved>} : vector<32xbf16> -> vector<16xf32>
        %unpack3A_608 = tpu.unpack_subelements %mul3A_604, 1 {pack_format = #tpu.pack_format<interleaved>} : vector<32xbf16> -> vector<16xf32>
        %add3A_609 = arith.addf %unpack3A_605, %unpack3A_606 : vector<16xf32>
        %add3A_610 = arith.addf %unpack3A_607, %unpack3A_608 : vector<16xf32>
        %add3A_611 = arith.addf %add3A_609, %add3A_610 : vector<16xf32>
        %add3A_612 = arith.addf %add3A_582, %add3A_611 : vector<16xf32>
        %swap3A_613 = arith.constant 8 : i32
        %swap3A_614 = arith.index_cast %swap3A_613 : i32 to index
        %swap3A_615 = arith.constant 0 : index
        %swap3A_616 = tpu.vector_load %arg14[%swap3A_614, %swap3A_615] {strides = array<i32>} : memref<16x16xf32, #tpu.memory_space<vmem>>, vector<16xf32>,
        tpu.vector_store %arg14[%swap3A_614, %swap3A_615], %add3A_612 {strides = array<i32>} : memref<16x16xf32, #tpu.memory_space<vmem>>, vector<16xf32>,
        %add3A_617 = arith.constant 9 : i32
        %add3A_618 = arith.addi %mul3A_34, %add3A_617 : i32
        %get3A_619 = arith.index_cast %add3A_618 : i32 to index
        %get3A_620 = arith.constant 0 : index
        %get3A_621 = tpu.vector_load %arg11[%get3A_619, %get3A_620] {strides = array<i32>} : memref<128x128xbf16, #tpu.memory_space<vmem>>, vector<32xbf16>,
        %get3A_622 = arith.index_cast %add3A_618 : i32 to index
        %get3A_623 = arith.constant 0 : index
        %get3A_624 = tpu.vector_load %arg13[%get3A_622, %get3A_623] {strides = array<i32>} : memref<128x128xbf16, #tpu.memory_space<vmem>>, vector<32xbf16>,
        %mul3A_625 = arith.mulf %get3A_621, %get3A_624 : vector<32xbf16>
        %get3A_626 = arith.index_cast %add3A_618 : i32 to index
        %get3A_627 = arith.constant 64 : index
        %get3A_628 = tpu.vector_load %arg12[%get3A_626, %get3A_627] {strides = array<i32>} : memref<128x128xbf16, #tpu.memory_space<vmem>>, vector<32xbf16>,
        %mul3A_629 = arith.mulf %mul3A_625, %get3A_628 : vector<32xbf16>
        %get3A_630 = arith.index_cast %add3A_618 : i32 to index
        %get3A_631 = arith.constant 0 : index
        %get3A_632 = tpu.vector_load %arg12[%get3A_630, %get3A_631] {strides = array<i32>} : memref<128x128xbf16, #tpu.memory_space<vmem>>, vector<32xbf16>,
        %get3A_633 = arith.index_cast %add3A_618 : i32 to index
        %get3A_634 = arith.constant 64 : index
        %get3A_635 = tpu.vector_load %arg13[%get3A_633, %get3A_634] {strides = array<i32>} : memref<128x128xbf16, #tpu.memory_space<vmem>>, vector<32xbf16>,
        %mul3A_636 = arith.mulf %get3A_632, %get3A_635 : vector<32xbf16>
        %get3A_637 = arith.index_cast %add3A_618 : i32 to index
        %get3A_638 = arith.constant 64 : index
        %get3A_639 = tpu.vector_load %arg11[%get3A_637, %get3A_638] {strides = array<i32>} : memref<128x128xbf16, #tpu.memory_space<vmem>>, vector<32xbf16>,
        %mul3A_640 = arith.mulf %mul3A_636, %get3A_639 : vector<32xbf16>
        %unpack3A_641 = tpu.unpack_subelements %mul3A_629, 0 {pack_format = #tpu.pack_format<interleaved>} : vector<32xbf16> -> vector<16xf32>
        %unpack3A_642 = tpu.unpack_subelements %mul3A_629, 1 {pack_format = #tpu.pack_format<interleaved>} : vector<32xbf16> -> vector<16xf32>
        %unpack3A_643 = tpu.unpack_subelements %mul3A_640, 0 {pack_format = #tpu.pack_format<interleaved>} : vector<32xbf16> -> vector<16xf32>
        %unpack3A_644 = tpu.unpack_subelements %mul3A_640, 1 {pack_format = #tpu.pack_format<interleaved>} : vector<32xbf16> -> vector<16xf32>
        %add3A_645 = arith.addf %unpack3A_641, %unpack3A_642 : vector<16xf32>
        %add3A_646 = arith.addf %unpack3A_643, %unpack3A_644 : vector<16xf32>
        %add3A_647 = arith.addf %add3A_645, %add3A_646 : vector<16xf32>
        %get3A_648 = arith.index_cast %add3A_618 : i32 to index
        %get3A_649 = arith.constant 32 : index
        %get3A_650 = tpu.vector_load %arg11[%get3A_648, %get3A_649] {strides = array<i32>} : memref<128x128xbf16, #tpu.memory_space<vmem>>, vector<32xbf16>,
        %get3A_651 = arith.index_cast %add3A_618 : i32 to index
        %get3A_652 = arith.constant 32 : index
        %get3A_653 = tpu.vector_load %arg13[%get3A_651, %get3A_652] {strides = array<i32>} : memref<128x128xbf16, #tpu.memory_space<vmem>>, vector<32xbf16>,
        %mul3A_654 = arith.mulf %get3A_650, %get3A_653 : vector<32xbf16>
        %get3A_655 = arith.index_cast %add3A_618 : i32 to index
        %get3A_656 = arith.constant 96 : index
        %get3A_657 = tpu.vector_load %arg12[%get3A_655, %get3A_656] {strides = array<i32>} : memref<128x128xbf16, #tpu.memory_space<vmem>>, vector<32xbf16>,
        %mul3A_658 = arith.mulf %mul3A_654, %get3A_657 : vector<32xbf16>
        %get3A_659 = arith.index_cast %add3A_618 : i32 to index
        %get3A_660 = arith.constant 32 : index
        %get3A_661 = tpu.vector_load %arg12[%get3A_659, %get3A_660] {strides = array<i32>} : memref<128x128xbf16, #tpu.memory_space<vmem>>, vector<32xbf16>,
        %get3A_662 = arith.index_cast %add3A_618 : i32 to index
        %get3A_663 = arith.constant 96 : index
        %get3A_664 = tpu.vector_load %arg13[%get3A_662, %get3A_663] {strides = array<i32>} : memref<128x128xbf16, #tpu.memory_space<vmem>>, vector<32xbf16>,
        %mul3A_665 = arith.mulf %get3A_661, %get3A_664 : vector<32xbf16>
        %get3A_666 = arith.index_cast %add3A_618 : i32 to index
        %get3A_667 = arith.constant 96 : index
        %get3A_668 = tpu.vector_load %arg11[%get3A_666, %get3A_667] {strides = array<i32>} : memref<128x128xbf16, #tpu.memory_space<vmem>>, vector<32xbf16>,
        %mul3A_669 = arith.mulf %mul3A_665, %get3A_668 : vector<32xbf16>
        %unpack3A_670 = tpu.unpack_subelements %mul3A_658, 0 {pack_format = #tpu.pack_format<interleaved>} : vector<32xbf16> -> vector<16xf32>
        %unpack3A_671 = tpu.unpack_subelements %mul3A_658, 1 {pack_format = #tpu.pack_format<interleaved>} : vector<32xbf16> -> vector<16xf32>
        %unpack3A_672 = tpu.unpack_subelements %mul3A_669, 0 {pack_format = #tpu.pack_format<interleaved>} : vector<32xbf16> -> vector<16xf32>
        %unpack3A_673 = tpu.unpack_subelements %mul3A_669, 1 {pack_format = #tpu.pack_format<interleaved>} : vector<32xbf16> -> vector<16xf32>
        %add3A_674 = arith.addf %unpack3A_670, %unpack3A_671 : vector<16xf32>
        %add3A_675 = arith.addf %unpack3A_672, %unpack3A_673 : vector<16xf32>
        %add3A_676 = arith.addf %add3A_674, %add3A_675 : vector<16xf32>
        %add3A_677 = arith.addf %add3A_647, %add3A_676 : vector<16xf32>
        %swap3A_678 = arith.constant 9 : i32
        %swap3A_679 = arith.index_cast %swap3A_678 : i32 to index
        %swap3A_680 = arith.constant 0 : index
        %swap3A_681 = tpu.vector_load %arg14[%swap3A_679, %swap3A_680] {strides = array<i32>} : memref<16x16xf32, #tpu.memory_space<vmem>>, vector<16xf32>,
        tpu.vector_store %arg14[%swap3A_679, %swap3A_680], %add3A_677 {strides = array<i32>} : memref<16x16xf32, #tpu.memory_space<vmem>>, vector<16xf32>,
        %add3A_682 = arith.constant 10 : i32
        %add3A_683 = arith.addi %mul3A_34, %add3A_682 : i32
        %get3A_684 = arith.index_cast %add3A_683 : i32 to index
        %get3A_685 = arith.constant 0 : index
        %get3A_686 = tpu.vector_load %arg11[%get3A_684, %get3A_685] {strides = array<i32>} : memref<128x128xbf16, #tpu.memory_space<vmem>>, vector<32xbf16>,
        %get3A_687 = arith.index_cast %add3A_683 : i32 to index
        %get3A_688 = arith.constant 0 : index
        %get3A_689 = tpu.vector_load %arg13[%get3A_687, %get3A_688] {strides = array<i32>} : memref<128x128xbf16, #tpu.memory_space<vmem>>, vector<32xbf16>,
        %mul3A_690 = arith.mulf %get3A_686, %get3A_689 : vector<32xbf16>
        %get3A_691 = arith.index_cast %add3A_683 : i32 to index
        %get3A_692 = arith.constant 64 : index
        %get3A_693 = tpu.vector_load %arg12[%get3A_691, %get3A_692] {strides = array<i32>} : memref<128x128xbf16, #tpu.memory_space<vmem>>, vector<32xbf16>,
        %mul3A_694 = arith.mulf %mul3A_690, %get3A_693 : vector<32xbf16>
        %get3A_695 = arith.index_cast %add3A_683 : i32 to index
        %get3A_696 = arith.constant 0 : index
        %get3A_697 = tpu.vector_load %arg12[%get3A_695, %get3A_696] {strides = array<i32>} : memref<128x128xbf16, #tpu.memory_space<vmem>>, vector<32xbf16>,
        %get3A_698 = arith.index_cast %add3A_683 : i32 to index
        %get3A_699 = arith.constant 64 : index
        %get3A_700 = tpu.vector_load %arg13[%get3A_698, %get3A_699] {strides = array<i32>} : memref<128x128xbf16, #tpu.memory_space<vmem>>, vector<32xbf16>,
        %mul3A_701 = arith.mulf %get3A_697, %get3A_700 : vector<32xbf16>
        %get3A_702 = arith.index_cast %add3A_683 : i32 to index
        %get3A_703 = arith.constant 64 : index
        %get3A_704 = tpu.vector_load %arg11[%get3A_702, %get3A_703] {strides = array<i32>} : memref<128x128xbf16, #tpu.memory_space<vmem>>, vector<32xbf16>,
        %mul3A_705 = arith.mulf %mul3A_701, %get3A_704 : vector<32xbf16>
        %unpack3A_706 = tpu.unpack_subelements %mul3A_694, 0 {pack_format = #tpu.pack_format<interleaved>} : vector<32xbf16> -> vector<16xf32>
        %unpack3A_707 = tpu.unpack_subelements %mul3A_694, 1 {pack_format = #tpu.pack_format<interleaved>} : vector<32xbf16> -> vector<16xf32>
        %unpack3A_708 = tpu.unpack_subelements %mul3A_705, 0 {pack_format = #tpu.pack_format<interleaved>} : vector<32xbf16> -> vector<16xf32>
        %unpack3A_709 = tpu.unpack_subelements %mul3A_705, 1 {pack_format = #tpu.pack_format<interleaved>} : vector<32xbf16> -> vector<16xf32>
        %add3A_710 = arith.addf %unpack3A_706, %unpack3A_707 : vector<16xf32>
        %add3A_711 = arith.addf %unpack3A_708, %unpack3A_709 : vector<16xf32>
        %add3A_712 = arith.addf %add3A_710, %add3A_711 : vector<16xf32>
        %get3A_713 = arith.index_cast %add3A_683 : i32 to index
        %get3A_714 = arith.constant 32 : index
        %get3A_715 = tpu.vector_load %arg11[%get3A_713, %get3A_714] {strides = array<i32>} : memref<128x128xbf16, #tpu.memory_space<vmem>>, vector<32xbf16>,
        %get3A_716 = arith.index_cast %add3A_683 : i32 to index
        %get3A_717 = arith.constant 32 : index
        %get3A_718 = tpu.vector_load %arg13[%get3A_716, %get3A_717] {strides = array<i32>} : memref<128x128xbf16, #tpu.memory_space<vmem>>, vector<32xbf16>,
        %mul3A_719 = arith.mulf %get3A_715, %get3A_718 : vector<32xbf16>
        %get3A_720 = arith.index_cast %add3A_683 : i32 to index
        %get3A_721 = arith.constant 96 : index
        %get3A_722 = tpu.vector_load %arg12[%get3A_720, %get3A_721] {strides = array<i32>} : memref<128x128xbf16, #tpu.memory_space<vmem>>, vector<32xbf16>,
        %mul3A_723 = arith.mulf %mul3A_719, %get3A_722 : vector<32xbf16>
        %get3A_724 = arith.index_cast %add3A_683 : i32 to index
        %get3A_725 = arith.constant 32 : index
        %get3A_726 = tpu.vector_load %arg12[%get3A_724, %get3A_725] {strides = array<i32>} : memref<128x128xbf16, #tpu.memory_space<vmem>>, vector<32xbf16>,
        %get3A_727 = arith.index_cast %add3A_683 : i32 to index
        %get3A_728 = arith.constant 96 : index
        %get3A_729 = tpu.vector_load %arg13[%get3A_727, %get3A_728] {strides = array<i32>} : memref<128x128xbf16, #tpu.memory_space<vmem>>, vector<32xbf16>,
        %mul3A_730 = arith.mulf %get3A_726, %get3A_729 : vector<32xbf16>
        %get3A_731 = arith.index_cast %add3A_683 : i32 to index
        %get3A_732 = arith.constant 96 : index
        %get3A_733 = tpu.vector_load %arg11[%get3A_731, %get3A_732] {strides = array<i32>} : memref<128x128xbf16, #tpu.memory_space<vmem>>, vector<32xbf16>,
        %mul3A_734 = arith.mulf %mul3A_730, %get3A_733 : vector<32xbf16>
        %unpack3A_735 = tpu.unpack_subelements %mul3A_723, 0 {pack_format = #tpu.pack_format<interleaved>} : vector<32xbf16> -> vector<16xf32>
        %unpack3A_736 = tpu.unpack_subelements %mul3A_723, 1 {pack_format = #tpu.pack_format<interleaved>} : vector<32xbf16> -> vector<16xf32>
        %unpack3A_737 = tpu.unpack_subelements %mul3A_734, 0 {pack_format = #tpu.pack_format<interleaved>} : vector<32xbf16> -> vector<16xf32>
        %unpack3A_738 = tpu.unpack_subelements %mul3A_734, 1 {pack_format = #tpu.pack_format<interleaved>} : vector<32xbf16> -> vector<16xf32>
        %add3A_739 = arith.addf %unpack3A_735, %unpack3A_736 : vector<16xf32>
        %add3A_740 = arith.addf %unpack3A_737, %unpack3A_738 : vector<16xf32>
        %add3A_741 = arith.addf %add3A_739, %add3A_740 : vector<16xf32>
        %add3A_742 = arith.addf %add3A_712, %add3A_741 : vector<16xf32>
        %swap3A_743 = arith.constant 10 : i32
        %swap3A_744 = arith.index_cast %swap3A_743 : i32 to index
        %swap3A_745 = arith.constant 0 : index
        %swap3A_746 = tpu.vector_load %arg14[%swap3A_744, %swap3A_745] {strides = array<i32>} : memref<16x16xf32, #tpu.memory_space<vmem>>, vector<16xf32>,
        tpu.vector_store %arg14[%swap3A_744, %swap3A_745], %add3A_742 {strides = array<i32>} : memref<16x16xf32, #tpu.memory_space<vmem>>, vector<16xf32>,
        %add3A_747 = arith.constant 11 : i32
        %add3A_748 = arith.addi %mul3A_34, %add3A_747 : i32
        %get3A_749 = arith.index_cast %add3A_748 : i32 to index
        %get3A_750 = arith.constant 0 : index
        %get3A_751 = tpu.vector_load %arg11[%get3A_749, %get3A_750] {strides = array<i32>} : memref<128x128xbf16, #tpu.memory_space<vmem>>, vector<32xbf16>,
        %get3A_752 = arith.index_cast %add3A_748 : i32 to index
        %get3A_753 = arith.constant 0 : index
        %get3A_754 = tpu.vector_load %arg13[%get3A_752, %get3A_753] {strides = array<i32>} : memref<128x128xbf16, #tpu.memory_space<vmem>>, vector<32xbf16>,
        %mul3A_755 = arith.mulf %get3A_751, %get3A_754 : vector<32xbf16>
        %get3A_756 = arith.index_cast %add3A_748 : i32 to index
        %get3A_757 = arith.constant 64 : index
        %get3A_758 = tpu.vector_load %arg12[%get3A_756, %get3A_757] {strides = array<i32>} : memref<128x128xbf16, #tpu.memory_space<vmem>>, vector<32xbf16>,
        %mul3A_759 = arith.mulf %mul3A_755, %get3A_758 : vector<32xbf16>
        %get3A_760 = arith.index_cast %add3A_748 : i32 to index
        %get3A_761 = arith.constant 0 : index
        %get3A_762 = tpu.vector_load %arg12[%get3A_760, %get3A_761] {strides = array<i32>} : memref<128x128xbf16, #tpu.memory_space<vmem>>, vector<32xbf16>,
        %get3A_763 = arith.index_cast %add3A_748 : i32 to index
        %get3A_764 = arith.constant 64 : index
        %get3A_765 = tpu.vector_load %arg13[%get3A_763, %get3A_764] {strides = array<i32>} : memref<128x128xbf16, #tpu.memory_space<vmem>>, vector<32xbf16>,
        %mul3A_766 = arith.mulf %get3A_762, %get3A_765 : vector<32xbf16>
        %get3A_767 = arith.index_cast %add3A_748 : i32 to index
        %get3A_768 = arith.constant 64 : index
        %get3A_769 = tpu.vector_load %arg11[%get3A_767, %get3A_768] {strides = array<i32>} : memref<128x128xbf16, #tpu.memory_space<vmem>>, vector<32xbf16>,
        %mul3A_770 = arith.mulf %mul3A_766, %get3A_769 : vector<32xbf16>
        %unpack3A_771 = tpu.unpack_subelements %mul3A_759, 0 {pack_format = #tpu.pack_format<interleaved>} : vector<32xbf16> -> vector<16xf32>
        %unpack3A_772 = tpu.unpack_subelements %mul3A_759, 1 {pack_format = #tpu.pack_format<interleaved>} : vector<32xbf16> -> vector<16xf32>
        %unpack3A_773 = tpu.unpack_subelements %mul3A_770, 0 {pack_format = #tpu.pack_format<interleaved>} : vector<32xbf16> -> vector<16xf32>
        %unpack3A_774 = tpu.unpack_subelements %mul3A_770, 1 {pack_format = #tpu.pack_format<interleaved>} : vector<32xbf16> -> vector<16xf32>
        %add3A_775 = arith.addf %unpack3A_771, %unpack3A_772 : vector<16xf32>
        %add3A_776 = arith.addf %unpack3A_773, %unpack3A_774 : vector<16xf32>
        %add3A_777 = arith.addf %add3A_775, %add3A_776 : vector<16xf32>
        %get3A_778 = arith.index_cast %add3A_748 : i32 to index
        %get3A_779 = arith.constant 32 : index
        %get3A_780 = tpu.vector_load %arg11[%get3A_778, %get3A_779] {strides = array<i32>} : memref<128x128xbf16, #tpu.memory_space<vmem>>, vector<32xbf16>,
        %get3A_781 = arith.index_cast %add3A_748 : i32 to index
        %get3A_782 = arith.constant 32 : index
        %get3A_783 = tpu.vector_load %arg13[%get3A_781, %get3A_782] {strides = array<i32>} : memref<128x128xbf16, #tpu.memory_space<vmem>>, vector<32xbf16>,
        %mul3A_784 = arith.mulf %get3A_780, %get3A_783 : vector<32xbf16>
        %get3A_785 = arith.index_cast %add3A_748 : i32 to index
        %get3A_786 = arith.constant 96 : index
        %get3A_787 = tpu.vector_load %arg12[%get3A_785, %get3A_786] {strides = array<i32>} : memref<128x128xbf16, #tpu.memory_space<vmem>>, vector<32xbf16>,
        %mul3A_788 = arith.mulf %mul3A_784, %get3A_787 : vector<32xbf16>
        %get3A_789 = arith.index_cast %add3A_748 : i32 to index
        %get3A_790 = arith.constant 32 : index
        %get3A_791 = tpu.vector_load %arg12[%get3A_789, %get3A_790] {strides = array<i32>} : memref<128x128xbf16, #tpu.memory_space<vmem>>, vector<32xbf16>,
        %get3A_792 = arith.index_cast %add3A_748 : i32 to index
        %get3A_793 = arith.constant 96 : index
        %get3A_794 = tpu.vector_load %arg13[%get3A_792, %get3A_793] {strides = array<i32>} : memref<128x128xbf16, #tpu.memory_space<vmem>>, vector<32xbf16>,
        %mul3A_795 = arith.mulf %get3A_791, %get3A_794 : vector<32xbf16>
        %get3A_796 = arith.index_cast %add3A_748 : i32 to index
        %get3A_797 = arith.constant 96 : index
        %get3A_798 = tpu.vector_load %arg11[%get3A_796, %get3A_797] {strides = array<i32>} : memref<128x128xbf16, #tpu.memory_space<vmem>>, vector<32xbf16>,
        %mul3A_799 = arith.mulf %mul3A_795, %get3A_798 : vector<32xbf16>
        %unpack3A_800 = tpu.unpack_subelements %mul3A_788, 0 {pack_format = #tpu.pack_format<interleaved>} : vector<32xbf16> -> vector<16xf32>
        %unpack3A_801 = tpu.unpack_subelements %mul3A_788, 1 {pack_format = #tpu.pack_format<interleaved>} : vector<32xbf16> -> vector<16xf32>
        %unpack3A_802 = tpu.unpack_subelements %mul3A_799, 0 {pack_format = #tpu.pack_format<interleaved>} : vector<32xbf16> -> vector<16xf32>
        %unpack3A_803 = tpu.unpack_subelements %mul3A_799, 1 {pack_format = #tpu.pack_format<interleaved>} : vector<32xbf16> -> vector<16xf32>
        %add3A_804 = arith.addf %unpack3A_800, %unpack3A_801 : vector<16xf32>
        %add3A_805 = arith.addf %unpack3A_802, %unpack3A_803 : vector<16xf32>
        %add3A_806 = arith.addf %add3A_804, %add3A_805 : vector<16xf32>
        %add3A_807 = arith.addf %add3A_777, %add3A_806 : vector<16xf32>
        %swap3A_808 = arith.constant 11 : i32
        %swap3A_809 = arith.index_cast %swap3A_808 : i32 to index
        %swap3A_810 = arith.constant 0 : index
        %swap3A_811 = tpu.vector_load %arg14[%swap3A_809, %swap3A_810] {strides = array<i32>} : memref<16x16xf32, #tpu.memory_space<vmem>>, vector<16xf32>,
        tpu.vector_store %arg14[%swap3A_809, %swap3A_810], %add3A_807 {strides = array<i32>} : memref<16x16xf32, #tpu.memory_space<vmem>>, vector<16xf32>,
        %add3A_812 = arith.constant 12 : i32
        %add3A_813 = arith.addi %mul3A_34, %add3A_812 : i32
        %get3A_814 = arith.index_cast %add3A_813 : i32 to index
        %get3A_815 = arith.constant 0 : index
        %get3A_816 = tpu.vector_load %arg11[%get3A_814, %get3A_815] {strides = array<i32>} : memref<128x128xbf16, #tpu.memory_space<vmem>>, vector<32xbf16>,
        %get3A_817 = arith.index_cast %add3A_813 : i32 to index
        %get3A_818 = arith.constant 0 : index
        %get3A_819 = tpu.vector_load %arg13[%get3A_817, %get3A_818] {strides = array<i32>} : memref<128x128xbf16, #tpu.memory_space<vmem>>, vector<32xbf16>,
        %mul3A_820 = arith.mulf %get3A_816, %get3A_819 : vector<32xbf16>
        %get3A_821 = arith.index_cast %add3A_813 : i32 to index
        %get3A_822 = arith.constant 64 : index
        %get3A_823 = tpu.vector_load %arg12[%get3A_821, %get3A_822] {strides = array<i32>} : memref<128x128xbf16, #tpu.memory_space<vmem>>, vector<32xbf16>,
        %mul3A_824 = arith.mulf %mul3A_820, %get3A_823 : vector<32xbf16>
        %get3A_825 = arith.index_cast %add3A_813 : i32 to index
        %get3A_826 = arith.constant 0 : index
        %get3A_827 = tpu.vector_load %arg12[%get3A_825, %get3A_826] {strides = array<i32>} : memref<128x128xbf16, #tpu.memory_space<vmem>>, vector<32xbf16>,
        %get3A_828 = arith.index_cast %add3A_813 : i32 to index
        %get3A_829 = arith.constant 64 : index
        %get3A_830 = tpu.vector_load %arg13[%get3A_828, %get3A_829] {strides = array<i32>} : memref<128x128xbf16, #tpu.memory_space<vmem>>, vector<32xbf16>,
        %mul3A_831 = arith.mulf %get3A_827, %get3A_830 : vector<32xbf16>
        %get3A_832 = arith.index_cast %add3A_813 : i32 to index
        %get3A_833 = arith.constant 64 : index
        %get3A_834 = tpu.vector_load %arg11[%get3A_832, %get3A_833] {strides = array<i32>} : memref<128x128xbf16, #tpu.memory_space<vmem>>, vector<32xbf16>,
        %mul3A_835 = arith.mulf %mul3A_831, %get3A_834 : vector<32xbf16>
        %unpack3A_836 = tpu.unpack_subelements %mul3A_824, 0 {pack_format = #tpu.pack_format<interleaved>} : vector<32xbf16> -> vector<16xf32>
        %unpack3A_837 = tpu.unpack_subelements %mul3A_824, 1 {pack_format = #tpu.pack_format<interleaved>} : vector<32xbf16> -> vector<16xf32>
        %unpack3A_838 = tpu.unpack_subelements %mul3A_835, 0 {pack_format = #tpu.pack_format<interleaved>} : vector<32xbf16> -> vector<16xf32>
        %unpack3A_839 = tpu.unpack_subelements %mul3A_835, 1 {pack_format = #tpu.pack_format<interleaved>} : vector<32xbf16> -> vector<16xf32>
        %add3A_840 = arith.addf %unpack3A_836, %unpack3A_837 : vector<16xf32>
        %add3A_841 = arith.addf %unpack3A_838, %unpack3A_839 : vector<16xf32>
        %add3A_842 = arith.addf %add3A_840, %add3A_841 : vector<16xf32>
        %get3A_843 = arith.index_cast %add3A_813 : i32 to index
        %get3A_844 = arith.constant 32 : index
        %get3A_845 = tpu.vector_load %arg11[%get3A_843, %get3A_844] {strides = array<i32>} : memref<128x128xbf16, #tpu.memory_space<vmem>>, vector<32xbf16>,
        %get3A_846 = arith.index_cast %add3A_813 : i32 to index
        %get3A_847 = arith.constant 32 : index
        %get3A_848 = tpu.vector_load %arg13[%get3A_846, %get3A_847] {strides = array<i32>} : memref<128x128xbf16, #tpu.memory_space<vmem>>, vector<32xbf16>,
        %mul3A_849 = arith.mulf %get3A_845, %get3A_848 : vector<32xbf16>
        %get3A_850 = arith.index_cast %add3A_813 : i32 to index
        %get3A_851 = arith.constant 96 : index
        %get3A_852 = tpu.vector_load %arg12[%get3A_850, %get3A_851] {strides = array<i32>} : memref<128x128xbf16, #tpu.memory_space<vmem>>, vector<32xbf16>,
        %mul3A_853 = arith.mulf %mul3A_849, %get3A_852 : vector<32xbf16>
        %get3A_854 = arith.index_cast %add3A_813 : i32 to index
        %get3A_855 = arith.constant 32 : index
        %get3A_856 = tpu.vector_load %arg12[%get3A_854, %get3A_855] {strides = array<i32>} : memref<128x128xbf16, #tpu.memory_space<vmem>>, vector<32xbf16>,
        %get3A_857 = arith.index_cast %add3A_813 : i32 to index
        %get3A_858 = arith.constant 96 : index
        %get3A_859 = tpu.vector_load %arg13[%get3A_857, %get3A_858] {strides = array<i32>} : memref<128x128xbf16, #tpu.memory_space<vmem>>, vector<32xbf16>,
        %mul3A_860 = arith.mulf %get3A_856, %get3A_859 : vector<32xbf16>
        %get3A_861 = arith.index_cast %add3A_813 : i32 to index
        %get3A_862 = arith.constant 96 : index
        %get3A_863 = tpu.vector_load %arg11[%get3A_861, %get3A_862] {strides = array<i32>} : memref<128x128xbf16, #tpu.memory_space<vmem>>, vector<32xbf16>,
        %mul3A_864 = arith.mulf %mul3A_860, %get3A_863 : vector<32xbf16>
        %unpack3A_865 = tpu.unpack_subelements %mul3A_853, 0 {pack_format = #tpu.pack_format<interleaved>} : vector<32xbf16> -> vector<16xf32>
        %unpack3A_866 = tpu.unpack_subelements %mul3A_853, 1 {pack_format = #tpu.pack_format<interleaved>} : vector<32xbf16> -> vector<16xf32>
        %unpack3A_867 = tpu.unpack_subelements %mul3A_864, 0 {pack_format = #tpu.pack_format<interleaved>} : vector<32xbf16> -> vector<16xf32>
        %unpack3A_868 = tpu.unpack_subelements %mul3A_864, 1 {pack_format = #tpu.pack_format<interleaved>} : vector<32xbf16> -> vector<16xf32>
        %add3A_869 = arith.addf %unpack3A_865, %unpack3A_866 : vector<16xf32>
        %add3A_870 = arith.addf %unpack3A_867, %unpack3A_868 : vector<16xf32>
        %add3A_871 = arith.addf %add3A_869, %add3A_870 : vector<16xf32>
        %add3A_872 = arith.addf %add3A_842, %add3A_871 : vector<16xf32>
        %swap3A_873 = arith.constant 12 : i32
        %swap3A_874 = arith.index_cast %swap3A_873 : i32 to index
        %swap3A_875 = arith.constant 0 : index
        %swap3A_876 = tpu.vector_load %arg14[%swap3A_874, %swap3A_875] {strides = array<i32>} : memref<16x16xf32, #tpu.memory_space<vmem>>, vector<16xf32>,
        tpu.vector_store %arg14[%swap3A_874, %swap3A_875], %add3A_872 {strides = array<i32>} : memref<16x16xf32, #tpu.memory_space<vmem>>, vector<16xf32>,
        %add3A_877 = arith.constant 13 : i32
        %add3A_878 = arith.addi %mul3A_34, %add3A_877 : i32
        %get3A_879 = arith.index_cast %add3A_878 : i32 to index
        %get3A_880 = arith.constant 0 : index
        %get3A_881 = tpu.vector_load %arg11[%get3A_879, %get3A_880] {strides = array<i32>} : memref<128x128xbf16, #tpu.memory_space<vmem>>, vector<32xbf16>,
        %get3A_882 = arith.index_cast %add3A_878 : i32 to index
        %get3A_883 = arith.constant 0 : index
        %get3A_884 = tpu.vector_load %arg13[%get3A_882, %get3A_883] {strides = array<i32>} : memref<128x128xbf16, #tpu.memory_space<vmem>>, vector<32xbf16>,
        %mul3A_885 = arith.mulf %get3A_881, %get3A_884 : vector<32xbf16>
        %get3A_886 = arith.index_cast %add3A_878 : i32 to index
        %get3A_887 = arith.constant 64 : index
        %get3A_888 = tpu.vector_load %arg12[%get3A_886, %get3A_887] {strides = array<i32>} : memref<128x128xbf16, #tpu.memory_space<vmem>>, vector<32xbf16>,
        %mul3A_889 = arith.mulf %mul3A_885, %get3A_888 : vector<32xbf16>
        %get3A_890 = arith.index_cast %add3A_878 : i32 to index
        %get3A_891 = arith.constant 0 : index
        %get3A_892 = tpu.vector_load %arg12[%get3A_890, %get3A_891] {strides = array<i32>} : memref<128x128xbf16, #tpu.memory_space<vmem>>, vector<32xbf16>,
        %get3A_893 = arith.index_cast %add3A_878 : i32 to index
        %get3A_894 = arith.constant 64 : index
        %get3A_895 = tpu.vector_load %arg13[%get3A_893, %get3A_894] {strides = array<i32>} : memref<128x128xbf16, #tpu.memory_space<vmem>>, vector<32xbf16>,
        %mul3A_896 = arith.mulf %get3A_892, %get3A_895 : vector<32xbf16>
        %get3A_897 = arith.index_cast %add3A_878 : i32 to index
        %get3A_898 = arith.constant 64 : index
        %get3A_899 = tpu.vector_load %arg11[%get3A_897, %get3A_898] {strides = array<i32>} : memref<128x128xbf16, #tpu.memory_space<vmem>>, vector<32xbf16>,
        %mul3A_900 = arith.mulf %mul3A_896, %get3A_899 : vector<32xbf16>
        %unpack3A_901 = tpu.unpack_subelements %mul3A_889, 0 {pack_format = #tpu.pack_format<interleaved>} : vector<32xbf16> -> vector<16xf32>
        %unpack3A_902 = tpu.unpack_subelements %mul3A_889, 1 {pack_format = #tpu.pack_format<interleaved>} : vector<32xbf16> -> vector<16xf32>
        %unpack3A_903 = tpu.unpack_subelements %mul3A_900, 0 {pack_format = #tpu.pack_format<interleaved>} : vector<32xbf16> -> vector<16xf32>
        %unpack3A_904 = tpu.unpack_subelements %mul3A_900, 1 {pack_format = #tpu.pack_format<interleaved>} : vector<32xbf16> -> vector<16xf32>
        %add3A_905 = arith.addf %unpack3A_901, %unpack3A_902 : vector<16xf32>
        %add3A_906 = arith.addf %unpack3A_903, %unpack3A_904 : vector<16xf32>
        %add3A_907 = arith.addf %add3A_905, %add3A_906 : vector<16xf32>
        %get3A_908 = arith.index_cast %add3A_878 : i32 to index
        %get3A_909 = arith.constant 32 : index
        %get3A_910 = tpu.vector_load %arg11[%get3A_908, %get3A_909] {strides = array<i32>} : memref<128x128xbf16, #tpu.memory_space<vmem>>, vector<32xbf16>,
        %get3A_911 = arith.index_cast %add3A_878 : i32 to index
        %get3A_912 = arith.constant 32 : index
        %get3A_913 = tpu.vector_load %arg13[%get3A_911, %get3A_912] {strides = array<i32>} : memref<128x128xbf16, #tpu.memory_space<vmem>>, vector<32xbf16>,
        %mul3A_914 = arith.mulf %get3A_910, %get3A_913 : vector<32xbf16>
        %get3A_915 = arith.index_cast %add3A_878 : i32 to index
        %get3A_916 = arith.constant 96 : index
        %get3A_917 = tpu.vector_load %arg12[%get3A_915, %get3A_916] {strides = array<i32>} : memref<128x128xbf16, #tpu.memory_space<vmem>>, vector<32xbf16>,
        %mul3A_918 = arith.mulf %mul3A_914, %get3A_917 : vector<32xbf16>
        %get3A_919 = arith.index_cast %add3A_878 : i32 to index
        %get3A_920 = arith.constant 32 : index
        %get3A_921 = tpu.vector_load %arg12[%get3A_919, %get3A_920] {strides = array<i32>} : memref<128x128xbf16, #tpu.memory_space<vmem>>, vector<32xbf16>,
        %get3A_922 = arith.index_cast %add3A_878 : i32 to index
        %get3A_923 = arith.constant 96 : index
        %get3A_924 = tpu.vector_load %arg13[%get3A_922, %get3A_923] {strides = array<i32>} : memref<128x128xbf16, #tpu.memory_space<vmem>>, vector<32xbf16>,
        %mul3A_925 = arith.mulf %get3A_921, %get3A_924 : vector<32xbf16>
        %get3A_926 = arith.index_cast %add3A_878 : i32 to index
        %get3A_927 = arith.constant 96 : index
        %get3A_928 = tpu.vector_load %arg11[%get3A_926, %get3A_927] {strides = array<i32>} : memref<128x128xbf16, #tpu.memory_space<vmem>>, vector<32xbf16>,
        %mul3A_929 = arith.mulf %mul3A_925, %get3A_928 : vector<32xbf16>
        %unpack3A_930 = tpu.unpack_subelements %mul3A_918, 0 {pack_format = #tpu.pack_format<interleaved>} : vector<32xbf16> -> vector<16xf32>
        %unpack3A_931 = tpu.unpack_subelements %mul3A_918, 1 {pack_format = #tpu.pack_format<interleaved>} : vector<32xbf16> -> vector<16xf32>
        %unpack3A_932 = tpu.unpack_subelements %mul3A_929, 0 {pack_format = #tpu.pack_format<interleaved>} : vector<32xbf16> -> vector<16xf32>
        %unpack3A_933 = tpu.unpack_subelements %mul3A_929, 1 {pack_format = #tpu.pack_format<interleaved>} : vector<32xbf16> -> vector<16xf32>
        %add3A_934 = arith.addf %unpack3A_930, %unpack3A_931 : vector<16xf32>
        %add3A_935 = arith.addf %unpack3A_932, %unpack3A_933 : vector<16xf32>
        %add3A_936 = arith.addf %add3A_934, %add3A_935 : vector<16xf32>
        %add3A_937 = arith.addf %add3A_907, %add3A_936 : vector<16xf32>
        %swap3A_938 = arith.constant 13 : i32
        %swap3A_939 = arith.index_cast %swap3A_938 : i32 to index
        %swap3A_940 = arith.constant 0 : index
        %swap3A_941 = tpu.vector_load %arg14[%swap3A_939, %swap3A_940] {strides = array<i32>} : memref<16x16xf32, #tpu.memory_space<vmem>>, vector<16xf32>,
        tpu.vector_store %arg14[%swap3A_939, %swap3A_940], %add3A_937 {strides = array<i32>} : memref<16x16xf32, #tpu.memory_space<vmem>>, vector<16xf32>,
        %add3A_942 = arith.constant 14 : i32
        %add3A_943 = arith.addi %mul3A_34, %add3A_942 : i32
        %get3A_944 = arith.index_cast %add3A_943 : i32 to index
        %get3A_945 = arith.constant 0 : index
        %get3A_946 = tpu.vector_load %arg11[%get3A_944, %get3A_945] {strides = array<i32>} : memref<128x128xbf16, #tpu.memory_space<vmem>>, vector<32xbf16>,
        %get3A_947 = arith.index_cast %add3A_943 : i32 to index
        %get3A_948 = arith.constant 0 : index
        %get3A_949 = tpu.vector_load %arg13[%get3A_947, %get3A_948] {strides = array<i32>} : memref<128x128xbf16, #tpu.memory_space<vmem>>, vector<32xbf16>,
        %mul3A_950 = arith.mulf %get3A_946, %get3A_949 : vector<32xbf16>
        %get3A_951 = arith.index_cast %add3A_943 : i32 to index
        %get3A_952 = arith.constant 64 : index
        %get3A_953 = tpu.vector_load %arg12[%get3A_951, %get3A_952] {strides = array<i32>} : memref<128x128xbf16, #tpu.memory_space<vmem>>, vector<32xbf16>,
        %mul3A_954 = arith.mulf %mul3A_950, %get3A_953 : vector<32xbf16>
        %get3A_955 = arith.index_cast %add3A_943 : i32 to index
        %get3A_956 = arith.constant 0 : index
        %get3A_957 = tpu.vector_load %arg12[%get3A_955, %get3A_956] {strides = array<i32>} : memref<128x128xbf16, #tpu.memory_space<vmem>>, vector<32xbf16>,
        %get3A_958 = arith.index_cast %add3A_943 : i32 to index
        %get3A_959 = arith.constant 64 : index
        %get3A_960 = tpu.vector_load %arg13[%get3A_958, %get3A_959] {strides = array<i32>} : memref<128x128xbf16, #tpu.memory_space<vmem>>, vector<32xbf16>,
        %mul3A_961 = arith.mulf %get3A_957, %get3A_960 : vector<32xbf16>
        %get3A_962 = arith.index_cast %add3A_943 : i32 to index
        %get3A_963 = arith.constant 64 : index
        %get3A_964 = tpu.vector_load %arg11[%get3A_962, %get3A_963] {strides = array<i32>} : memref<128x128xbf16, #tpu.memory_space<vmem>>, vector<32xbf16>,
        %mul3A_965 = arith.mulf %mul3A_961, %get3A_964 : vector<32xbf16>
        %unpack3A_966 = tpu.unpack_subelements %mul3A_954, 0 {pack_format = #tpu.pack_format<interleaved>} : vector<32xbf16> -> vector<16xf32>
        %unpack3A_967 = tpu.unpack_subelements %mul3A_954, 1 {pack_format = #tpu.pack_format<interleaved>} : vector<32xbf16> -> vector<16xf32>
        %unpack3A_968 = tpu.unpack_subelements %mul3A_965, 0 {pack_format = #tpu.pack_format<interleaved>} : vector<32xbf16> -> vector<16xf32>
        %unpack3A_969 = tpu.unpack_subelements %mul3A_965, 1 {pack_format = #tpu.pack_format<interleaved>} : vector<32xbf16> -> vector<16xf32>
        %add3A_970 = arith.addf %unpack3A_966, %unpack3A_967 : vector<16xf32>
        %add3A_971 = arith.addf %unpack3A_968, %unpack3A_969 : vector<16xf32>
        %add3A_972 = arith.addf %add3A_970, %add3A_971 : vector<16xf32>
        %get3A_973 = arith.index_cast %add3A_943 : i32 to index
        %get3A_974 = arith.constant 32 : index
        %get3A_975 = tpu.vector_load %arg11[%get3A_973, %get3A_974] {strides = array<i32>} : memref<128x128xbf16, #tpu.memory_space<vmem>>, vector<32xbf16>,
        %get3A_976 = arith.index_cast %add3A_943 : i32 to index
        %get3A_977 = arith.constant 32 : index
        %get3A_978 = tpu.vector_load %arg13[%get3A_976, %get3A_977] {strides = array<i32>} : memref<128x128xbf16, #tpu.memory_space<vmem>>, vector<32xbf16>,
        %mul3A_979 = arith.mulf %get3A_975, %get3A_978 : vector<32xbf16>
        %get3A_980 = arith.index_cast %add3A_943 : i32 to index
        %get3A_981 = arith.constant 96 : index
        %get3A_982 = tpu.vector_load %arg12[%get3A_980, %get3A_981] {strides = array<i32>} : memref<128x128xbf16, #tpu.memory_space<vmem>>, vector<32xbf16>,
        %mul3A_983 = arith.mulf %mul3A_979, %get3A_982 : vector<32xbf16>
        %get3A_984 = arith.index_cast %add3A_943 : i32 to index
        %get3A_985 = arith.constant 32 : index
        %get3A_986 = tpu.vector_load %arg12[%get3A_984, %get3A_985] {strides = array<i32>} : memref<128x128xbf16, #tpu.memory_space<vmem>>, vector<32xbf16>,
        %get3A_987 = arith.index_cast %add3A_943 : i32 to index
        %get3A_988 = arith.constant 96 : index
        %get3A_989 = tpu.vector_load %arg13[%get3A_987, %get3A_988] {strides = array<i32>} : memref<128x128xbf16, #tpu.memory_space<vmem>>, vector<32xbf16>,
        %mul3A_990 = arith.mulf %get3A_986, %get3A_989 : vector<32xbf16>
        %get3A_991 = arith.index_cast %add3A_943 : i32 to index
        %get3A_992 = arith.constant 96 : index
        %get3A_993 = tpu.vector_load %arg11[%get3A_991, %get3A_992] {strides = array<i32>} : memref<128x128xbf16, #tpu.memory_space<vmem>>, vector<32xbf16>,
        %mul3A_994 = arith.mulf %mul3A_990, %get3A_993 : vector<32xbf16>
        %unpack3A_995 = tpu.unpack_subelements %mul3A_983, 0 {pack_format = #tpu.pack_format<interleaved>} : vector<32xbf16> -> vector<16xf32>
        %unpack3A_996 = tpu.unpack_subelements %mul3A_983, 1 {pack_format = #tpu.pack_format<interleaved>} : vector<32xbf16> -> vector<16xf32>
        %unpack3A_997 = tpu.unpack_subelements %mul3A_994, 0 {pack_format = #tpu.pack_format<interleaved>} : vector<32xbf16> -> vector<16xf32>
        %unpack3A_998 = tpu.unpack_subelements %mul3A_994, 1 {pack_format = #tpu.pack_format<interleaved>} : vector<32xbf16> -> vector<16xf32>
        %add3A_999 = arith.addf %unpack3A_995, %unpack3A_996 : vector<16xf32>
        %add3A_1000 = arith.addf %unpack3A_997, %unpack3A_998 : vector<16xf32>
        %add3A_1001 = arith.addf %add3A_999, %add3A_1000 : vector<16xf32>
        %add3A_1002 = arith.addf %add3A_972, %add3A_1001 : vector<16xf32>
        %swap3A_1003 = arith.constant 14 : i32
        %swap3A_1004 = arith.index_cast %swap3A_1003 : i32 to index
        %swap3A_1005 = arith.constant 0 : index
        %swap3A_1006 = tpu.vector_load %arg14[%swap3A_1004, %swap3A_1005] {strides = array<i32>} : memref<16x16xf32, #tpu.memory_space<vmem>>, vector<16xf32>,
        tpu.vector_store %arg14[%swap3A_1004, %swap3A_1005], %add3A_1002 {strides = array<i32>} : memref<16x16xf32, #tpu.memory_space<vmem>>, vector<16xf32>,
        %add3A_1007 = arith.constant 15 : i32
        %add3A_1008 = arith.addi %mul3A_34, %add3A_1007 : i32
        %get3A_1009 = arith.index_cast %add3A_1008 : i32 to index
        %get3A_1010 = arith.constant 0 : index
        %get3A_1011 = tpu.vector_load %arg11[%get3A_1009, %get3A_1010] {strides = array<i32>} : memref<128x128xbf16, #tpu.memory_space<vmem>>, vector<32xbf16>,
        %get3A_1012 = arith.index_cast %add3A_1008 : i32 to index
        %get3A_1013 = arith.constant 0 : index
        %get3A_1014 = tpu.vector_load %arg13[%get3A_1012, %get3A_1013] {strides = array<i32>} : memref<128x128xbf16, #tpu.memory_space<vmem>>, vector<32xbf16>,
        %mul3A_1015 = arith.mulf %get3A_1011, %get3A_1014 : vector<32xbf16>
        %get3A_1016 = arith.index_cast %add3A_1008 : i32 to index
        %get3A_1017 = arith.constant 64 : index
        %get3A_1018 = tpu.vector_load %arg12[%get3A_1016, %get3A_1017] {strides = array<i32>} : memref<128x128xbf16, #tpu.memory_space<vmem>>, vector<32xbf16>,
        %mul3A_1019 = arith.mulf %mul3A_1015, %get3A_1018 : vector<32xbf16>
        %get3A_1020 = arith.index_cast %add3A_1008 : i32 to index
        %get3A_1021 = arith.constant 0 : index
        %get3A_1022 = tpu.vector_load %arg12[%get3A_1020, %get3A_1021] {strides = array<i32>} : memref<128x128xbf16, #tpu.memory_space<vmem>>, vector<32xbf16>,
        %get3A_1023 = arith.index_cast %add3A_1008 : i32 to index
        %get3A_1024 = arith.constant 64 : index
        %get3A_1025 = tpu.vector_load %arg13[%get3A_1023, %get3A_1024] {strides = array<i32>} : memref<128x128xbf16, #tpu.memory_space<vmem>>, vector<32xbf16>,
        %mul3A_1026 = arith.mulf %get3A_1022, %get3A_1025 : vector<32xbf16>
        %get3A_1027 = arith.index_cast %add3A_1008 : i32 to index
        %get3A_1028 = arith.constant 64 : index
        %get3A_1029 = tpu.vector_load %arg11[%get3A_1027, %get3A_1028] {strides = array<i32>} : memref<128x128xbf16, #tpu.memory_space<vmem>>, vector<32xbf16>,
        %mul3A_1030 = arith.mulf %mul3A_1026, %get3A_1029 : vector<32xbf16>
        %unpack3A_1031 = tpu.unpack_subelements %mul3A_1019, 0 {pack_format = #tpu.pack_format<interleaved>} : vector<32xbf16> -> vector<16xf32>
        %unpack3A_1032 = tpu.unpack_subelements %mul3A_1019, 1 {pack_format = #tpu.pack_format<interleaved>} : vector<32xbf16> -> vector<16xf32>
        %unpack3A_1033 = tpu.unpack_subelements %mul3A_1030, 0 {pack_format = #tpu.pack_format<interleaved>} : vector<32xbf16> -> vector<16xf32>
        %unpack3A_1034 = tpu.unpack_subelements %mul3A_1030, 1 {pack_format = #tpu.pack_format<interleaved>} : vector<32xbf16> -> vector<16xf32>
        %add3A_1035 = arith.addf %unpack3A_1031, %unpack3A_1032 : vector<16xf32>
        %add3A_1036 = arith.addf %unpack3A_1033, %unpack3A_1034 : vector<16xf32>
        %add3A_1037 = arith.addf %add3A_1035, %add3A_1036 : vector<16xf32>
        %get3A_1038 = arith.index_cast %add3A_1008 : i32 to index
        %get3A_1039 = arith.constant 32 : index
        %get3A_1040 = tpu.vector_load %arg11[%get3A_1038, %get3A_1039] {strides = array<i32>} : memref<128x128xbf16, #tpu.memory_space<vmem>>, vector<32xbf16>,
        %get3A_1041 = arith.index_cast %add3A_1008 : i32 to index
        %get3A_1042 = arith.constant 32 : index
        %get3A_1043 = tpu.vector_load %arg13[%get3A_1041, %get3A_1042] {strides = array<i32>} : memref<128x128xbf16, #tpu.memory_space<vmem>>, vector<32xbf16>,
        %mul3A_1044 = arith.mulf %get3A_1040, %get3A_1043 : vector<32xbf16>
        %get3A_1045 = arith.index_cast %add3A_1008 : i32 to index
        %get3A_1046 = arith.constant 96 : index
        %get3A_1047 = tpu.vector_load %arg12[%get3A_1045, %get3A_1046] {strides = array<i32>} : memref<128x128xbf16, #tpu.memory_space<vmem>>, vector<32xbf16>,
        %mul3A_1048 = arith.mulf %mul3A_1044, %get3A_1047 : vector<32xbf16>
        %get3A_1049 = arith.index_cast %add3A_1008 : i32 to index
        %get3A_1050 = arith.constant 32 : index
        %get3A_1051 = tpu.vector_load %arg12[%get3A_1049, %get3A_1050] {strides = array<i32>} : memref<128x128xbf16, #tpu.memory_space<vmem>>, vector<32xbf16>,
        %get3A_1052 = arith.index_cast %add3A_1008 : i32 to index
        %get3A_1053 = arith.constant 96 : index
        %get3A_1054 = tpu.vector_load %arg13[%get3A_1052, %get3A_1053] {strides = array<i32>} : memref<128x128xbf16, #tpu.memory_space<vmem>>, vector<32xbf16>,
        %mul3A_1055 = arith.mulf %get3A_1051, %get3A_1054 : vector<32xbf16>
        %get3A_1056 = arith.index_cast %add3A_1008 : i32 to index
        %get3A_1057 = arith.constant 96 : index
        %get3A_1058 = tpu.vector_load %arg11[%get3A_1056, %get3A_1057] {strides = array<i32>} : memref<128x128xbf16, #tpu.memory_space<vmem>>, vector<32xbf16>,
        %mul3A_1059 = arith.mulf %mul3A_1055, %get3A_1058 : vector<32xbf16>
        %unpack3A_1060 = tpu.unpack_subelements %mul3A_1048, 0 {pack_format = #tpu.pack_format<interleaved>} : vector<32xbf16> -> vector<16xf32>
        %unpack3A_1061 = tpu.unpack_subelements %mul3A_1048, 1 {pack_format = #tpu.pack_format<interleaved>} : vector<32xbf16> -> vector<16xf32>
        %unpack3A_1062 = tpu.unpack_subelements %mul3A_1059, 0 {pack_format = #tpu.pack_format<interleaved>} : vector<32xbf16> -> vector<16xf32>
        %unpack3A_1063 = tpu.unpack_subelements %mul3A_1059, 1 {pack_format = #tpu.pack_format<interleaved>} : vector<32xbf16> -> vector<16xf32>
        %add3A_1064 = arith.addf %unpack3A_1060, %unpack3A_1061 : vector<16xf32>
        %add3A_1065 = arith.addf %unpack3A_1062, %unpack3A_1063 : vector<16xf32>
        %add3A_1066 = arith.addf %add3A_1064, %add3A_1065 : vector<16xf32>
        %add3A_1067 = arith.addf %add3A_1037, %add3A_1066 : vector<16xf32>
        %swap3A_1068 = arith.constant 15 : i32
        %swap3A_1069 = arith.index_cast %swap3A_1068 : i32 to index
        %swap3A_1070 = arith.constant 0 : index
        %swap3A_1071 = tpu.vector_load %arg14[%swap3A_1069, %swap3A_1070] {strides = array<i32>} : memref<16x16xf32, #tpu.memory_space<vmem>>, vector<16xf32>,
        tpu.vector_store %arg14[%swap3A_1069, %swap3A_1070], %add3A_1067 {strides = array<i32>} : memref<16x16xf32, #tpu.memory_space<vmem>>, vector<16xf32>,
        %broadcast_in_dim3A = arith.constant 0.000000e+00 : f32
        %broadcast_in_dim3A_1072 = vector.broadcast %broadcast_in_dim3A : f32 to vector<16xf32>
        %broadcast_in_dim3A_1073 = arith.constant 0 : i32
        %broadcast_in_dim3A_1074 = vector.broadcast %broadcast_in_dim3A_1073 : i32 to vector<16xi32>
        %gather3A = tpu.vector_load_idx %arg14[%iota3A, %broadcast_in_dim3A_1074] : memref<16x16xf32, #tpu.memory_space<vmem>>[vector<16xi32>, vector<16xi32>], vector<16xf32>,
        %add3A_1075 = arith.addf %broadcast_in_dim3A_1072, %gather3A : vector<16xf32>
        %broadcast_in_dim3A_1076 = arith.constant 1 : i32
        %broadcast_in_dim3A_1077 = vector.broadcast %broadcast_in_dim3A_1076 : i32 to vector<16xi32>
        %gather3A_1078 = tpu.vector_load_idx %arg14[%iota3A, %broadcast_in_dim3A_1077] : memref<16x16xf32, #tpu.memory_space<vmem>>[vector<16xi32>, vector<16xi32>], vector<16xf32>,
        %add3A_1079 = arith.addf %add3A_1075, %gather3A_1078 : vector<16xf32>
        %broadcast_in_dim3A_1080 = arith.constant 2 : i32
        %broadcast_in_dim3A_1081 = vector.broadcast %broadcast_in_dim3A_1080 : i32 to vector<16xi32>
        %gather3A_1082 = tpu.vector_load_idx %arg14[%iota3A, %broadcast_in_dim3A_1081] : memref<16x16xf32, #tpu.memory_space<vmem>>[vector<16xi32>, vector<16xi32>], vector<16xf32>,
        %add3A_1083 = arith.addf %add3A_1079, %gather3A_1082 : vector<16xf32>
        %broadcast_in_dim3A_1084 = arith.constant 3 : i32
        %broadcast_in_dim3A_1085 = vector.broadcast %broadcast_in_dim3A_1084 : i32 to vector<16xi32>
        %gather3A_1086 = tpu.vector_load_idx %arg14[%iota3A, %broadcast_in_dim3A_1085] : memref<16x16xf32, #tpu.memory_space<vmem>>[vector<16xi32>, vector<16xi32>], vector<16xf32>,
        %add3A_1087 = arith.addf %add3A_1083, %gather3A_1086 : vector<16xf32>
        %broadcast_in_dim3A_1088 = arith.constant 4 : i32
        %broadcast_in_dim3A_1089 = vector.broadcast %broadcast_in_dim3A_1088 : i32 to vector<16xi32>
        %gather3A_1090 = tpu.vector_load_idx %arg14[%iota3A, %broadcast_in_dim3A_1089] : memref<16x16xf32, #tpu.memory_space<vmem>>[vector<16xi32>, vector<16xi32>], vector<16xf32>,
        %add3A_1091 = arith.addf %add3A_1087, %gather3A_1090 : vector<16xf32>
        %broadcast_in_dim3A_1092 = arith.constant 5 : i32
        %broadcast_in_dim3A_1093 = vector.broadcast %broadcast_in_dim3A_1092 : i32 to vector<16xi32>
        %gather3A_1094 = tpu.vector_load_idx %arg14[%iota3A, %broadcast_in_dim3A_1093] : memref<16x16xf32, #tpu.memory_space<vmem>>[vector<16xi32>, vector<16xi32>], vector<16xf32>,
        %add3A_1095 = arith.addf %add3A_1091, %gather3A_1094 : vector<16xf32>
        %broadcast_in_dim3A_1096 = arith.constant 6 : i32
        %broadcast_in_dim3A_1097 = vector.broadcast %broadcast_in_dim3A_1096 : i32 to vector<16xi32>
        %gather3A_1098 = tpu.vector_load_idx %arg14[%iota3A, %broadcast_in_dim3A_1097] : memref<16x16xf32, #tpu.memory_space<vmem>>[vector<16xi32>, vector<16xi32>], vector<16xf32>,
        %add3A_1099 = arith.addf %add3A_1095, %gather3A_1098 : vector<16xf32>
        %broadcast_in_dim3A_1100 = arith.constant 7 : i32
        %broadcast_in_dim3A_1101 = vector.broadcast %broadcast_in_dim3A_1100 : i32 to vector<16xi32>
        %gather3A_1102 = tpu.vector_load_idx %arg14[%iota3A, %broadcast_in_dim3A_1101] : memref<16x16xf32, #tpu.memory_space<vmem>>[vector<16xi32>, vector<16xi32>], vector<16xf32>,
        %add3A_1103 = arith.addf %add3A_1099, %gather3A_1102 : vector<16xf32>
        %broadcast_in_dim3A_1104 = arith.constant 8 : i32
        %broadcast_in_dim3A_1105 = vector.broadcast %broadcast_in_dim3A_1104 : i32 to vector<16xi32>
        %gather3A_1106 = tpu.vector_load_idx %arg14[%iota3A, %broadcast_in_dim3A_1105] : memref<16x16xf32, #tpu.memory_space<vmem>>[vector<16xi32>, vector<16xi32>], vector<16xf32>,
        %add3A_1107 = arith.addf %add3A_1103, %gather3A_1106 : vector<16xf32>
        %broadcast_in_dim3A_1108 = arith.constant 9 : i32
        %broadcast_in_dim3A_1109 = vector.broadcast %broadcast_in_dim3A_1108 : i32 to vector<16xi32>
        %gather3A_1110 = tpu.vector_load_idx %arg14[%iota3A, %broadcast_in_dim3A_1109] : memref<16x16xf32, #tpu.memory_space<vmem>>[vector<16xi32>, vector<16xi32>], vector<16xf32>,
        %add3A_1111 = arith.addf %add3A_1107, %gather3A_1110 : vector<16xf32>
        %broadcast_in_dim3A_1112 = arith.constant 10 : i32
        %broadcast_in_dim3A_1113 = vector.broadcast %broadcast_in_dim3A_1112 : i32 to vector<16xi32>
        %gather3A_1114 = tpu.vector_load_idx %arg14[%iota3A, %broadcast_in_dim3A_1113] : memref<16x16xf32, #tpu.memory_space<vmem>>[vector<16xi32>, vector<16xi32>], vector<16xf32>,
        %add3A_1115 = arith.addf %add3A_1111, %gather3A_1114 : vector<16xf32>
        %broadcast_in_dim3A_1116 = arith.constant 11 : i32
        %broadcast_in_dim3A_1117 = vector.broadcast %broadcast_in_dim3A_1116 : i32 to vector<16xi32>
        %gather3A_1118 = tpu.vector_load_idx %arg14[%iota3A, %broadcast_in_dim3A_1117] : memref<16x16xf32, #tpu.memory_space<vmem>>[vector<16xi32>, vector<16xi32>], vector<16xf32>,
        %add3A_1119 = arith.addf %add3A_1115, %gather3A_1118 : vector<16xf32>
        %broadcast_in_dim3A_1120 = arith.constant 12 : i32
        %broadcast_in_dim3A_1121 = vector.broadcast %broadcast_in_dim3A_1120 : i32 to vector<16xi32>
        %gather3A_1122 = tpu.vector_load_idx %arg14[%iota3A, %broadcast_in_dim3A_1121] : memref<16x16xf32, #tpu.memory_space<vmem>>[vector<16xi32>, vector<16xi32>], vector<16xf32>,
        %add3A_1123 = arith.addf %add3A_1119, %gather3A_1122 : vector<16xf32>
        %broadcast_in_dim3A_1124 = arith.constant 13 : i32
        %broadcast_in_dim3A_1125 = vector.broadcast %broadcast_in_dim3A_1124 : i32 to vector<16xi32>
        %gather3A_1126 = tpu.vector_load_idx %arg14[%iota3A, %broadcast_in_dim3A_1125] : memref<16x16xf32, #tpu.memory_space<vmem>>[vector<16xi32>, vector<16xi32>], vector<16xf32>,
        %add3A_1127 = arith.addf %add3A_1123, %gather3A_1126 : vector<16xf32>
        %broadcast_in_dim3A_1128 = arith.constant 14 : i32
        %broadcast_in_dim3A_1129 = vector.broadcast %broadcast_in_dim3A_1128 : i32 to vector<16xi32>
        %gather3A_1130 = tpu.vector_load_idx %arg14[%iota3A, %broadcast_in_dim3A_1129] : memref<16x16xf32, #tpu.memory_space<vmem>>[vector<16xi32>, vector<16xi32>], vector<16xf32>,
        %add3A_1131 = arith.addf %add3A_1127, %gather3A_1130 : vector<16xf32>
        %broadcast_in_dim3A_1132 = arith.constant 15 : i32
        %broadcast_in_dim3A_1133 = vector.broadcast %broadcast_in_dim3A_1132 : i32 to vector<16xi32>
        %gather3A_1134 = tpu.vector_load_idx %arg14[%iota3A, %broadcast_in_dim3A_1133] : memref<16x16xf32, #tpu.memory_space<vmem>>[vector<16xi32>, vector<16xi32>], vector<16xf32>,
        %add3A_1135 = arith.addf %add3A_1131, %gather3A_1134 : vector<16xf32>
        %mul3A_1136 = arith.constant 5.000000e-01 : f32
        %mul3A_1137 = vector.broadcast %mul3A_1136 : f32 to vector<16xf32>
        %mul3A_1138 = arith.mulf %add3A_1135, %mul3A_1137 : vector<16xf32>
        %jit3A = arith.constant -2.000000e+01 : f32
        %jit3A_1139 = arith.constant 2.000000e+01 : f32
        %max3A = vector.broadcast %jit3A : f32 to vector<16xf32>
        %max3A_1140 = arith.maximumf %max3A, %mul3A_1138 : vector<16xf32>
        %min3A = vector.broadcast %jit3A_1139 : f32 to vector<16xf32>
        %min3A_1141 = arith.minimumf %min3A, %max3A_1140 : vector<16xf32>
        %mul3A_1142 = arith.constant 128 : i32
        %mul3A_1143 = arith.muli %scan3A_7, %mul3A_1142 : i32
        %add3A_1144 = arith.addi %mul3A_1143, %mul3A_34 : i32
        %swap3A_1145 = arith.index_cast %add3A_1144 : i32 to index
        %swap3A_1146 = tpu.vector_load %arg15[%swap3A_1145] {strides = array<i32>} : memref<512xf32, #tpu.memory_space<vmem>>, vector<16xf32>,
        tpu.vector_store %arg15[%swap3A_1145], %min3A_1141 {strides = array<i32>} : memref<512xf32, #tpu.memory_space<vmem>>, vector<16xf32>,
      }
      %scan3A_31 = arith.constant 8 : i32
    }
    %scan3A_6 = arith.constant 4 : i32
    "tpu.region"() ({
      %run_scoped3A = tpu.sem_alloc : memref<!tpu.dma_semaphore, #tpu.memory_space<semaphore_mem>>
      %dma_start3A = tpu.memref_slice %arg7[%mul3A_2] : memref<16384xf32, #tpu.memory_space<hbm>> -> memref<512xf32, #tpu.memory_space<hbm>>
      %dma_start3A_7 = tpu.memref_slice %arg7[%mul3A_2] : memref<16384xf32, #tpu.memory_space<hbm>> -> memref<512xf32, #tpu.memory_space<hbm>>
      tpu.enqueue_dma source(%arg15 : memref<512xf32, #tpu.memory_space<vmem>>) target(%dma_start3A_7 : memref<512xf32, #tpu.memory_space<hbm>>) target_semaphore(%run_scoped3A : memref<!tpu.dma_semaphore, #tpu.memory_space<semaphore_mem>>)
      %dma_wait3A = tpu.memref_slice %arg7[%mul3A_2] : memref<16384xf32, #tpu.memory_space<hbm>> -> memref<512xf32, #tpu.memory_space<hbm>>
      %dma_wait3A_8 = tpu.memref_slice %arg7[%mul3A_2] : memref<16384xf32, #tpu.memory_space<hbm>> -> memref<512xf32, #tpu.memory_space<hbm>>
      tpu.wait_dma2 semaphore(%run_scoped3A : memref<!tpu.dma_semaphore, #tpu.memory_space<semaphore_mem>>) src(%arg15 : memref<512xf32, #tpu.memory_space<vmem>>) dst(%dma_wait3A_8 : memref<512xf32, #tpu.memory_space<hbm>>)
      tpu.yield
    }) : () -> ()
    return
  }
}

</mosaic_0001>

<sc_bundles>
// kernel: kernel.3.cloned.1.call-start
scs
__scs_entry_jumppad:
0x0: {  	(pc) =	sbr.rel $0x88, $3  }
0x1: {  	(tag) =	ssettag $0x0;
	lr =	simm.s32 $0x1  }
0x2: {  	[smem:$0x3F9A] =	sst lr;
	_ =	strace $0xD0000000  }
0x3: {  	_ = 	snop  }
0x4: {  	_ = 	snop  }
0x5: {  	_ = 	snop  }
0x6: {  	_ = 	snop  }
0x7: {  	_ = 	snop  }
__scs_overlays_trampoline_lowered:
0x8: {  	[smem:$0x3FA9] =	sst s0  }
0x9: {  	[smem:$0x3FAA] =	sst s1  }
0xa: {  	[smem:$0x3FAB] =	sst s2  }
0xb: {  	[smem:$0x3FAC] =	sst s3  }
0xc: {  	[smem:$0x3FAD] =	sst s4  }
0xd: {  	[smem:$0x3FAE] =	sst s5  }
0xe: {  	[smem:$0x3FAF] =	sst s6  }
0xf: {  	[smem:$0x3FB0] =	sst s7  }
0x10: {  	[smem:$0x3FB1] =	sst s8  }
0x11: {  	[smem:$0x3FB2] =	sst s9;
	s0 =	simm.s32 @!p0 $0x0  }
0x12: {  	s1 =	sld [smem:$0x3F98];
	s0 =	simm.s32 @p0 $0x1  }
0x13: {  	[smem:$0x3FB3] =	sst s0;
	s0 =	simm.s32 @!p1 $0x0  }
0x14: {  	s2 =	sld [smem:$0x3F97];
	s0 =	simm.s32 @p1 $0x1  }
0x15: {  	[smem:$0x3FB4] =	sst s0;
	s0 =	simm.s32 @!p2 $0x0  }
0x16: {  	s3 =	sld [smem:$0x3FDB];
	s0 =	simm.s32 @p2 $0x1  }
0x17: {  	s4 =	simm.s32 $0x1BF5;
	[smem:$0x3FB6] =	sst s0  }
0x18: {  	s0 =	sld [smem:$0x3F99];
	_ =	swait.ge [sflag:s4], $0x0  }
0x19: {  	s7 =	sld [smem:$0x3F9A]  }
0x1a: {  	s8 =	sadd.s32 $0xFFFFE003, lr  }
0x1b: {  	s9 =	sadd.s32 $0xFFFFFEF7, lr;
	s5 =	simm.s32 $0xFFFFFFFF;
	p2 =	slt.u32 s8, $0xFFFFF086  }
0x1c: {  	p1 =	slt.u32 s9, $0xF7A;
	s5 =	simm.s32 @!p2 $0x0  }
0x1d: {  	s5 =	simm.s32 @p1 $0x1;
	p0 =	seq.s32 s7, s2  }
0x1e: {  	s7 =	smul.u32 @!p0 $0xF7A, s2;
	p2 =	seq.s32 @!p0 s5, $0x0  }
0x1f: {  	s9 =	smul.u32 $0xF7A, s1;
	s8 =	simm.s32 @!p0 $0x1BF5;
	p2 =	por !p2, p0  }
0x20: {  	[sflag:s8] =	ssyncset.s32 @!p0 $0xFFFFF086;
	s6 =	sadd.s32 @!p0 s3, s7;
	s7 =	simm.s32 @!p0 $0x108  }
0x21: {  	s3 =	sadd.s32 s3, s9;
	s6 =	sadd.s32 @!p0 $0x88, s6;
	s7 =	simm.s32 @p2 $0x1082  }
0x22: {  	[simem:s7], [sflag:s8] =	dma.local @!p0 [hbm:s6], $0xF7A  }
0x23: {  	s9 =	sor.u32 $0xD0000000, s2;
	s6 =	simm.s32 $0x108;
	_ =	swait.ge @!p0 [sflag:s8], $0x0  }
0x24: {  	s3 =	sadd.s32 $0x88, s3;
	s6 =	simm.s32 @!p1 $0x1082;
	[sflag:s4] =	ssyncset.s32 $0xFFFFF086  }
0x25: {  	[simem:s6], [sflag:s4] =	dma.local [hbm:s3], $0xF7A  }
0x26: {  	[smem:$0x3F9A] =	sst s1;
	(tag) =	ssettag s2;
	_ =	strace s9  }
0x27: {  	s1 =	sld [smem:$0x3FAA]  }
0x28: {  	s2 =	sld [smem:$0x3FAB]  }
0x29: {  	s4 =	sld [smem:$0x3FAD]  }
0x2a: {  	p0 =	seq.s32 s5, $0x0;
	s5 =	sld [smem:$0x3FAE]  }
0x2b: {  	s6 =	sld [smem:$0x3FAF]  }
0x2c: {  	s7 =	sld [smem:$0x3FB0]  }
0x2d: {  	s3 =	simm.s32 $0x108;
	s8 =	sld [smem:$0x3FB1]  }
0x2e: {  	s3 =	simm.s32 @!p0 $0x1082;
	s9 =	sld [smem:$0x3FB2]  }
0x2f: {  	lr =	sadd.s32 s0, s3;
	s0 =	sld [smem:$0x3FA9]  }
0x30: {  	s3 =	sld [smem:$0x3FAC]  }
0x31: {  	[smem:$0x3FB5] =	sst s10  }
0x32: {  	s10 =	sld [smem:$0x3FB3];
	_ =	sdelay $0x3  }
0x33: {  	p0 =	seq.s32 s10, $0x1;
	s10 =	sld [smem:$0x3FB5];
	_ =	sdelay $0x3  }
0x34: {  	[smem:$0x3FB5] =	sst s10  }
0x35: {  	s10 =	sld [smem:$0x3FB4];
	_ =	sdelay $0x3  }
0x36: {  	p1 =	seq.s32 s10, $0x1;
	s10 =	sld [smem:$0x3FB5];
	_ =	sdelay $0x3  }
0x37: {  	[smem:$0x3FB5] =	sst s10  }
0x38: {  	s10 =	sld [smem:$0x3FB6]  }
0x39: {  	_ = 	snop;
	(pc) =	sbr.ind lr, $3  }
0x3a: {  	_ = 	snop  }
0x3b: {  	_ = 	snop  }
0x3c: {  	p2 =	seq.s32 s10, $0x1;
	s10 =	sld [smem:$0x3FB5]  }
0x3d: {  	_ =	shalt  }
0x3e: {  	_ =	shalt  }
0x3f: {  	_ =	shalt  }
0x40: {  	_ =	shalt  }
0x41: {  	_ =	shalt  }
0x42: {  	_ =	shalt  }
0x43: {  	_ =	shalt  }
0x44: {  	_ =	shalt  }
0x45: {  	_ =	shalt  }
0x46: {  	_ =	shalt  }
0x47: {  	_ =	shalt  }
0x48: {  	_ =	shalt  }
0x49: {  	_ =	shalt  }
0x4a: {  	_ =	shalt  }
0x4b: {  	_ =	shalt  }
0x4c: {  	_ =	shalt  }
0x4d: {  	_ =	shalt  }
0x4e: {  	_ =	shalt  }
0x4f: {  	_ =	shalt  }
0x50: {  	_ =	shalt  }
0x51: {  	_ =	shalt  }
0x52: {  	_ =	shalt  }
0x53: {  	_ =	shalt  }
0x54: {  	_ =	shalt  }
0x55: {  	_ =	shalt  }
0x56: {  	_ =	shalt  }
0x57: {  	_ =	shalt  }
0x58: {  	_ =	shalt  }
0x59: {  	_ =	shalt  }
0x5a: {  	_ =	shalt  }
0x5b: {  	_ =	shalt  }
0x5c: {  	_ =	shalt  }
0x5d: {  	_ =	shalt  }
0x5e: {  	_ =	shalt  }
0x5f: {  	_ =	shalt  }
0x60: {  	_ =	shalt  }
0x61: {  	_ =	shalt  }
0x62: {  	_ =	shalt  }
0x63: {  	_ =	shalt  }
0x64: {  	_ =	shalt  }
0x65: {  	_ =	shalt  }
0x66: {  	_ =	shalt  }
0x67: {  	_ =	shalt  }
0x68: {  	_ =	shalt  }
0x69: {  	_ =	shalt  }
0x6a: {  	_ =	shalt  }
0x6b: {  	_ =	shalt  }
0x6c: {  	_ =	shalt  }
0x6d: {  	_ =	shalt  }
0x6e: {  	_ =	shalt  }
0x6f: {  	_ =	shalt  }
0x70: {  	_ =	shalt  }
0x71: {  	_ =	shalt  }
0x72: {  	_ =	shalt  }
0x73: {  	_ =	shalt  }
0x74: {  	_ =	shalt  }
0x75: {  	_ =	shalt  }
0x76: {  	_ =	shalt  }
0x77: {  	_ =	shalt  }
0x78: {  	_ =	shalt  }
0x79: {  	_ =	shalt  }
0x7a: {  	_ =	shalt  }
0x7b: {  	_ =	shalt  }
0x7c: {  	_ =	shalt  }
0x7d: {  	_ =	shalt  }
0x7e: {  	_ =	shalt  }
0x7f: {  	_ =	shalt  }
0x80: {  	_ =	shalt  }
0x81: {  	_ =	shalt  }
0x82: {  	_ =	shalt  }
0x83: {  	_ =	shalt  }
0x84: {  	_ =	shalt  }
0x85: {  	_ =	shalt  }
0x86: {  	_ =	shalt  }
0x87: {  	_ =	shalt  }
.Lfunc_end0:
.L_simem_size_0:
called_computation.3_lowered:
.L_overlay_start_0:
0x88: {  	s2 =	sld [smem:$0x3FD9]  }
0x89: {  	s3 =	sld [smem:$0x3FFE];
	_ =	sdelay $0x1  }
0x8a: {  	s1 =	srdreg.scid  }
0x8b: {  	s0 =	sand.u32 $0x1, s1  }
0x8c: {  	s17 =	sshll.u32 s0, $0xA;
	s2 =	sadd.s32 s3, s2  }
0x8d: {  	s2 =	sadd.s32 s2, s17  }
0x8e: {  	[smem:$0x3FC1] =	sst s2  }
0x8f: {  	_ = 	snop  }
0x90: {  	s2 =	sld [smem:$0x3FC9]  }
0x91: {  	s18 =	sld [smem:$0x3FC8]  }
0x92: {  	s4 =	sld [smem:$0x3FC7]  }
0x93: {  	s5 =	sld [smem:$0x3FD0];
	(tm) =	ssettm $0x1  }
0x94: {  	s6 =	sld [smem:$0x3FFB];
	_ =	sdelay $0x3  }
0x95: {  	_ =	strace s6  }
0x96: {  	s6 =	sld [smem:$0x3FFC];
	_ =	sdelay $0x3  }
0x97: {  	_ =	strace s6  }
0x98: {  	s6 =	sld [smem:$0x3FFD];
	_ =	sdelay $0x3  }
0x99: {  	_ =	strace s6  }
0x9a: {  	_ =	strace $0x8FFFFFFF  }
0x9b: {  	s19 =	sld [smem:$0x3FDB];
	_ =	sdelay $0x1  }
0x9c: {  	s7 =	simm.s32 $_scs_section_size  }
0x9d: {  	s8 =	simm.s32 $_size__tile_overlayer_lowered;
	s9 =	simm.s32 $_tile_overlayer_lowered  }
0x9e: {  	s22 =	simm.s32 $0x1BFF;
	s21 =	sshll.u32 s9, $0x1;
	s6 =	sadd.s32 s7, s19  }
0x9f: {  	s10 =	simm.s32 $0x0;
	s20 =	sshll.u32 s8, $0x1;
	s8 =	sadd.s32 s21, s6  }
0xa0: {  	[timem:s10], [sflag:s22] =	dma.local [hbm:s8], s20  }
0xa1: {  	_ =	swait.ge [sflag:s22], s20  }
0xa2: {  	s7 =	ssub.s32 $0x0, s20;
	[sflag:s22] =	ssyncset.done $0x0  }
0xa3: {  	[sflag:s22] =	ssyncadd.s32 s7;
	_ =	sdelay $0x1  }
0xa4: {  	s23 =	simm.s32 $0x1B8B  }
0xa5: {  	_ =	swait.ge [sflag:s23], $0x1  }
0xa6: {  	[sflag:s23] =	ssyncset.done $0x0  }
0xa7: {  	s25 =	simm.s32 $0x1B8E;
	s24 =	sld [smem:$0x3FFE];
	[sflag:s23] =	ssyncadd.s32 $0xFFFFFFFF  }
0xa8: {  	s26 =	simm.s32 $execute0_lowered;
	[smem:$0x3FD2] =	sst s25  }
0xa9: {  	s8 =	sshll.u32 s26, $0x1;
	_ =	strace $0x8000004F;
	[dreg:$0x1] =	wrdreg $0xFFFFFFFF  }
0xaa: {  	s28 =	simm.s32 $_size_execute0_lowered;
	s6 =	sadd.s32 s6, s8;
	[dreg:$0x0] =	wrdreg $0x0  }
0xab: {  	s8 =	sshll.u32 s28, $0x1;
	[dreg:$0x2] =	wrdreg s6  }
0xac: {  	[dreg:$0x3] =	wrdreg s8  }
0xad: {  	[dreg:$0x4] =	wrdreg $0xC0  }
0xae: {  	_ =	task [dreg:s10], $0x5FFFF  }
0xaf: {  	[dreg:$0x1] =	wrdreg $0xFFFFFFFF  }
0xb0: {  	[dreg:$0x0] =	wrdreg $0x60  }
0xb1: {  	[dreg:$0x2] =	wrdreg s2  }
0xb2: {  	[dreg:$0x3] =	wrdreg s18  }
0xb3: {  	[dreg:$0x4] =	wrdreg s4  }
0xb4: {  	[dreg:$0x5] =	wrdreg s24  }
0xb5: {  	[dreg:$0x6] =	wrdreg s5  }
0xb6: {  	[dreg:$0x7] =	wrdreg $0x9  }
0xb7: {  	_ =	task.clear_ibuf [dreg:s10], $0x8FFFF;
	_ =	strace $0x9000004F  }
0xb8: {  	s29 =	simm.s32 $0x9;
	_ =	strace $0x80000051  }
0xb9: {  	_ =	swait.ge [sflag:s29], $0x1  }
0xba: {  	[sflag:s29] =	ssyncadd.s32 $0xFFFFFFFF  }
0xbb: {  	_ =	strace $0x90000051  }
0xbc: {  	_ =	sfence  }
0xbd: {  	s30 =	sld [smem:$0x0];
	_ =	sdelay $0x2  }
0xbe: {  	s31 =	sshll.u32 s1, $0xD;
	s1 =	sshrl.u32 s1, $0x2  }
0xbf: {  	s3 =	sand.u32 $0x4000, s31;
	s1 =	sadd.s32 s1, s30  }
0xc0: {  	s0 =	sor.u32 s3, s0;
	s1 =	sshll.u32 s1, $0x11  }
0xc1: {  	s0 =	sor.u32 s1, s0  }
0xc2: {  	s0 =	sadd.s32 $0x8F2B, s0  }
0xc3: {  	[sflag:s0] =	ssyncadd.remote.s32 $0x1  }
0xc4: {  	_ =	sfence.sel $0xFFFF  }
0xc5: {  	[dreg:$0x0] =	wrdreg $0xFFFFFFFF;
	(pc) =	sbr.abs _section_cstart, $3  }
0xc6: {  	[dreg:$0x1] =	wrdreg $0xFFFFFFFF  }
0xc7: {  	_ =	task.clear_ibuf [dreg:s10], $0x2FFFF;
	_ =	strace $0x9FFFFFFF  }
0xc8: {  	(tm) =	ssettm $0x7FFFFFFF  }
0xc9: {  	_ =	shalt  }
tec
execute0_lowered:
.L_overlay_start_1:
0x0: {  	(tag) =	ssettag $0x1  }
0x1: {  	s1 =	rddreg [dreg:$0x0]  }
0x2: {  	s2 =	rddreg [dreg:$0x1]  }
0x3: {  	s3 =	rddreg [dreg:$0x2]  }
0x4: {  	s8 =	rddreg [dreg:$0x3]  }
0x5: {  	s9 =	rddreg [dreg:$0x4]  }
0x6: {  	s0 =	rddreg [dreg:$0x5]  }
0x7: {  	s5 =	simm.s32 $0x0;
	s6 =	srdreg.scid;
	s4 =	stileid.u32  }
0x8: {  	v0 =	vlaneseq.u32;
	s13 =	simm.s32 $0x100;
	s14 =	simm.s32 $0x180;
	s15 =	simm.s32 $0x2180  }
0x9: {  	s16 =	simm.s32 $0x4180;
	s17 =	simm.s32 $0x1;
	s18 =	simm.s32 $0x6180;
	v0 =	vmul.u32 $0x10, v0  }
0xa: {  	s19 =	simm.s32 $0x6280;
	s20 =	simm.s32 $0x0;
	[smem:$0x7FF] =	sst s5  }
0xb: {  	s6 =	sand.u32 $0x1, s6;
	s7 =	sshll.u32 s4, $0xA;
	_ =	strace $0x80000050;
	v1 =	vor.u32 $0x1, v0;
	v2 =	vor.u32 $0x2, v0;
	v3 =	vor.u32 $0x3, v0  }
0xc: {  	s10 =	ssub.s32 $0x2, s6;
	s11 =	sshll.u32 s6, $0x9;
	s6 =	sadd.s32 $0x1400, s8;
	v4 =	vor.u32 $0x4, v0;
	v5 =	vor.u32 $0x5, v0;
	v6 =	vor.u32 $0x6, v0  }
0xd: {  	s8 =	sadd.s32 $0xF43800, s8;
	s12 =	sshrl.u32 s10, $0x1;
	s7 =	sor.u32 s11, s7;
	v7 =	vor.u32 $0x7, v0;
	v8 =	vor.u32 $0x8, v0;
	v9 =	vor.u32 $0x9, v0  }
0xe: {  	v10 =	vor.u32 $0xA, v0;
	v11 =	vor.u32 $0xB, v0;
	v12 =	vor.u32 $0xC, v0;
	s10 =	ssub.s32 s10, s12;
	s11 =	sshrl.u32 s7, $0x3;
	s12 =	simm.s32 $0x80  }
0xf: {  	v13 =	vor.u32 $0xD, v0;
	v14 =	vor.u32 $0xE, v0;
	v15 =	vor.u32 $0xF, v0;
	s9 =	sadd.s32 s9, s11;
	s10 =	smax.u32 s10, $0x1;
	s11 =	simm.s32 $0x2  }
.LBB2_1:
0x10: {  	s21 =	simm.s32 $0x6280;
	s22 =	simm.s32 $0x0  }
.LBB2_2:
0x11: {  	s23 =	sshll.u32 s22, $0x7  }
0x12: {  	s23 =	sor.u32 s7, s23  }
0x13: {  	s24 =	sshrl.u32 s23, $0x3  }
0x14: {  	s23 =	simm.s32 $0x0;
	s25 =	sadd.s32 s1, s24  }
0x15: {  	[tilespmem:s23], [sflag:$0x2] =	stream.linear.gather [hbm4b:s25+s23], $0x80, $0x38;
	[tilespmem:$0x6480] =	vst v63  }
0x16: {  	_ =	swait.ge [sflag:s11], $0x80  }
0x17: {  	[sflag:s11] =	ssyncset.done $0x0  }
0x18: {  	s31 =	sadd.s32 s2, s24;
	[sflag:s11] =	ssyncadd.s32 $0xFFFFFF80  }
0x19: {  	[tilespmem:s12], [sflag:$0x2] =	stream.linear.gather [hbm4b:s31+s23], $0x80, $0x38;
	[tilespmem:$0x6480] =	vst v63  }
0x1a: {  	_ =	swait.ge [sflag:s11], $0x80  }
0x1b: {  	[sflag:s11] =	ssyncset.done $0x0  }
0x1c: {  	s24 =	sadd.s32 s3, s24;
	[sflag:s11] =	ssyncadd.s32 $0xFFFFFF80  }
0x1d: {  	[tilespmem:s13], [sflag:$0x2] =	stream.linear.gather [hbm4b:s24+s23], $0x80, $0x38;
	[tilespmem:$0x6480] =	vst v63  }
0x1e: {  	_ =	swait.ge [sflag:s11], $0x80  }
0x1f: {  	[sflag:s11] =	ssyncset.done $0x0  }
0x20: {  	[sflag:s11] =	ssyncadd.s32 $0xFFFFFF80  }
0x21: {  	[tilespmem:s14], [sflag:$0x1] =	stream.indirect.gather [hbm4b:s6+s12], $0x40, s23, s12, $0xb8;
	[tilespmem:$0x6480] =	vst v63  }
0x22: {  	_ = 	snop  }
0x23: {  	[tilespmem:s15], [sflag:$0x1] =	stream.indirect.gather [hbm4b:s6+s12], $0x40, s13, s12, $0xb8;
	[tilespmem:$0x6480] =	vst v63  }
0x24: {  	_ = 	snop  }
0x25: {  	[tilespmem:s16], [sflag:$0x1] =	stream.indirect.gather [hbm4b:s8+s12], $0x40, s12, s12, $0xb8;
	[tilespmem:$0x6480] =	vst v63  }
0x26: {  	_ =	swait.ge [sflag:s17], $0x2000  }
0x27: {  	[sflag:s17] =	ssyncset.done $0x0  }
0x28: {  	[sflag:s17] =	ssyncadd.s32 $0xFFFFE000  }
0x29: {  	_ =	swait.ge [sflag:s17], $0x2000  }
0x2a: {  	[sflag:s17] =	ssyncset.done $0x0  }
0x2b: {  	[sflag:s17] =	ssyncadd.s32 $0xFFFFE000  }
0x2c: {  	_ =	swait.ge [sflag:s17], $0x2000  }
0x2d: {  	[sflag:s17] =	ssyncset.done $0x0  }
0x2e: {  	s24 =	smov.u32 s21;
	[sflag:s17] =	ssyncadd.s32 $0xFFFFE000  }
.LBB2_3:
0x2f: {  	s25 =	sshra.s32 s23, $0x2  }
0x30: {  	v16 =	vld [tilespmem:s25+$0x180]  }
0x31: {  	v17 =	vld [tilespmem:s25+$0x4180]  }
0x32: {  	v18 =	vld [tilespmem:s25+$0x21A0]  }
0x33: {  	v19 =	vld [tilespmem:s25+$0x2180]  }
0x34: {  	v20 =	vld [tilespmem:s25+$0x41A0]  }
0x35: {  	v21 =	vld [tilespmem:s25+$0x1A0]  }
0x36: {  	v22 =	vld [tilespmem:s25+$0x190]  }
0x37: {  	v23 =	vld [tilespmem:s25+$0x4190]  }
0x38: {  	v24 =	vld [tilespmem:s25+$0x2190]  }
0x39: {  	v25 =	vld [tilespmem:s25+$0x41B0]  }
0x3a: {  	v26 =	vld [tilespmem:s25+$0x21B0]  }
0x3b: {  	v16 =	vmul.bf16 v17, v16;
	v17 =	vld [tilespmem:s25+$0x1B0]  }
0x3c: {  	v19 =	vmul.bf16 v20, v19  }
0x3d: {  	v48 =	vmul.bf16 v23, v22;
	v16 =	vmul.bf16 v18, v16  }
0x3e: {  	v49 =	vmul.bf16 v25, v24;
	v19 =	vmul.bf16 v21, v19  }
0x3f: {  	v18 =	vmul.bf16 v26, v48;
	v50 =	vunpack.i.u.bf16.f32 v16;
	v16 =	vunpack.i.l.bf16.f32 v16  }
0x40: {  	v51 =	vunpack.i.u.bf16.f32 v19;
	v19 =	vunpack.i.l.bf16.f32 v19;
	v17 =	vmul.bf16 v17, v49  }
0x41: {  	v52 =	vunpack.i.u.bf16.f32 v18;
	v18 =	vunpack.i.l.bf16.f32 v18;
	v16 =	vadd.f32 v16, v50  }
0x42: {  	v19 =	vadd.f32 v19, v51;
	v53 =	vunpack.i.u.bf16.f32 v17;
	v17 =	vunpack.i.l.bf16.f32 v17  }
0x43: {  	v18 =	vadd.f32 v18, v52;
	v17 =	vadd.f32 v17, v53;
	_ =	sdelay $0x1  }
0x44: {  	v16 =	vadd.f32 v19, v16;
	v17 =	vadd.f32 v17, v18;
	_ =	sdelay $0x1  }
0x45: {  	v16 =	vadd.f32 v17, v16;
	_ =	sdelay $0x1  }
0x46: {  	[tilespmem:$0x6180] =	vst v16  }
0x47: {  	v16 =	vld [tilespmem:s25+$0x1C0]  }
0x48: {  	v17 =	vld [tilespmem:s25+$0x41C0]  }
0x49: {  	v54 =	vld [tilespmem:s25+$0x21E0]  }
0x4a: {  	v55 =	vld [tilespmem:s25+$0x21C0]  }
0x4b: {  	v56 =	vld [tilespmem:s25+$0x41E0]  }
0x4c: {  	v57 =	vld [tilespmem:s25+$0x1E0]  }
0x4d: {  	v58 =	vld [tilespmem:s25+$0x1D0]  }
0x4e: {  	v59 =	vld [tilespmem:s25+$0x41D0]  }
0x4f: {  	v60 =	vld [tilespmem:s25+$0x21D0]  }
0x50: {  	v61 =	vld [tilespmem:s25+$0x41F0]  }
0x51: {  	v62 =	vld [tilespmem:s25+$0x21F0]  }
0x52: {  	v16 =	vmul.bf16 v17, v16;
	v17 =	vld [tilespmem:s25+$0x1F0]  }
0x53: {  	v19 =	vmul.bf16 v56, v55  }
0x54: {  	v63 =	vmul.bf16 v59, v58;
	v16 =	vmul.bf16 v54, v16  }
0x55: {  	v24 =	vmul.bf16 v61, v60;
	v19 =	vmul.bf16 v57, v19  }
0x56: {  	v18 =	vmul.bf16 v62, v63;
	v25 =	vunpack.i.u.bf16.f32 v16;
	v16 =	vunpack.i.l.bf16.f32 v16  }
0x57: {  	v27 =	vunpack.i.u.bf16.f32 v19;
	v19 =	vunpack.i.l.bf16.f32 v19;
	v17 =	vmul.bf16 v17, v24  }
0x58: {  	v28 =	vunpack.i.u.bf16.f32 v18;
	v18 =	vunpack.i.l.bf16.f32 v18;
	v16 =	vadd.f32 v16, v25  }
0x59: {  	v19 =	vadd.f32 v19, v27;
	v29 =	vunpack.i.u.bf16.f32 v17;
	v17 =	vunpack.i.l.bf16.f32 v17  }
0x5a: {  	v18 =	vadd.f32 v18, v28;
	v17 =	vadd.f32 v17, v29;
	_ =	sdelay $0x1  }
0x5b: {  	v16 =	vadd.f32 v19, v16;
	v17 =	vadd.f32 v17, v18;
	_ =	sdelay $0x1  }
0x5c: {  	v16 =	vadd.f32 v17, v16;
	_ =	sdelay $0x1  }
0x5d: {  	[tilespmem:$0x6190] =	vst v16  }
0x5e: {  	v16 =	vld [tilespmem:s25+$0x200]  }
0x5f: {  	v17 =	vld [tilespmem:s25+$0x4200]  }
0x60: {  	v30 =	vld [tilespmem:s25+$0x2220]  }
0x61: {  	v31 =	vld [tilespmem:s25+$0x2200]  }
0x62: {  	v32 =	vld [tilespmem:s25+$0x4220]  }
0x63: {  	v33 =	vld [tilespmem:s25+$0x220]  }
0x64: {  	v34 =	vld [tilespmem:s25+$0x210]  }
0x65: {  	v35 =	vld [tilespmem:s25+$0x4210]  }
0x66: {  	v36 =	vld [tilespmem:s25+$0x2210]  }
0x67: {  	v37 =	vld [tilespmem:s25+$0x4230]  }
0x68: {  	v38 =	vld [tilespmem:s25+$0x2230]  }
0x69: {  	v16 =	vmul.bf16 v17, v16;
	v17 =	vld [tilespmem:s25+$0x230]  }
0x6a: {  	v19 =	vmul.bf16 v32, v31  }
0x6b: {  	v39 =	vmul.bf16 v35, v34;
	v16 =	vmul.bf16 v30, v16  }
0x6c: {  	v40 =	vmul.bf16 v37, v36;
	v19 =	vmul.bf16 v33, v19  }
0x6d: {  	v18 =	vmul.bf16 v38, v39;
	v41 =	vunpack.i.u.bf16.f32 v16;
	v16 =	vunpack.i.l.bf16.f32 v16  }
0x6e: {  	v42 =	vunpack.i.u.bf16.f32 v19;
	v19 =	vunpack.i.l.bf16.f32 v19;
	v17 =	vmul.bf16 v17, v40  }
0x6f: {  	v43 =	vunpack.i.u.bf16.f32 v18;
	v18 =	vunpack.i.l.bf16.f32 v18;
	v16 =	vadd.f32 v16, v41  }
0x70: {  	v19 =	vadd.f32 v19, v42;
	v44 =	vunpack.i.u.bf16.f32 v17;
	v17 =	vunpack.i.l.bf16.f32 v17  }
0x71: {  	v18 =	vadd.f32 v18, v43;
	v17 =	vadd.f32 v17, v44;
	_ =	sdelay $0x1  }
0x72: {  	v16 =	vadd.f32 v19, v16;
	v17 =	vadd.f32 v17, v18;
	_ =	sdelay $0x1  }
0x73: {  	v16 =	vadd.f32 v17, v16;
	_ =	sdelay $0x1  }
0x74: {  	[tilespmem:$0x61A0] =	vst v16  }
0x75: {  	v16 =	vld [tilespmem:s25+$0x240]  }
0x76: {  	v17 =	vld [tilespmem:s25+$0x4240]  }
0x77: {  	v45 =	vld [tilespmem:s25+$0x2260]  }
0x78: {  	v46 =	vld [tilespmem:s25+$0x2240]  }
0x79: {  	v47 =	vld [tilespmem:s25+$0x4260]  }
0x7a: {  	v48 =	vld [tilespmem:s25+$0x260]  }
0x7b: {  	v49 =	vld [tilespmem:s25+$0x250]  }
0x7c: {  	v50 =	vld [tilespmem:s25+$0x4250]  }
0x7d: {  	v51 =	vld [tilespmem:s25+$0x2250]  }
0x7e: {  	v52 =	vld [tilespmem:s25+$0x4270]  }
0x7f: {  	v53 =	vld [tilespmem:s25+$0x2270]  }
0x80: {  	v16 =	vmul.bf16 v17, v16;
	v17 =	vld [tilespmem:s25+$0x270]  }
0x81: {  	v19 =	vmul.bf16 v47, v46  }
0x82: {  	v54 =	vmul.bf16 v50, v49;
	v16 =	vmul.bf16 v45, v16  }
0x83: {  	v55 =	vmul.bf16 v52, v51;
	v19 =	vmul.bf16 v48, v19  }
0x84: {  	v18 =	vmul.bf16 v53, v54;
	v56 =	vunpack.i.u.bf16.f32 v16;
	v16 =	vunpack.i.l.bf16.f32 v16  }
0x85: {  	v57 =	vunpack.i.u.bf16.f32 v19;
	v19 =	vunpack.i.l.bf16.f32 v19;
	v17 =	vmul.bf16 v17, v55  }
0x86: {  	v58 =	vunpack.i.u.bf16.f32 v18;
	v18 =	vunpack.i.l.bf16.f32 v18;
	v16 =	vadd.f32 v16, v56  }
0x87: {  	v19 =	vadd.f32 v19, v57;
	v59 =	vunpack.i.u.bf16.f32 v17;
	v17 =	vunpack.i.l.bf16.f32 v17  }
0x88: {  	v18 =	vadd.f32 v18, v58;
	v17 =	vadd.f32 v17, v59;
	_ =	sdelay $0x1  }
0x89: {  	v16 =	vadd.f32 v19, v16;
	v17 =	vadd.f32 v17, v18;
	_ =	sdelay $0x1  }
0x8a: {  	v16 =	vadd.f32 v17, v16;
	_ =	sdelay $0x1  }
0x8b: {  	[tilespmem:$0x61B0] =	vst v16  }
0x8c: {  	v16 =	vld [tilespmem:s25+$0x280]  }
0x8d: {  	v17 =	vld [tilespmem:s25+$0x4280]  }
0x8e: {  	v60 =	vld [tilespmem:s25+$0x22A0]  }
0x8f: {  	v61 =	vld [tilespmem:s25+$0x2280]  }
0x90: {  	v62 =	vld [tilespmem:s25+$0x42A0]  }
0x91: {  	v63 =	vld [tilespmem:s25+$0x2A0]  }
0x92: {  	v28 =	vld [tilespmem:s25+$0x290]  }
0x93: {  	v29 =	vld [tilespmem:s25+$0x4290]  }
0x94: {  	v30 =	vld [tilespmem:s25+$0x2290]  }
0x95: {  	v31 =	vld [tilespmem:s25+$0x42B0]  }
0x96: {  	v32 =	vld [tilespmem:s25+$0x22B0]  }
0x97: {  	v16 =	vmul.bf16 v17, v16;
	v17 =	vld [tilespmem:s25+$0x2B0]  }
0x98: {  	v19 =	vmul.bf16 v62, v61  }
0x99: {  	v33 =	vmul.bf16 v29, v28;
	v16 =	vmul.bf16 v60, v16  }
0x9a: {  	v34 =	vmul.bf16 v31, v30;
	v19 =	vmul.bf16 v63, v19  }
0x9b: {  	v18 =	vmul.bf16 v32, v33;
	v35 =	vunpack.i.u.bf16.f32 v16;
	v16 =	vunpack.i.l.bf16.f32 v16  }
0x9c: {  	v36 =	vunpack.i.u.bf16.f32 v19;
	v19 =	vunpack.i.l.bf16.f32 v19;
	v17 =	vmul.bf16 v17, v34  }
0x9d: {  	v37 =	vunpack.i.u.bf16.f32 v18;
	v18 =	vunpack.i.l.bf16.f32 v18;
	v16 =	vadd.f32 v16, v35  }
0x9e: {  	v19 =	vadd.f32 v19, v36;
	v38 =	vunpack.i.u.bf16.f32 v17;
	v17 =	vunpack.i.l.bf16.f32 v17  }
0x9f: {  	v18 =	vadd.f32 v18, v37;
	v17 =	vadd.f32 v17, v38;
	_ =	sdelay $0x1  }
0xa0: {  	v16 =	vadd.f32 v19, v16;
	v17 =	vadd.f32 v17, v18;
	_ =	sdelay $0x1  }
0xa1: {  	v16 =	vadd.f32 v17, v16;
	_ =	sdelay $0x1  }
0xa2: {  	[tilespmem:$0x61C0] =	vst v16  }
0xa3: {  	v16 =	vld [tilespmem:s25+$0x2C0]  }
0xa4: {  	v17 =	vld [tilespmem:s25+$0x42C0]  }
0xa5: {  	v39 =	vld [tilespmem:s25+$0x22E0]  }
0xa6: {  	v40 =	vld [tilespmem:s25+$0x22C0]  }
0xa7: {  	v41 =	vld [tilespmem:s25+$0x42E0]  }
0xa8: {  	v42 =	vld [tilespmem:s25+$0x2E0]  }
0xa9: {  	v43 =	vld [tilespmem:s25+$0x2D0]  }
0xaa: {  	v44 =	vld [tilespmem:s25+$0x42D0]  }
0xab: {  	v45 =	vld [tilespmem:s25+$0x22D0]  }
0xac: {  	v46 =	vld [tilespmem:s25+$0x42F0]  }
0xad: {  	v47 =	vld [tilespmem:s25+$0x22F0]  }
0xae: {  	v16 =	vmul.bf16 v17, v16;
	v17 =	vld [tilespmem:s25+$0x2F0]  }
0xaf: {  	v19 =	vmul.bf16 v41, v40  }
0xb0: {  	v48 =	vmul.bf16 v44, v43;
	v16 =	vmul.bf16 v39, v16  }
0xb1: {  	v49 =	vmul.bf16 v46, v45;
	v19 =	vmul.bf16 v42, v19  }
0xb2: {  	v18 =	vmul.bf16 v47, v48;
	v50 =	vunpack.i.u.bf16.f32 v16;
	v16 =	vunpack.i.l.bf16.f32 v16  }
0xb3: {  	v51 =	vunpack.i.u.bf16.f32 v19;
	v19 =	vunpack.i.l.bf16.f32 v19;
	v17 =	vmul.bf16 v17, v49  }
0xb4: {  	v52 =	vunpack.i.u.bf16.f32 v18;
	v18 =	vunpack.i.l.bf16.f32 v18;
	v16 =	vadd.f32 v16, v50  }
0xb5: {  	v19 =	vadd.f32 v19, v51;
	v53 =	vunpack.i.u.bf16.f32 v17;
	v17 =	vunpack.i.l.bf16.f32 v17  }
0xb6: {  	v18 =	vadd.f32 v18, v52;
	v17 =	vadd.f32 v17, v53;
	_ =	sdelay $0x1  }
0xb7: {  	v16 =	vadd.f32 v19, v16;
	v17 =	vadd.f32 v17, v18;
	_ =	sdelay $0x1  }
0xb8: {  	v16 =	vadd.f32 v17, v16;
	_ =	sdelay $0x1  }
0xb9: {  	[tilespmem:$0x61D0] =	vst v16  }
0xba: {  	v16 =	vld [tilespmem:s25+$0x300]  }
0xbb: {  	v17 =	vld [tilespmem:s25+$0x4300]  }
0xbc: {  	v54 =	vld [tilespmem:s25+$0x2320]  }
0xbd: {  	v55 =	vld [tilespmem:s25+$0x2300]  }
0xbe: {  	v56 =	vld [tilespmem:s25+$0x4320]  }
0xbf: {  	v57 =	vld [tilespmem:s25+$0x320]  }
0xc0: {  	v58 =	vld [tilespmem:s25+$0x310]  }
0xc1: {  	v59 =	vld [tilespmem:s25+$0x4310]  }
0xc2: {  	v60 =	vld [tilespmem:s25+$0x2310]  }
0xc3: {  	v61 =	vld [tilespmem:s25+$0x4330]  }
0xc4: {  	v62 =	vld [tilespmem:s25+$0x2330]  }
0xc5: {  	v16 =	vmul.bf16 v17, v16;
	v17 =	vld [tilespmem:s25+$0x330]  }
0xc6: {  	v19 =	vmul.bf16 v56, v55  }
0xc7: {  	v63 =	vmul.bf16 v59, v58;
	v16 =	vmul.bf16 v54, v16  }
0xc8: {  	v24 =	vmul.bf16 v61, v60;
	v19 =	vmul.bf16 v57, v19  }
0xc9: {  	v18 =	vmul.bf16 v62, v63;
	v25 =	vunpack.i.u.bf16.f32 v16;
	v16 =	vunpack.i.l.bf16.f32 v16  }
0xca: {  	v27 =	vunpack.i.u.bf16.f32 v19;
	v19 =	vunpack.i.l.bf16.f32 v19;
	v17 =	vmul.bf16 v17, v24  }
0xcb: {  	v28 =	vunpack.i.u.bf16.f32 v18;
	v18 =	vunpack.i.l.bf16.f32 v18;
	v16 =	vadd.f32 v16, v25  }
0xcc: {  	v19 =	vadd.f32 v19, v27;
	v29 =	vunpack.i.u.bf16.f32 v17;
	v17 =	vunpack.i.l.bf16.f32 v17  }
0xcd: {  	v18 =	vadd.f32 v18, v28;
	v17 =	vadd.f32 v17, v29;
	_ =	sdelay $0x1  }
0xce: {  	v16 =	vadd.f32 v19, v16;
	v17 =	vadd.f32 v17, v18;
	_ =	sdelay $0x1  }
0xcf: {  	v16 =	vadd.f32 v17, v16;
	_ =	sdelay $0x1  }
0xd0: {  	[tilespmem:$0x61E0] =	vst v16  }
0xd1: {  	v16 =	vld [tilespmem:s25+$0x340]  }
0xd2: {  	v17 =	vld [tilespmem:s25+$0x4340]  }
0xd3: {  	v30 =	vld [tilespmem:s25+$0x2360]  }
0xd4: {  	v31 =	vld [tilespmem:s25+$0x2340]  }
0xd5: {  	v32 =	vld [tilespmem:s25+$0x4360]  }
0xd6: {  	v33 =	vld [tilespmem:s25+$0x360]  }
0xd7: {  	v34 =	vld [tilespmem:s25+$0x350]  }
0xd8: {  	v35 =	vld [tilespmem:s25+$0x4350]  }
0xd9: {  	v36 =	vld [tilespmem:s25+$0x2350]  }
0xda: {  	v37 =	vld [tilespmem:s25+$0x4370]  }
0xdb: {  	v38 =	vld [tilespmem:s25+$0x2370]  }
0xdc: {  	v16 =	vmul.bf16 v17, v16;
	v17 =	vld [tilespmem:s25+$0x370]  }
0xdd: {  	v19 =	vmul.bf16 v32, v31  }
0xde: {  	v39 =	vmul.bf16 v35, v34;
	v16 =	vmul.bf16 v30, v16  }
0xdf: {  	v40 =	vmul.bf16 v37, v36;
	v19 =	vmul.bf16 v33, v19  }
0xe0: {  	v18 =	vmul.bf16 v38, v39;
	v41 =	vunpack.i.u.bf16.f32 v16;
	v16 =	vunpack.i.l.bf16.f32 v16  }
0xe1: {  	v42 =	vunpack.i.u.bf16.f32 v19;
	v19 =	vunpack.i.l.bf16.f32 v19;
	v17 =	vmul.bf16 v17, v40  }
0xe2: {  	v43 =	vunpack.i.u.bf16.f32 v18;
	v18 =	vunpack.i.l.bf16.f32 v18;
	v16 =	vadd.f32 v16, v41  }
0xe3: {  	v19 =	vadd.f32 v19, v42;
	v44 =	vunpack.i.u.bf16.f32 v17;
	v17 =	vunpack.i.l.bf16.f32 v17  }
0xe4: {  	v18 =	vadd.f32 v18, v43;
	v17 =	vadd.f32 v17, v44;
	_ =	sdelay $0x1  }
0xe5: {  	v16 =	vadd.f32 v19, v16;
	v17 =	vadd.f32 v17, v18;
	_ =	sdelay $0x1  }
0xe6: {  	v16 =	vadd.f32 v17, v16;
	_ =	sdelay $0x1  }
0xe7: {  	[tilespmem:$0x61F0] =	vst v16  }
0xe8: {  	v16 =	vld [tilespmem:s25+$0x380]  }
0xe9: {  	v17 =	vld [tilespmem:s25+$0x4380]  }
0xea: {  	v45 =	vld [tilespmem:s25+$0x23A0]  }
0xeb: {  	v46 =	vld [tilespmem:s25+$0x2380]  }
0xec: {  	v47 =	vld [tilespmem:s25+$0x43A0]  }
0xed: {  	v48 =	vld [tilespmem:s25+$0x3A0]  }
0xee: {  	v49 =	vld [tilespmem:s25+$0x390]  }
0xef: {  	v50 =	vld [tilespmem:s25+$0x4390]  }
0xf0: {  	v51 =	vld [tilespmem:s25+$0x2390]  }
0xf1: {  	v52 =	vld [tilespmem:s25+$0x43B0]  }
0xf2: {  	v53 =	vld [tilespmem:s25+$0x23B0]  }
0xf3: {  	v16 =	vmul.bf16 v17, v16;
	v17 =	vld [tilespmem:s25+$0x3B0]  }
0xf4: {  	v19 =	vmul.bf16 v47, v46  }
0xf5: {  	v54 =	vmul.bf16 v50, v49;
	v16 =	vmul.bf16 v45, v16  }
0xf6: {  	v55 =	vmul.bf16 v52, v51;
	v19 =	vmul.bf16 v48, v19  }
0xf7: {  	v18 =	vmul.bf16 v53, v54;
	v56 =	vunpack.i.u.bf16.f32 v16;
	v16 =	vunpack.i.l.bf16.f32 v16  }
0xf8: {  	v57 =	vunpack.i.u.bf16.f32 v19;
	v19 =	vunpack.i.l.bf16.f32 v19;
	v17 =	vmul.bf16 v17, v55  }
0xf9: {  	v58 =	vunpack.i.u.bf16.f32 v18;
	v18 =	vunpack.i.l.bf16.f32 v18;
	v16 =	vadd.f32 v16, v56  }
0xfa: {  	v19 =	vadd.f32 v19, v57;
	v59 =	vunpack.i.u.bf16.f32 v17;
	v17 =	vunpack.i.l.bf16.f32 v17  }
0xfb: {  	v18 =	vadd.f32 v18, v58;
	v17 =	vadd.f32 v17, v59;
	_ =	sdelay $0x1  }
0xfc: {  	v16 =	vadd.f32 v19, v16;
	v17 =	vadd.f32 v17, v18;
	_ =	sdelay $0x1  }
0xfd: {  	v16 =	vadd.f32 v17, v16;
	_ =	sdelay $0x1  }
0xfe: {  	[tilespmem:$0x6200] =	vst v16  }
0xff: {  	v16 =	vld [tilespmem:s25+$0x3C0]  }
0x100: {  	v17 =	vld [tilespmem:s25+$0x43C0]  }
0x101: {  	v60 =	vld [tilespmem:s25+$0x23E0]  }
0x102: {  	v61 =	vld [tilespmem:s25+$0x23C0]  }
0x103: {  	v62 =	vld [tilespmem:s25+$0x43E0]  }
0x104: {  	v63 =	vld [tilespmem:s25+$0x3E0]  }
0x105: {  	v28 =	vld [tilespmem:s25+$0x3D0]  }
0x106: {  	v29 =	vld [tilespmem:s25+$0x43D0]  }
0x107: {  	v30 =	vld [tilespmem:s25+$0x23D0]  }
0x108: {  	v31 =	vld [tilespmem:s25+$0x43F0]  }
0x109: {  	v32 =	vld [tilespmem:s25+$0x23F0]  }
0x10a: {  	v16 =	vmul.bf16 v17, v16;
	v17 =	vld [tilespmem:s25+$0x3F0]  }
0x10b: {  	v19 =	vmul.bf16 v62, v61  }
0x10c: {  	v33 =	vmul.bf16 v29, v28;
	v16 =	vmul.bf16 v60, v16  }
0x10d: {  	v34 =	vmul.bf16 v31, v30;
	v19 =	vmul.bf16 v63, v19  }
0x10e: {  	v18 =	vmul.bf16 v32, v33;
	v35 =	vunpack.i.u.bf16.f32 v16;
	v16 =	vunpack.i.l.bf16.f32 v16  }
0x10f: {  	v36 =	vunpack.i.u.bf16.f32 v19;
	v19 =	vunpack.i.l.bf16.f32 v19;
	v17 =	vmul.bf16 v17, v34  }
0x110: {  	v37 =	vunpack.i.u.bf16.f32 v18;
	v18 =	vunpack.i.l.bf16.f32 v18;
	v16 =	vadd.f32 v16, v35  }
0x111: {  	v19 =	vadd.f32 v19, v36;
	v38 =	vunpack.i.u.bf16.f32 v17;
	v17 =	vunpack.i.l.bf16.f32 v17  }
0x112: {  	v18 =	vadd.f32 v18, v37;
	v17 =	vadd.f32 v17, v38;
	_ =	sdelay $0x1  }
0x113: {  	v16 =	vadd.f32 v19, v16;
	v17 =	vadd.f32 v17, v18;
	_ =	sdelay $0x1  }
0x114: {  	v16 =	vadd.f32 v17, v16;
	_ =	sdelay $0x1  }
0x115: {  	[tilespmem:$0x6210] =	vst v16  }
0x116: {  	v16 =	vld [tilespmem:s25+$0x400]  }
0x117: {  	v17 =	vld [tilespmem:s25+$0x4400]  }
0x118: {  	v39 =	vld [tilespmem:s25+$0x2420]  }
0x119: {  	v40 =	vld [tilespmem:s25+$0x2400]  }
0x11a: {  	v41 =	vld [tilespmem:s25+$0x4420]  }
0x11b: {  	v42 =	vld [tilespmem:s25+$0x420]  }
0x11c: {  	v43 =	vld [tilespmem:s25+$0x410]  }
0x11d: {  	v44 =	vld [tilespmem:s25+$0x4410]  }
0x11e: {  	v45 =	vld [tilespmem:s25+$0x2410]  }
0x11f: {  	v46 =	vld [tilespmem:s25+$0x4430]  }
0x120: {  	v47 =	vld [tilespmem:s25+$0x2430]  }
0x121: {  	v16 =	vmul.bf16 v17, v16;
	v17 =	vld [tilespmem:s25+$0x430]  }
0x122: {  	v19 =	vmul.bf16 v41, v40  }
0x123: {  	v48 =	vmul.bf16 v44, v43;
	v16 =	vmul.bf16 v39, v16  }
0x124: {  	v49 =	vmul.bf16 v46, v45;
	v19 =	vmul.bf16 v42, v19  }
0x125: {  	v18 =	vmul.bf16 v47, v48;
	v50 =	vunpack.i.u.bf16.f32 v16;
	v16 =	vunpack.i.l.bf16.f32 v16  }
0x126: {  	v51 =	vunpack.i.u.bf16.f32 v19;
	v19 =	vunpack.i.l.bf16.f32 v19;
	v17 =	vmul.bf16 v17, v49  }
0x127: {  	v52 =	vunpack.i.u.bf16.f32 v18;
	v18 =	vunpack.i.l.bf16.f32 v18;
	v16 =	vadd.f32 v16, v50  }
0x128: {  	v19 =	vadd.f32 v19, v51;
	v53 =	vunpack.i.u.bf16.f32 v17;
	v17 =	vunpack.i.l.bf16.f32 v17  }
0x129: {  	v18 =	vadd.f32 v18, v52;
	v17 =	vadd.f32 v17, v53;
	_ =	sdelay $0x1  }
0x12a: {  	v16 =	vadd.f32 v19, v16;
	v17 =	vadd.f32 v17, v18;
	_ =	sdelay $0x1  }
0x12b: {  	v16 =	vadd.f32 v17, v16;
	_ =	sdelay $0x1  }
0x12c: {  	[tilespmem:$0x6220] =	vst v16  }
0x12d: {  	v16 =	vld [tilespmem:s25+$0x440]  }
0x12e: {  	v17 =	vld [tilespmem:s25+$0x4440]  }
0x12f: {  	v54 =	vld [tilespmem:s25+$0x2460]  }
0x130: {  	v55 =	vld [tilespmem:s25+$0x2440]  }
0x131: {  	v56 =	vld [tilespmem:s25+$0x4460]  }
0x132: {  	v57 =	vld [tilespmem:s25+$0x460]  }
0x133: {  	v58 =	vld [tilespmem:s25+$0x450]  }
0x134: {  	v59 =	vld [tilespmem:s25+$0x4450]  }
0x135: {  	v60 =	vld [tilespmem:s25+$0x2450]  }
0x136: {  	v61 =	vld [tilespmem:s25+$0x4470]  }
0x137: {  	v62 =	vld [tilespmem:s25+$0x2470]  }
0x138: {  	v16 =	vmul.bf16 v17, v16;
	v17 =	vld [tilespmem:s25+$0x470]  }
0x139: {  	v19 =	vmul.bf16 v56, v55  }
0x13a: {  	v63 =	vmul.bf16 v59, v58;
	v16 =	vmul.bf16 v54, v16  }
0x13b: {  	v24 =	vmul.bf16 v61, v60;
	v19 =	vmul.bf16 v57, v19  }
0x13c: {  	v18 =	vmul.bf16 v62, v63;
	v25 =	vunpack.i.u.bf16.f32 v16;
	v16 =	vunpack.i.l.bf16.f32 v16  }
0x13d: {  	v27 =	vunpack.i.u.bf16.f32 v19;
	v19 =	vunpack.i.l.bf16.f32 v19;
	v17 =	vmul.bf16 v17, v24  }
0x13e: {  	v28 =	vunpack.i.u.bf16.f32 v18;
	v18 =	vunpack.i.l.bf16.f32 v18;
	v16 =	vadd.f32 v16, v25  }
0x13f: {  	v19 =	vadd.f32 v19, v27;
	v29 =	vunpack.i.u.bf16.f32 v17;
	v17 =	vunpack.i.l.bf16.f32 v17  }
0x140: {  	v18 =	vadd.f32 v18, v28;
	v17 =	vadd.f32 v17, v29;
	_ =	sdelay $0x1  }
0x141: {  	v16 =	vadd.f32 v19, v16;
	v17 =	vadd.f32 v17, v18;
	_ =	sdelay $0x1  }
0x142: {  	v16 =	vadd.f32 v17, v16;
	_ =	sdelay $0x1  }
0x143: {  	[tilespmem:$0x6230] =	vst v16  }
0x144: {  	v16 =	vld [tilespmem:s25+$0x480]  }
0x145: {  	v17 =	vld [tilespmem:s25+$0x4480]  }
0x146: {  	v30 =	vld [tilespmem:s25+$0x24A0]  }
0x147: {  	v31 =	vld [tilespmem:s25+$0x2480]  }
0x148: {  	v32 =	vld [tilespmem:s25+$0x44A0]  }
0x149: {  	v33 =	vld [tilespmem:s25+$0x4A0]  }
0x14a: {  	v34 =	vld [tilespmem:s25+$0x490]  }
0x14b: {  	v35 =	vld [tilespmem:s25+$0x4490]  }
0x14c: {  	v36 =	vld [tilespmem:s25+$0x2490]  }
0x14d: {  	v37 =	vld [tilespmem:s25+$0x44B0]  }
0x14e: {  	v38 =	vld [tilespmem:s25+$0x24B0]  }
0x14f: {  	v16 =	vmul.bf16 v17, v16;
	v17 =	vld [tilespmem:s25+$0x4B0]  }
0x150: {  	v19 =	vmul.bf16 v32, v31  }
0x151: {  	v39 =	vmul.bf16 v35, v34;
	v16 =	vmul.bf16 v30, v16  }
0x152: {  	v40 =	vmul.bf16 v37, v36;
	v19 =	vmul.bf16 v33, v19  }
0x153: {  	v18 =	vmul.bf16 v38, v39;
	v41 =	vunpack.i.u.bf16.f32 v16;
	v16 =	vunpack.i.l.bf16.f32 v16  }
0x154: {  	v42 =	vunpack.i.u.bf16.f32 v19;
	v19 =	vunpack.i.l.bf16.f32 v19;
	v17 =	vmul.bf16 v17, v40  }
0x155: {  	v43 =	vunpack.i.u.bf16.f32 v18;
	v18 =	vunpack.i.l.bf16.f32 v18;
	v16 =	vadd.f32 v16, v41  }
0x156: {  	v19 =	vadd.f32 v19, v42;
	v44 =	vunpack.i.u.bf16.f32 v17;
	v17 =	vunpack.i.l.bf16.f32 v17  }
0x157: {  	v18 =	vadd.f32 v18, v43;
	v17 =	vadd.f32 v17, v44;
	_ =	sdelay $0x1  }
0x158: {  	v16 =	vadd.f32 v19, v16;
	v17 =	vadd.f32 v17, v18;
	_ =	sdelay $0x1  }
0x159: {  	v16 =	vadd.f32 v17, v16;
	_ =	sdelay $0x1  }
0x15a: {  	[tilespmem:$0x6240] =	vst v16  }
0x15b: {  	v16 =	vld [tilespmem:s25+$0x4C0]  }
0x15c: {  	v17 =	vld [tilespmem:s25+$0x44C0]  }
0x15d: {  	v45 =	vld [tilespmem:s25+$0x24E0]  }
0x15e: {  	v46 =	vld [tilespmem:s25+$0x24C0]  }
0x15f: {  	v47 =	vld [tilespmem:s25+$0x44E0]  }
0x160: {  	v48 =	vld [tilespmem:s25+$0x4E0]  }
0x161: {  	v49 =	vld [tilespmem:s25+$0x4D0]  }
0x162: {  	v50 =	vld [tilespmem:s25+$0x44D0]  }
0x163: {  	v51 =	vld [tilespmem:s25+$0x24D0]  }
0x164: {  	v52 =	vld [tilespmem:s25+$0x44F0]  }
0x165: {  	v53 =	vld [tilespmem:s25+$0x24F0]  }
0x166: {  	v16 =	vmul.bf16 v17, v16;
	v17 =	vld [tilespmem:s25+$0x4F0]  }
0x167: {  	v19 =	vmul.bf16 v47, v46  }
0x168: {  	v54 =	vmul.bf16 v50, v49;
	v16 =	vmul.bf16 v45, v16  }
0x169: {  	v55 =	vmul.bf16 v52, v51;
	v19 =	vmul.bf16 v48, v19  }
0x16a: {  	v18 =	vmul.bf16 v53, v54;
	v56 =	vunpack.i.u.bf16.f32 v16;
	v16 =	vunpack.i.l.bf16.f32 v16  }
0x16b: {  	v57 =	vunpack.i.u.bf16.f32 v19;
	v19 =	vunpack.i.l.bf16.f32 v19;
	v17 =	vmul.bf16 v17, v55  }
0x16c: {  	v58 =	vunpack.i.u.bf16.f32 v18;
	v18 =	vunpack.i.l.bf16.f32 v18;
	v16 =	vadd.f32 v16, v56  }
0x16d: {  	v19 =	vadd.f32 v19, v57;
	v59 =	vunpack.i.u.bf16.f32 v17;
	v17 =	vunpack.i.l.bf16.f32 v17  }
0x16e: {  	v18 =	vadd.f32 v18, v58;
	v17 =	vadd.f32 v17, v59;
	_ =	sdelay $0x1  }
0x16f: {  	v16 =	vadd.f32 v19, v16;
	v17 =	vadd.f32 v17, v18;
	_ =	sdelay $0x1  }
0x170: {  	v16 =	vadd.f32 v17, v16;
	_ =	sdelay $0x1  }
0x171: {  	[tilespmem:$0x6250] =	vst v16  }
0x172: {  	v16 =	vld [tilespmem:s25+$0x500]  }
0x173: {  	v17 =	vld [tilespmem:s25+$0x4500]  }
0x174: {  	v60 =	vld [tilespmem:s25+$0x2520]  }
0x175: {  	v61 =	vld [tilespmem:s25+$0x2500]  }
0x176: {  	v62 =	vld [tilespmem:s25+$0x4520]  }
0x177: {  	v63 =	vld [tilespmem:s25+$0x520]  }
0x178: {  	v28 =	vld [tilespmem:s25+$0x510]  }
0x179: {  	v29 =	vld [tilespmem:s25+$0x4510]  }
0x17a: {  	v30 =	vld [tilespmem:s25+$0x2510]  }
0x17b: {  	v31 =	vld [tilespmem:s25+$0x4530]  }
0x17c: {  	v32 =	vld [tilespmem:s25+$0x2530]  }
0x17d: {  	v16 =	vmul.bf16 v17, v16;
	v17 =	vld [tilespmem:s25+$0x530]  }
0x17e: {  	v19 =	vmul.bf16 v62, v61  }
0x17f: {  	v33 =	vmul.bf16 v29, v28;
	v16 =	vmul.bf16 v60, v16  }
0x180: {  	v34 =	vmul.bf16 v31, v30;
	v19 =	vmul.bf16 v63, v19  }
0x181: {  	v18 =	vmul.bf16 v32, v33;
	v35 =	vunpack.i.u.bf16.f32 v16;
	v16 =	vunpack.i.l.bf16.f32 v16  }
0x182: {  	v36 =	vunpack.i.u.bf16.f32 v19;
	v19 =	vunpack.i.l.bf16.f32 v19;
	v17 =	vmul.bf16 v17, v34  }
0x183: {  	v37 =	vunpack.i.u.bf16.f32 v18;
	v18 =	vunpack.i.l.bf16.f32 v18;
	v16 =	vadd.f32 v16, v35  }
0x184: {  	v19 =	vadd.f32 v19, v36;
	v38 =	vunpack.i.u.bf16.f32 v17;
	v17 =	vunpack.i.l.bf16.f32 v17  }
0x185: {  	v18 =	vadd.f32 v18, v37;
	v17 =	vadd.f32 v17, v38;
	_ =	sdelay $0x1  }
0x186: {  	v16 =	vadd.f32 v19, v16;
	v17 =	vadd.f32 v17, v18;
	_ =	sdelay $0x1  }
0x187: {  	v16 =	vadd.f32 v17, v16;
	_ =	sdelay $0x1  }
0x188: {  	[tilespmem:$0x6260] =	vst v16  }
0x189: {  	v16 =	vld [tilespmem:s25+$0x540]  }
0x18a: {  	v17 =	vld [tilespmem:s25+$0x4540]  }
0x18b: {  	v39 =	vld [tilespmem:s25+$0x2560]  }
0x18c: {  	v40 =	vld [tilespmem:s25+$0x2540]  }
0x18d: {  	v41 =	vld [tilespmem:s25+$0x4560]  }
0x18e: {  	v42 =	vld [tilespmem:s25+$0x560]  }
0x18f: {  	v43 =	vld [tilespmem:s25+$0x550]  }
0x190: {  	v44 =	vld [tilespmem:s25+$0x4550]  }
0x191: {  	v45 =	vld [tilespmem:s25+$0x2550]  }
0x192: {  	v46 =	vld [tilespmem:s25+$0x4570]  }
0x193: {  	v47 =	vld [tilespmem:s25+$0x2570]  }
0x194: {  	v16 =	vmul.bf16 v17, v16;
	v17 =	vld [tilespmem:s25+$0x570]  }
0x195: {  	v19 =	vmul.bf16 v41, v40  }
0x196: {  	v48 =	vmul.bf16 v44, v43;
	v16 =	vmul.bf16 v39, v16  }
0x197: {  	v49 =	vmul.bf16 v46, v45;
	v19 =	vmul.bf16 v42, v19  }
0x198: {  	v18 =	vmul.bf16 v47, v48;
	v50 =	vunpack.i.u.bf16.f32 v16;
	v16 =	vunpack.i.l.bf16.f32 v16  }
0x199: {  	v51 =	vunpack.i.u.bf16.f32 v19;
	v19 =	vunpack.i.l.bf16.f32 v19;
	v17 =	vmul.bf16 v17, v49  }
0x19a: {  	v52 =	vunpack.i.u.bf16.f32 v18;
	v18 =	vunpack.i.l.bf16.f32 v18;
	v16 =	vadd.f32 v16, v50  }
0x19b: {  	v19 =	vadd.f32 v19, v51;
	v53 =	vunpack.i.u.bf16.f32 v17;
	v17 =	vunpack.i.l.bf16.f32 v17  }
0x19c: {  	v18 =	vadd.f32 v18, v52;
	v17 =	vadd.f32 v17, v53;
	_ =	sdelay $0x1  }
0x19d: {  	v16 =	vadd.f32 v19, v16;
	v17 =	vadd.f32 v17, v18;
	_ =	sdelay $0x1  }
0x19e: {  	v16 =	vadd.f32 v17, v16;
	_ =	sdelay $0x1  }
0x19f: {  	[tilespmem:$0x6270] =	vst v16  }
0x1a0: {  	v16 =	vld.idx.msk [tilespmem:v0+s18+$0x0], $0xffff;
	_ =	sdelay $0x1  }
0x1a1: {  	v17 =	vld.idx.msk [tilespmem:v1+s18+$0x0], $0xffff;
	_ =	sdelay $0x1  }
0x1a2: {  	v54 =	vld.idx.msk [tilespmem:v2+s18+$0x0], $0xffff  }
0x1a3: {  	v16 =	vadd.f32 $0.0e+00, v16  }
0x1a4: {  	v55 =	vld.idx.msk [tilespmem:v3+s18+$0x0], $0xffff  }
0x1a5: {  	v16 =	vadd.f32 v17, v16  }
0x1a6: {  	v17 =	vld.idx.msk [tilespmem:v4+s18+$0x0], $0xffff  }
0x1a7: {  	v16 =	vadd.f32 v54, v16  }
0x1a8: {  	v56 =	vld.idx.msk [tilespmem:v5+s18+$0x0], $0xffff  }
0x1a9: {  	v16 =	vadd.f32 v55, v16  }
0x1aa: {  	v57 =	vld.idx.msk [tilespmem:v6+s18+$0x0], $0xffff  }
0x1ab: {  	v16 =	vadd.f32 v17, v16  }
0x1ac: {  	v17 =	vld.idx.msk [tilespmem:v7+s18+$0x0], $0xffff  }
0x1ad: {  	v16 =	vadd.f32 v56, v16  }
0x1ae: {  	v58 =	vld.idx.msk [tilespmem:v8+s18+$0x0], $0xffff  }
0x1af: {  	v16 =	vadd.f32 v57, v16  }
0x1b0: {  	v59 =	vld.idx.msk [tilespmem:v9+s18+$0x0], $0xffff  }
0x1b1: {  	v16 =	vadd.f32 v17, v16  }
0x1b2: {  	v17 =	vld.idx.msk [tilespmem:v10+s18+$0x0], $0xffff  }
0x1b3: {  	v16 =	vadd.f32 v58, v16  }
0x1b4: {  	v60 =	vld.idx.msk [tilespmem:v11+s18+$0x0], $0xffff  }
0x1b5: {  	v16 =	vadd.f32 v59, v16  }
0x1b6: {  	v61 =	vld.idx.msk [tilespmem:v12+s18+$0x0], $0xffff  }
0x1b7: {  	v16 =	vadd.f32 v17, v16  }
0x1b8: {  	v17 =	vld.idx.msk [tilespmem:v13+s18+$0x0], $0xffff  }
0x1b9: {  	v16 =	vadd.f32 v60, v16  }
0x1ba: {  	v62 =	vld.idx.msk [tilespmem:v14+s18+$0x0], $0xffff  }
0x1bb: {  	v16 =	vadd.f32 v61, v16  }
0x1bc: {  	v63 =	vld.idx.msk [tilespmem:v15+s18+$0x0], $0xffff  }
0x1bd: {  	v16 =	vadd.f32 v17, v16;
	_ =	sdelay $0x1  }
0x1be: {  	v16 =	vadd.f32 v62, v16;
	_ =	sdelay $0x1  }
0x1bf: {  	v16 =	vadd.f32 v63, v16  }
0x1c0: {  	p0 =	sne.s32 s23, $0x7000  }
.Ltmp0:
0x1c1: {  	v16 =	vmul.f32 $5.000000000e-01, v16;
	(pc) =	sbr.rel @p0 .LBB2_3-.Ltmp0, $4  }
0x1c2: {  	_ = 	snop  }
0x1c3: {  	v16 =	vmax.f32 v16, $-2.000000000e+01  }
0x1c4: {  	v16 =	vmin.f32 v16, $2.000000000e+01  }
0x1c5: {  	s23 =	sadd.s32 $0x1000, s23;
	[tilespmem:s24+$0x0] =	vst v16;
	s24 =	sadd.s32 $0x10, s24  }
0x1c6: {  	s22 =	sadd.s32 $0x1, s22  }
0x1c7: {  	p0 =	sne.s32 s22, $0x4  }
.Ltmp1:
0x1c8: {  	_ = 	snop;
	(pc) =	sbr.rel @p0 .LBB2_2-.Ltmp1, $2  }
0x1c9: {  	_ =	sdelay $0x2  }
0x1ca: {  	s21 =	sadd.s32 $0x80, s21  }
0x1cb: {  	s20 =	sadd.s32 $0x1, s20  }
0x1cc: {  	p0 =	sne.s32 s20, s10  }
.Ltmp2:
0x1cd: {  	_ = 	snop;
	(pc) =	sbr.rel @p0 .LBB2_1-.Ltmp2, $4  }
0x1ce: {  	[hbm4b:s9+s5] =	stream.linear.scatter [tilespmem:s19], [sflag:$0x2], $0x200, $0x38;
	[tilespmem:$0x6480] =	vst v63  }
0x1cf: {  	_ =	swait.ge [sflag:s11], $0x200  }
0x1d0: {  	[sflag:s11] =	ssyncset.done $0x0  }
0x1d1: {  	[sflag:s11] =	ssyncadd.s32 $0xFFFFFE00  }
0x1d2: {  	_ =	sfence.sel $0x180000  }
0x1d3: {  	[bflag:$0x0] =	sbarrier.arrive $0xFFFF  }
0x1d4: {  	p0 =	sne.s32 s4, $0x0;
	_ =	strace $0x90000050  }
0x1d5: {  	s0 =	sadd.s32 @!p0 $0x100000, s0;
	[bflag:$0x2] =	sbarrier.arrive $0xFFFF  }
0x1d6: {  	[sflag:s0] =	ssyncadd.tile.s32 @!p0 $0x1;
	_ =	shalt  }
.Lfunc_end2:
_tile_overlayer_lowered:
.L_overlay_start_2:
0x1d7: {  	(tag) =	ssettag $0x2  }
0x1d8: {  	s0 =	rddreg [dreg:$0x0];
	s2 =	stileid.u32  }
0x1d9: {  	s1 =	rddreg [dreg:$0x1];
	p0 =	sne.s32 s2, $0x0  }
0x1da: {  	s3 =	rddreg [dreg:$0x2];
	[bflag:$0x3] =	sbarrier.arrive $0xFFFF;
	s2 =	simm.s32 @!p0 $0x1C02  }
0x1db: {  	[timem:s3], [sflag:s2] =	dma.local @!p0 [hbm:s0], s1  }
0x1dc: {  	s0 =	simm.s32 @!p0 $0x2  }
0x1dd: {  	_ =	swait.ge @!p0 [sflag:s0], s1  }
0x1de: {  	s1 =	ssub.s32 @!p0 $0x0, s1;
	[sflag:s0] =	ssyncset.done @!p0 $0x0  }
0x1df: {  	[sflag:s0] =	ssyncadd.s32 @!p0 s1  }
0x1e0: {  	[bflag:$0x3] =	sbarrier.arrive $0xFFFF  }
0x1e1: {  	_ =	shalt  }

// kernel: sparse-core-data-format-call.1.cloned.1.call-start
scs
called_computation.1_lowered:
.L_overlay_start_0:
0x0: {  	s1 =	sld [smem:$0x3FD9]  }
0x1: {  	s2 =	sld [smem:$0x3FFE];
	_ =	sdelay $0x1  }
0x2: {  	s3 =	srdreg.scid  }
0x3: {  	s0 =	sand.u32 $0x1, s3  }
0x4: {  	s17 =	sshll.u32 s0, $0xA;
	s1 =	sadd.s32 s2, s1  }
0x5: {  	s1 =	sadd.s32 s1, s17  }
0x6: {  	[smem:$0x3FC1] =	sst s1  }
0x7: {  	_ = 	snop  }
0x8: {  	(tm) =	ssettm $0x1  }
0x9: {  	s18 =	sld [smem:$0x3FFB];
	_ =	sdelay $0x3  }
0xa: {  	_ =	strace s18  }
0xb: {  	s1 =	sld [smem:$0x3FFC];
	_ =	sdelay $0x3  }
0xc: {  	_ =	strace s1  }
0xd: {  	s1 =	sld [smem:$0x3FFD];
	_ =	sdelay $0x3  }
0xe: {  	_ =	strace s1  }
0xf: {  	_ =	strace $0x8FFFFFFF  }
0x10: {  	s19 =	sld [smem:$0x3FDB];
	_ =	sdelay $0x1  }
0x11: {  	s20 =	simm.s32 $_scs_section_size  }
0x12: {  	s4 =	simm.s32 $_size__tile_overlayer_lowered;
	s5 =	simm.s32 $_tile_overlayer_lowered  }
0x13: {  	s23 =	simm.s32 $0x1BFF;
	s22 =	sshll.u32 s5, $0x1;
	s1 =	sadd.s32 s20, s19  }
0x14: {  	s6 =	simm.s32 $0x0;
	s21 =	sshll.u32 s4, $0x1;
	s4 =	sadd.s32 s22, s1  }
0x15: {  	[timem:s6], [sflag:s23] =	dma.local [hbm:s4], s21  }
0x16: {  	_ =	swait.ge [sflag:s23], s21  }
0x17: {  	s2 =	ssub.s32 $0x0, s21;
	[sflag:s23] =	ssyncset.done $0x0  }
0x18: {  	[sflag:s23] =	ssyncadd.s32 s2;
	_ =	sdelay $0x1  }
0x19: {  	s24 =	simm.s32 $0x1B8B  }
0x1a: {  	_ =	swait.ge [sflag:s24], $0x1  }
0x1b: {  	[sflag:s24] =	ssyncset.done $0x0  }
0x1c: {  	s26 =	simm.s32 $0x1B8E;
	s25 =	sld [smem:$0x3FFE];
	[sflag:s24] =	ssyncadd.s32 $0xFFFFFFFF  }
0x1d: {  	s27 =	simm.s32 $execute0_lowered;
	[smem:$0x3FD2] =	sst s26  }
0x1e: {  	s4 =	sshll.u32 s27, $0x1;
	_ =	strace $0x80000046;
	[dreg:$0x1] =	wrdreg $0xFFFFFFFF  }
0x1f: {  	s28 =	simm.s32 $_size_execute0_lowered;
	s1 =	sadd.s32 s1, s4;
	[dreg:$0x0] =	wrdreg $0x0  }
0x20: {  	s4 =	sshll.u32 s28, $0x1;
	[dreg:$0x2] =	wrdreg s1  }
0x21: {  	[dreg:$0x3] =	wrdreg s4  }
0x22: {  	[dreg:$0x4] =	wrdreg $0xC0  }
0x23: {  	_ =	task [dreg:s6], $0x5FFFF  }
0x24: {  	[dreg:$0x1] =	wrdreg $0xFFFFFFFF  }
0x25: {  	[dreg:$0x0] =	wrdreg $0x60  }
0x26: {  	[dreg:$0x2] =	wrdreg s25  }
0x27: {  	[dreg:$0x3] =	wrdreg $0x9  }
0x28: {  	_ =	task.clear_ibuf [dreg:s6], $0x4FFFF;
	_ =	strace $0x90000046  }
0x29: {  	s29 =	simm.s32 $0x9;
	_ =	strace $0x80000048  }
0x2a: {  	_ =	swait.ge [sflag:s29], $0x1  }
0x2b: {  	[sflag:s29] =	ssyncadd.s32 $0xFFFFFFFF  }
0x2c: {  	_ =	strace $0x90000048  }
0x2d: {  	_ =	sfence  }
0x2e: {  	s30 =	sld [smem:$0x0];
	_ =	sdelay $0x2  }
0x2f: {  	s31 =	sshll.u32 s3, $0xD;
	s3 =	sshrl.u32 s3, $0x2  }
0x30: {  	s2 =	sand.u32 $0x4000, s31;
	s1 =	sadd.s32 s3, s30  }
0x31: {  	s0 =	sor.u32 s2, s0;
	s1 =	sshll.u32 s1, $0x11  }
0x32: {  	s0 =	sor.u32 s1, s0  }
0x33: {  	s0 =	sadd.s32 $0x8F2B, s0  }
0x34: {  	[sflag:s0] =	ssyncadd.remote.s32 $0x1  }
0x35: {  	_ =	sfence.sel $0xFFFF  }
0x36: {  	[dreg:$0x0] =	wrdreg $0xFFFFFFFF;
	(pc) =	sbr.abs _section_cstart, $3  }
0x37: {  	[dreg:$0x1] =	wrdreg $0xFFFFFFFF  }
0x38: {  	_ =	task.clear_ibuf [dreg:s6], $0x2FFFF;
	_ =	strace $0x9FFFFFFF  }
0x39: {  	(tm) =	ssettm $0x7FFFFFFF  }
tec
execute0_lowered:
.L_overlay_start_1:
0x0: {  	(tag) =	ssettag $0x1  }
0x1: {  	s0 =	srdreg.scid  }
0x2: {  	s5 =	rddreg [dreg:$0x0];
	s1 =	stileid.u32;
	s4 =	simm.s32 $0x1  }
0x3: {  	s6 =	simm.s32 $0x2;
	s15 =	simm.s32 $0x0;
	p0 =	por $0x0, $0x0  }
0x4: {  	s8 =	simm.s32 $0x80;
	s14 =	simm.s32 $0x0;
	s2 =	sshll.u32 s0, $0x4  }
0x5: {  	s9 =	simm.s32 $0x0;
	s10 =	simm.s32 $0x0;
	s2 =	sand.u32 $0x10, s2  }
.Ltmp0:
0x6: {  	s12 =	simm.s32 $0x0;
	s3 =	sor.u32 s1, s2;
	(pc) =	sbr.rel .LBB1_1-.Ltmp0, $4  }
0x7: {  	s0 =	rddreg [dreg:$0x1];
	_ =	strace $0x80000047;
	s3 =	sshll.u32 s3, $0x7  }
0x8: {  	s13 =	simm.s32 $0x0;
	[sflag:s4] =	ssyncpa.u1 $0x0;
	s7 =	ssub.s32 $0xF4200, s3  }
0x9: {  	s2 =	sadd.s32 $0x1400, s5;
	[sflag:s6] =	ssyncpa.u1 $0x0;
	s6 =	sshrl.u32 s7, $0xC  }
0xa: {  	s5 =	sadd.s32 $0x3D1E00, s5;
	s11 =	smov.u32 s3;
	s7 =	sadd.s32 $0x2, s6  }
.LBB1_5:
0xb: {  	p1 =	slt.u32 s13, $0x2  }
0xc: {  	s17 =	smov.u32 s15;
	p2 =	sgt.s32 @!p1 s15, $0xF41C0;
	s16 =	sshra.s32 @!p1 s15, $0x1F  }
0xd: {  	p3 =	sgt.s32 @!p1 s14, $0x40;
	s18 =	sshra.s32 @!p1 s14, $0x1F;
	p2 =	por !p2, p1  }
0xe: {  	s15 =	sand.u32 @!p1 s16, s15;
	p3 =	por !p3, p1;
	s16 =	smov.u32 s14  }
0xf: {  	s14 =	sand.u32 @!p1 s18, s14;
	s17 =	simm.s32 @p2 $0xF41C0;
	s16 =	simm.s32 @p3 $0x40  }
0x10: {  	s15 =	ssub.s32 @!p1 s17, s15;
	s14 =	ssub.s32 @!p1 s16, s14  }
0x11: {  	s18 =	smov.u32 s12;
	s16 =	sadd.s32 @!p1 $0xFFF0BE40, s15;
	s17 =	sadd.s32 @!p1 $0xFFFFFFC0, s14  }
0x12: {  	s15 =	ssub.s32 @!p1 $0xF4240, s15;
	p2 =	sgt.s32 @!p1 s16, $0x7F;
	p3 =	sgt.s32 @!p1 s17, $0x3F  }
0x13: {  	s14 =	ssub.s32 @!p1 $0x80, s14;
	p2 =	por !p2, p1;
	p3 =	por !p3, p1  }
0x14: {  	s16 =	sadd.s32 $0x1000, s11;
	s15 =	simm.s32 @!p2 $0x0;
	s14 =	simm.s32 @!p3 $0x0  }
0x15: {  	p2 =	sgt.s32 s16, $0xF423F;
	s14 =	smul.u32 @!p1 s14, s15;
	s15 =	sadd.s32 $0x40, s12  }
0x16: {  	s18 =	smov.u32 @p2 s15  }
0x17: {  	s16 =	smov.u32 @p2 s3;
	p2 =	sgt.s32 s18, $0x3F  }
0x18: {  	p0 =	por !p0, !p0;
	s18 =	simm.s32 @p2 $0x0;
	p2 =	sne.s32 s13, s7  }
.Ltmp1:
0x19: {  	s17 =	simm.s32 @!p1 $0x2;
	s14 =	sshrl.u32 @!p1 s14, $0x1;
	(pc) =	sbr.rel @!p2 .LBB1_6-.Ltmp1, $4  }
0x1a: {  	s15 =	smov.u32 s9;
	s9 =	smov.u32 s11;
	s14 =	sand.u32 @!p1 $0x3FFFFFFF, s14  }
0x1b: {  	s11 =	smov.u32 s16;
	s13 =	sadd.s32 $0x1, s13;
	_ =	swait.ge @!p1 [sflag:s17], s14  }
0x1c: {  	s19 =	ssub.s32 @!p1 $0x0, s14;
	s14 =	smov.u32 s10;
	[sflag:s17] =	ssyncset.done @!p1 $0x0  }
0x1d: {  	s10 =	smov.u32 s12;
	s12 =	smov.u32 s18;
	[sflag:s17] =	ssyncadd.s32 @!p1 s19  }
.LBB1_1:
0x1e: {  	p1 =	sgt.u32 s13, s6  }
0x1f: {  	s16 =	sshrl.u32 @!p1 s12, $0x3  }
0x20: {  	s17 =	sshll.u32 @!p1 s11, $0x3;
	s16 =	smul.u32 @!p1 $0x7A1400, s16  }
0x21: {  	s18 =	sshll.u32 @!p1 s12, $0x7;
	s17 =	sand.u32 @!p1 $0xFFFFFC00, s17  }
0x22: {  	s16 =	sadd.s32 @!p1 s16, s17;
	s17 =	sand.u32 @!p1 $0x300, s18;
	s18 =	sshll.u32 @!p1 s11, $0x1  }
0x23: {  	s16 =	sor.u32 @!p1 s17, s16;
	s17 =	sand.u32 @!p1 $0xFE, s18  }
0x24: {  	s18 =	sand.u32 @!p1 $0x1, s12;
	s16 =	sor.u32 @!p1 s17, s16  }
0x25: {  	s17 =	sor.u32 @!p1 s18, s16  }
0x26: {  	s18 =	smulhi.u32 @!p1 $0x218D6287, s17;
	_ =	sdelay $0x1  }
0x27: {  	s16 =	smulhi.u32 @!p1 $0x218D6287, s16;
	s18 =	sshrl.u32 @!p1 s18, $0x11  }
0x28: {  	s18 =	smul.u32 @!p1 $0xF4280, s18  }
0x29: {  	s16 =	sshrl.u32 @!p1 s16, $0x11  }
0x2a: {  	s16 =	sand.u32 @!p1 $0x3F, s16;
	s17 =	ssub.s32 @!p1 s17, s18  }
0x2b: {  	s16 =	smul.u32 @!p1 $0xF428, s16;
	s18 =	sshrl.u32 @!p1 s17, $0x4  }
0x2c: {  	s19 =	sxor.u32 @!p1 $0xFFFFFFFF, s13;
	s17 =	sshll.u32 @!p1 s17, $0x11;
	s18 =	sadd.s32 @!p1 s2, s18  }
0x2d: {  	s17 =	sand.u32 @!p1 $0x1C0000, s17;
	s16 =	sadd.s32 @!p1 s16, s18;
	s18 =	sshll.u32 @!p1 s19, $0xC  }
0x2e: {  	s17 =	sor.u32 @!p1 $0x200, s17;
	s19 =	simm.s32 @!p1 $0x3D0A00;
	s18 =	sand.u32 @!p1 $0x1000, s18  }
0x2f: {  	[tilespmem:s18], [sflag:$0x1] =	stream.strided.gather @!p1 [hbm4b:s16+s17], $0x1000, s19, s17, $0x38;
	[tilespmem:$0x4080] =	vst v63  }
0x30: {  	p1 =	seq.s32 s13, $0x0  }
0x31: {  	p2 =	sge.u32 @!p1 s13, s7  }
0x32: {  	p1 =	por p1, p2  }
.Ltmp2:
0x33: {  	_ = 	snop;
	(pc) =	sbr.rel @p1 .LBB1_5-.Ltmp2, $1  }
0x34: {  	_ =	sdelay $0x3  }
0x35: {  	s16 =	simm.s32 $0x1  }
0x36: {  	_ =	swait.ge [sflag:s4], $0x1000;
	s16 =	simm.s32 @!p0 $0x0  }
0x37: {  	[sflag:s4] =	ssyncset.done $0x0;
	s16 =	sshll.u32 s16, $0xC  }
0x38: {  	[sflag:s4] =	ssyncadd.s32 $0xFFFFF000;
	s16 =	sor.u32 $0x40, s16  }
0x39: {  	v0 =	vld [tilespmem:s16+$0x20]  }
0x3a: {  	v1 =	vld [tilespmem:s16+$0x30]  }
0x3b: {  	v2 =	vld [tilespmem:s16+$0xFFFFFFD0]  }
0x3c: {  	v5 =	vld [tilespmem:s16+$0x0]  }
0x3d: {  	v6 =	vld [tilespmem:s16+$0x10]  }
0x3e: {  	s17 =	sand.u32 $0x1, s13;
	v3 =	vld [tilespmem:s16+$0xFFFFFFE0]  }
0x3f: {  	s17 =	smul.u32 $0x4100, s17;
	v4 =	vld [tilespmem:s16+$0xFFFFFFF0]  }
0x40: {  	s18 =	simm.s32 $0x0;
	v1 =	vperm.xlane.i2c.b16 v1  }
0x41: {  	s19 =	sand.u32 $0x3C, s18;
	s17 =	sshrl.u32 s17, $0x2;
	v8 =	vld [tilespmem:s16+$0xFFFFFFC0];
	s20 =	sadd.s32 $0x80, s16;
	v7 =	vperm.xlane.i2c.b16 v0;
	v0 =	vperm.xlane.i2c.b16 v2  }
0x42: {  	s30 =	sand.u32 $0x40, s18;
	s31 =	sshrl.u32 s19, $0x1;
	s16 =	sor.u32 $0x2000, s17;
	v11 =	vld [tilespmem:s20+$0x30];
	v10 =	vperm.xlane.i2c.b16 v5;
	v13 =	vperm.xlane.i2c.b16 v6  }
0x43: {  	s17 =	sshrl.u32 s30, $0x1;
	s18 =	sadd.s32 s31, s16;
	v2 =	vld [tilespmem:s20+$0x20];
	v3 =	vperm.xlane.i2c.b16 v3;
	v9 =	vcombine.low v7, v1  }
0x44: {  	v12 =	vld [tilespmem:s20+$0xFFFFFFD0];
	s17 =	sadd.s32 s17, s18;
	v4 =	vperm.xlane.i2c.b16 v4;
	v14 =	vcombine.low v10, v13  }
0x45: {  	v1 =	vcombine.high v7, v1;
	v7 =	vld [tilespmem:s20+$0xFFFFFFE0];
	[tilespmem:s17+$0xC30 ss:$0x41] =	vst.msk $0xffff, v9  }
0x46: {  	v6 =	vld [tilespmem:s20+$0xFFFFFFF0];
	v5 =	vperm.xlane.i2c.b16 v8;
	v9 =	vcombine.low v3, v4;
	[tilespmem:s17+$0x820 ss:$0x41] =	vst.msk $0xffff, v14  }
0x47: {  	s18 =	simm.s32 $0x4;
	v8 =	vperm.xlane.i2c.b16 v11;
	[tilespmem:s17+$0xC31 ss:$0x41] =	vst.msk $0xffff, v1;
	v1 =	vcombine.high v3, v4;
	v4 =	vld [tilespmem:s20+$0x0]  }
0x48: {  	s19 =	simm.s32 $0x2;
	s22 =	sand.u32 $0x3C, s18;
	v10 =	vcombine.high v10, v13;
	v3 =	vld [tilespmem:s20+$0x10];
	[tilespmem:s17+$0x410 ss:$0x41] =	vst.msk $0xffff, v9;
	v9 =	vperm.xlane.i2c.b16 v2  }
0x49: {  	s21 =	sand.u32 $0x40, s18;
	s22 =	sshrl.u32 s22, $0x1;
	v11 =	vcombine.low v5, v0;
	v2 =	vld [tilespmem:s20+$0xFFFFFFC0];
	s20 =	sadd.s32 $0x80, s20;
	[tilespmem:s17+$0x411 ss:$0x41] =	vst.msk $0xffff, v1;
	v1 =	vperm.xlane.i2c.b16 v12  }
.LBB1_3:
0x4a: {  	v12 =	vld [tilespmem:s20+$0x20];
	s22 =	sadd.s32 s22, s16;
	s21 =	sshrl.u32 s21, $0x1;
	v13 =	vperm.xlane.i2c.b16 v7;
	v7 =	vcombine.low v9, v8;
	[tilespmem:s17+$0x821 ss:$0x41] =	vst.msk $0xffff, v10  }
0x4b: {  	s19 =	sadd.s32 $0x2, s19;
	v14 =	vld [tilespmem:s20+$0x30];
	s21 =	sadd.s32 s21, s22;
	v10 =	vperm.xlane.i2c.b16 v6;
	v6 =	vcombine.high v9, v8;
	[tilespmem:s17+$0x0 ss:$0x41] =	vst.msk $0xffff, v11  }
0x4c: {  	p1 =	slt.u32 s19, $0x3E;
	v11 =	vld [tilespmem:s20+$0xFFFFFFD0];
	v8 =	vperm.xlane.i2c.b16 v4;
	[tilespmem:s21+$0xC30 ss:$0x41] =	vst.msk $0xffff, v7;
	v4 =	vcombine.high v5, v0;
	v0 =	vmov v1  }
.Ltmp3:
0x4d: {  	v7 =	vld [tilespmem:s20+$0xFFFFFFE0];
	v1 =	vcombine.low v13, v10;
	v3 =	vperm.xlane.i2c.b16 v3;
	[tilespmem:s21+$0xC31 ss:$0x41] =	vst.msk $0xffff, v6;
	(pc) =	sbr.rel @p1 .LBB1_3-.Ltmp3, $4  }
0x4e: {  	v6 =	vld [tilespmem:s20+$0xFFFFFFF0];
	v5 =	vperm.xlane.i2c.b16 v2;
	v2 =	vcombine.high v13, v10;
	[tilespmem:s17+$0x1 ss:$0x41] =	vst.msk $0xffff, v4;
	s17 =	smov.u32 s21  }
0x4f: {  	s18 =	sadd.s32 $0x4, s18;
	v4 =	vld [tilespmem:s20+$0x0];
	[tilespmem:s17+$0x410 ss:$0x41] =	vst.msk $0xffff, v1;
	v13 =	vcombine.low v8, v3;
	v10 =	vcombine.high v8, v3  }
0x50: {  	s22 =	sand.u32 $0x3C, s18;
	v9 =	vperm.xlane.i2c.b16 v12;
	v3 =	vld [tilespmem:s20+$0x10];
	v8 =	vperm.xlane.i2c.b16 v14;
	[tilespmem:s17+$0x411 ss:$0x41] =	vst.msk $0xffff, v2  }
0x51: {  	s22 =	sshrl.u32 s22, $0x1;
	s21 =	sand.u32 $0x40, s18;
	v2 =	vld [tilespmem:s20+$0xFFFFFFC0];
	v1 =	vperm.xlane.i2c.b16 v11;
	s20 =	sadd.s32 $0x80, s20;
	v11 =	vcombine.low v5, v0;
	[tilespmem:s17+$0x820 ss:$0x41] =	vst.msk $0xffff, v13  }
0x52: {  	s18 =	sadd.s32 s22, s16;
	s19 =	sshll.u32 s9, $0x7;
	s20 =	sshll.u32 s10, $0x3  }
0x53: {  	s21 =	sshrl.u32 s21, $0x1;
	s24 =	sshll.u32 s10, $0x1;
	p1 =	sgt.s32 s9, $0xF41C0  }
0x54: {  	s22 =	smov.u32 s9;
	s26 =	sshra.s32 s9, $0x1F;
	s23 =	sand.u32 $0xFFFFFC00, s19  }
0x55: {  	s20 =	sand.u32 $0xFFFFFC00, s20;
	s19 =	sand.u32 $0x300, s19;
	s25 =	sand.u32 $0x80, s24  }
0x56: {  	s18 =	sadd.s32 s21, s18;
	s22 =	simm.s32 @!p1 $0xF41C0;
	p1 =	sgt.s32 s10, $0x40  }
0x57: {  	s21 =	smov.u32 s10;
	s20 =	sadd.s32 s20, s23;
	s23 =	sshra.s32 s10, $0x1F  }
0x58: {  	s21 =	simm.s32 @!p1 $0x40;
	s19 =	sor.u32 s19, s20;
	s20 =	sand.u32 s26, s9  }
0x59: {  	v7 =	vperm.xlane.i2c.b16 v7;
	[tilespmem:s17+$0x821 ss:$0x41] =	vst.msk $0xffff, v10;
	v0 =	vcombine.high v5, v0;
	s23 =	sand.u32 s23, s10;
	s19 =	sor.u32 s25, s19;
	s20 =	ssub.s32 s22, s20  }
0x5a: {  	v57 =	vcombine.low v9, v8;
	v6 =	vperm.xlane.i2c.b16 v6;
	[tilespmem:s17+$0x0 ss:$0x41] =	vst.msk $0xffff, v11;
	s21 =	ssub.s32 s21, s23;
	s19 =	sshrl.u32 s19, $0x7;
	s22 =	sadd.s32 $0xFFF0BE40, s20  }
0x5b: {  	v58 =	vcombine.high v9, v8;
	v4 =	vperm.xlane.i2c.b16 v4;
	[tilespmem:s17+$0x1 ss:$0x41] =	vst.msk $0xffff, v0;
	s23 =	sadd.s32 $0xFFFFFFC0, s21;
	s20 =	ssub.s32 $0xF4240, s20;
	s21 =	ssub.s32 $0x80, s21  }
0x5c: {  	[tilespmem:s18+$0xC30 ss:$0x41] =	vst.msk $0xffff, v57;
	v59 =	vcombine.low v7, v6;
	v3 =	vperm.xlane.i2c.b16 v3;
	s27 =	smulhi.u32 $0x218DEF5, s19;
	p1 =	sgt.s32 s22, $0x7F;
	p2 =	sgt.s32 s23, $0x3F  }
0x5d: {  	[tilespmem:s18+$0xC31 ss:$0x41] =	vst.msk $0xffff, v58;
	v60 =	vcombine.high v7, v6;
	s20 =	simm.s32 @p1 $0x0;
	s21 =	simm.s32 @p2 $0x0  }
0x5e: {  	v2 =	vperm.xlane.i2c.b16 v2;
	[tilespmem:s18+$0x410 ss:$0x41] =	vst.msk $0xffff, v59;
	v61 =	vcombine.low v4, v3;
	s17 =	sshrl.u32 s27, $0xD;
	s20 =	smul.u32 s21, s20  }
0x5f: {  	v3 =	vcombine.high v4, v3;
	[tilespmem:s18+$0x411 ss:$0x41] =	vst.msk $0xffff, v60;
	s17 =	smul.u32 $0xF4240, s17  }
.Ltmp4:
0x60: {  	s28 =	sshrl.u32 s10, $0x3;
	s29 =	sand.u32 $0x7, s10;
	v62 =	vcombine.low v2, v1;
	[tilespmem:s18+$0x820 ss:$0x41] =	vst.msk $0xffff, v61;
	(pc) =	sbr.rel .LBB1_5-.Ltmp4, $4  }
0x61: {  	v63 =	vcombine.high v2, v1;
	[tilespmem:s18+$0x821 ss:$0x41] =	vst.msk $0xffff, v3;
	s21 =	sshll.u32 s29, $0x12;
	s17 =	ssub.s32 s19, s17;
	s19 =	sand.u32 $0x7, s28  }
0x62: {  	[tilespmem:s18+$0x0 ss:$0x41] =	vst.msk $0xffff, v62;
	s20 =	sshrl.u32 s20, $0x1;
	s17 =	sshll.u32 s17, $0x3;
	s19 =	sadd.s32 s5, s19  }
0x63: {  	[tilespmem:s18+$0x1 ss:$0x41] =	vst.msk $0xffff, v63;
	s31 =	sor.u32 $0x40, s21;
	s30 =	sand.u32 $0x3FFFFFFF, s20;
	s17 =	sadd.s32 s17, s19  }
0x64: {  	[hbm4b:s17+s31] =	stream.strided.scatter [tilespmem:s16], [sflag:$0x2], s30, s8, s31, $0x18;
	[tilespmem:$0x4080] =	vst v63  }
.LBB1_6:
0x65: {  	_ =	sfence.sel $0x180000  }
0x66: {  	s2 =	simm.s32 $0x1;
	[bflag:$0x0] =	sbarrier.arrive $0xFFFF  }
0x67: {  	s31 =	simm.s32 $0x2;
	[sflag:s2] =	ssyncpa.u1 $0x1  }
0x68: {  	[sflag:s31] =	ssyncpa.u1 $0x1  }
0x69: {  	p0 =	sne.s32 s1, $0x0;
	_ =	strace $0x90000047  }
0x6a: {  	s0 =	sadd.s32 @!p0 $0x100000, s0;
	[bflag:$0x2] =	sbarrier.arrive $0xFFFF  }
0x6b: {  	[sflag:s0] =	ssyncadd.tile.s32 @!p0 $0x1;
	_ =	shalt  }
.Lfunc_end1:
_tile_overlayer_lowered:
.L_overlay_start_2:
0x6c: {  	(tag) =	ssettag $0x2  }
0x6d: {  	s0 =	rddreg [dreg:$0x0];
	s2 =	stileid.u32  }
0x6e: {  	s1 =	rddreg [dreg:$0x1];
	p0 =	sne.s32 s2, $0x0  }
0x6f: {  	s3 =	rddreg [dreg:$0x2];
	[bflag:$0x3] =	sbarrier.arrive $0xFFFF;
	s2 =	simm.s32 @!p0 $0x1C01  }
0x70: {  	[timem:s3], [sflag:s2] =	dma.local @!p0 [hbm:s0], s1  }
0x71: {  	s0 =	simm.s32 @!p0 $0x1  }
0x72: {  	_ =	swait.ge @!p0 [sflag:s0], s1  }
0x73: {  	s1 =	ssub.s32 @!p0 $0x0, s1;
	[sflag:s0] =	ssyncset.done @!p0 $0x0  }
0x74: {  	[sflag:s0] =	ssyncadd.s32 @!p0 s1  }
0x75: {  	[bflag:$0x3] =	sbarrier.arrive $0xFFFF  }
0x76: {  	_ =	shalt  }

// kernel: sparse-core-data-format-call.2.cloned.1.call-start
scs
called_computation.2_lowered:
.L_overlay_start_0:
0x0: {  	s2 =	sld [smem:$0x3FD9]  }
0x1: {  	s3 =	sld [smem:$0x3FFE];
	_ =	sdelay $0x1  }
0x2: {  	s1 =	srdreg.scid  }
0x3: {  	s0 =	sand.u32 $0x1, s1  }
0x4: {  	s18 =	sshll.u32 s0, $0xA;
	s2 =	sadd.s32 s3, s2  }
0x5: {  	s2 =	sadd.s32 s2, s18  }
0x6: {  	[smem:$0x3FC1] =	sst s2  }
0x7: {  	_ = 	snop  }
0x8: {  	(tm) =	ssettm $0x1  }
0x9: {  	s19 =	sld [smem:$0x3FFB];
	_ =	sdelay $0x3  }
0xa: {  	_ =	strace s19  }
0xb: {  	s2 =	sld [smem:$0x3FFC];
	_ =	sdelay $0x3  }
0xc: {  	_ =	strace s2  }
0xd: {  	s2 =	sld [smem:$0x3FFD];
	_ =	sdelay $0x3  }
0xe: {  	_ =	strace s2  }
0xf: {  	_ =	strace $0x8FFFFFFF  }
0x10: {  	s20 =	sld [smem:$0x3FDB];
	_ =	sdelay $0x1  }
0x11: {  	s21 =	simm.s32 $_scs_section_size  }
0x12: {  	s4 =	simm.s32 $_size__tile_overlayer_lowered;
	s5 =	simm.s32 $_tile_overlayer_lowered  }
0x13: {  	s6 =	simm.s32 $0x1BFF;
	s22 =	sshll.u32 s5, $0x1;
	s3 =	sadd.s32 s21, s20  }
0x14: {  	s23 =	simm.s32 $0x0;
	s4 =	sshll.u32 s4, $0x1;
	s5 =	sadd.s32 s22, s3  }
0x15: {  	[timem:s23], [sflag:s6] =	dma.local [hbm:s5], s4  }
0x16: {  	_ =	swait.ge [sflag:s6], s4  }
0x17: {  	s4 =	ssub.s32 $0x0, s4;
	[sflag:s6] =	ssyncset.done $0x0  }
0x18: {  	[sflag:s6] =	ssyncadd.s32 s4;
	_ =	sdelay $0x1  }
0x19: {  	s24 =	simm.s32 $0x1B8B  }
0x1a: {  	_ =	swait.ge [sflag:s24], $0x1  }
0x1b: {  	[sflag:s24] =	ssyncset.done $0x0  }
0x1c: {  	[sflag:s24] =	ssyncadd.s32 $0xFFFFFFFF  }
0x1d: {  	s4 =	sld [smem:$0x0]  }
0x1e: {  	s5 =	sand.u32 $0xFFFFFFFE, s1  }
0x1f: {  	p0 =	sne.s32 s1, s5  }
0x20: {  	s5 =	sshll.u32 @p0 s5, $0xE  }
0x21: {  	s5 =	sadd.s32 @p0 $0x11B8D, s5;
	s6 =	sshll.u32 @p0 s4, $0x11  }
0x22: {  	s5 =	sor.u32 @p0 s6, s5  }
0x23: {  	[sflag:s5] =	ssyncadd.remote.s32 @p0 $0x1;
	_ =	sdelay $0x1  }
0x24: {  	s5 =	simm.s32 @p0 $0x1B8D  }
0x25: {  	_ =	swait.eq @p0 [sflag:s5], $0x1  }
0x26: {  	[sflag:s5] =	ssyncadd.s32 @p0 $0xFFFFFFFF  }
0x27: {  	s6 =	sshll.u32 @!p0 s1, $0xE  }
0x28: {  	s6 =	sor.u32 @!p0 $0x4000, s6;
	s5 =	simm.s32 @!p0 $0x1B8D  }
0x29: {  	s4 =	sshll.u32 @!p0 s4, $0x11;
	s6 =	sadd.s32 @!p0 $0x11B8D, s6;
	_ =	swait.eq @!p0 [sflag:s5], $0x1  }
0x2a: {  	s4 =	sor.u32 @!p0 s4, s6;
	[sflag:s5] =	ssyncadd.s32 @!p0 $0xFFFFFFFF  }
0x2b: {  	s26 =	simm.s32 $0x1B8E;
	s25 =	sld [smem:$0x3FFE];
	[sflag:s4] =	ssyncadd.remote.s32 @!p0 $0x1  }
0x2c: {  	s27 =	simm.s32 $execute0_lowered;
	[smem:$0x3FD2] =	sst s26  }
0x2d: {  	s5 =	sshll.u32 s27, $0x1;
	_ =	strace $0x80000049;
	[dreg:$0x1] =	wrdreg $0xFFFFFFFF  }
0x2e: {  	s28 =	simm.s32 $_size_execute0_lowered;
	s3 =	sadd.s32 s3, s5;
	[dreg:$0x0] =	wrdreg $0x0  }
0x2f: {  	s5 =	sshll.u32 s28, $0x1;
	[dreg:$0x2] =	wrdreg s3  }
0x30: {  	[dreg:$0x3] =	wrdreg s5  }
0x31: {  	[dreg:$0x4] =	wrdreg $0xC0  }
0x32: {  	_ =	task [dreg:s23], $0x5FFFF  }
0x33: {  	[dreg:$0x1] =	wrdreg $0xFFFFFFFF  }
0x34: {  	[dreg:$0x0] =	wrdreg $0x60  }
0x35: {  	[dreg:$0x2] =	wrdreg s25  }
0x36: {  	[dreg:$0x3] =	wrdreg $0xA  }
0x37: {  	_ =	task.clear_ibuf [dreg:s23], $0x4FFFF;
	_ =	strace $0x90000049  }
0x38: {  	s29 =	simm.s32 $0xA;
	_ =	strace $0x8000004B  }
0x39: {  	_ =	swait.ge [sflag:s29], $0x1  }
0x3a: {  	[sflag:s29] =	ssyncadd.s32 $0xFFFFFFFF  }
0x3b: {  	_ =	strace $0x9000004B  }
0x3c: {  	_ =	sfence  }
0x3d: {  	s30 =	sld [smem:$0x0];
	_ =	sdelay $0x2  }
0x3e: {  	s31 =	sshll.u32 s1, $0xD;
	s1 =	sshrl.u32 s1, $0x2  }
0x3f: {  	s4 =	sand.u32 $0x4000, s31;
	s1 =	sadd.s32 s1, s30  }
0x40: {  	s0 =	sor.u32 s4, s0;
	s1 =	sshll.u32 s1, $0x11  }
0x41: {  	s0 =	sor.u32 s1, s0  }
0x42: {  	s0 =	sadd.s32 $0x8F2B, s0  }
0x43: {  	[sflag:s0] =	ssyncadd.remote.s32 $0x1  }
0x44: {  	_ =	sfence.sel $0xFFFF  }
0x45: {  	[dreg:$0x0] =	wrdreg $0xFFFFFFFF;
	(pc) =	sbr.abs _section_cstart, $3  }
0x46: {  	[dreg:$0x1] =	wrdreg $0xFFFFFFFF  }
0x47: {  	_ =	task.clear_ibuf [dreg:s23], $0x2FFFF;
	_ =	strace $0x9FFFFFFF  }
0x48: {  	(tm) =	ssettm $0x7FFFFFFF  }
0x49: {  	_ =	shalt  }
tec
execute0_lowered:
.L_overlay_start_1:
0x0: {  	(tag) =	ssettag $0x1  }
0x1: {  	s0 =	srdreg.scid  }
0x2: {  	s5 =	rddreg [dreg:$0x0];
	s1 =	stileid.u32;
	s4 =	simm.s32 $0x1  }
0x3: {  	s6 =	simm.s32 $0x2;
	s15 =	simm.s32 $0x0;
	p0 =	por $0x0, $0x0  }
0x4: {  	s8 =	simm.s32 $0x80;
	s14 =	simm.s32 $0x0;
	s2 =	sshll.u32 s0, $0x4  }
0x5: {  	s9 =	simm.s32 $0x0;
	s10 =	simm.s32 $0x0;
	s2 =	sand.u32 $0x10, s2  }
.Ltmp0:
0x6: {  	s12 =	simm.s32 $0x0;
	s3 =	sor.u32 s1, s2;
	(pc) =	sbr.rel .LBB1_1-.Ltmp0, $4  }
0x7: {  	s0 =	rddreg [dreg:$0x1];
	_ =	strace $0x8000004A;
	s3 =	sshll.u32 s3, $0x7  }
0x8: {  	s13 =	simm.s32 $0x0;
	[sflag:s4] =	ssyncpa.u1 $0x0;
	s7 =	ssub.s32 $0xF4200, s3  }
0x9: {  	s2 =	sadd.s32 $0xB73000, s5;
	[sflag:s6] =	ssyncpa.u1 $0x0;
	s6 =	sshrl.u32 s7, $0xC  }
0xa: {  	s5 =	sadd.s32 $0xF43A00, s5;
	s11 =	smov.u32 s3;
	s7 =	sadd.s32 $0x2, s6  }
.LBB1_5:
0xb: {  	p1 =	slt.u32 s13, $0x2  }
0xc: {  	s17 =	smov.u32 s15;
	p2 =	sgt.s32 @!p1 s15, $0xF41C0;
	s16 =	sshra.s32 @!p1 s15, $0x1F  }
0xd: {  	p3 =	sgt.s32 @!p1 s14, $0x40;
	s18 =	sshra.s32 @!p1 s14, $0x1F;
	p2 =	por !p2, p1  }
0xe: {  	s15 =	sand.u32 @!p1 s16, s15;
	p3 =	por !p3, p1;
	s16 =	smov.u32 s14  }
0xf: {  	s14 =	sand.u32 @!p1 s18, s14;
	s17 =	simm.s32 @p2 $0xF41C0;
	s16 =	simm.s32 @p3 $0x40  }
0x10: {  	s15 =	ssub.s32 @!p1 s17, s15;
	s14 =	ssub.s32 @!p1 s16, s14  }
0x11: {  	s18 =	smov.u32 s12;
	s16 =	sadd.s32 @!p1 $0xFFF0BE40, s15;
	s17 =	sadd.s32 @!p1 $0xFFFFFFC0, s14  }
0x12: {  	s15 =	ssub.s32 @!p1 $0xF4240, s15;
	p2 =	sgt.s32 @!p1 s16, $0x7F;
	p3 =	sgt.s32 @!p1 s17, $0x3F  }
0x13: {  	s14 =	ssub.s32 @!p1 $0x80, s14;
	p2 =	por !p2, p1;
	p3 =	por !p3, p1  }
0x14: {  	s16 =	sadd.s32 $0x1000, s11;
	s15 =	simm.s32 @!p2 $0x0;
	s14 =	simm.s32 @!p3 $0x0  }
0x15: {  	p2 =	sgt.s32 s16, $0xF423F;
	s14 =	smul.u32 @!p1 s14, s15;
	s15 =	sadd.s32 $0x40, s12  }
0x16: {  	s18 =	smov.u32 @p2 s15  }
0x17: {  	s16 =	smov.u32 @p2 s3;
	p2 =	sgt.s32 s18, $0x3F  }
0x18: {  	p0 =	por !p0, !p0;
	s18 =	simm.s32 @p2 $0x0;
	p2 =	sne.s32 s13, s7  }
.Ltmp1:
0x19: {  	s17 =	simm.s32 @!p1 $0x2;
	s14 =	sshrl.u32 @!p1 s14, $0x1;
	(pc) =	sbr.rel @!p2 .LBB1_6-.Ltmp1, $4  }
0x1a: {  	s15 =	smov.u32 s9;
	s9 =	smov.u32 s11;
	s14 =	sand.u32 @!p1 $0x3FFFFFFF, s14  }
0x1b: {  	s11 =	smov.u32 s16;
	s13 =	sadd.s32 $0x1, s13;
	_ =	swait.ge @!p1 [sflag:s17], s14  }
0x1c: {  	s19 =	ssub.s32 @!p1 $0x0, s14;
	s14 =	smov.u32 s10;
	[sflag:s17] =	ssyncset.done @!p1 $0x0  }
0x1d: {  	s10 =	smov.u32 s12;
	s12 =	smov.u32 s18;
	[sflag:s17] =	ssyncadd.s32 @!p1 s19  }
.LBB1_1:
0x1e: {  	p1 =	sgt.u32 s13, s6  }
0x1f: {  	s16 =	sshrl.u32 @!p1 s12, $0x3  }
0x20: {  	s17 =	sshll.u32 @!p1 s11, $0x3;
	s16 =	smul.u32 @!p1 $0x7A1400, s16  }
0x21: {  	s18 =	sshll.u32 @!p1 s12, $0x7;
	s17 =	sand.u32 @!p1 $0xFFFFFC00, s17  }
0x22: {  	s16 =	sadd.s32 @!p1 s16, s17;
	s17 =	sand.u32 @!p1 $0x300, s18;
	s18 =	sshll.u32 @!p1 s11, $0x1  }
0x23: {  	s16 =	sor.u32 @!p1 s17, s16;
	s17 =	sand.u32 @!p1 $0xFE, s18  }
0x24: {  	s18 =	sand.u32 @!p1 $0x1, s12;
	s16 =	sor.u32 @!p1 s17, s16  }
0x25: {  	s17 =	sor.u32 @!p1 s18, s16  }
0x26: {  	s18 =	smulhi.u32 @!p1 $0x218D6287, s17;
	_ =	sdelay $0x1  }
0x27: {  	s16 =	smulhi.u32 @!p1 $0x218D6287, s16;
	s18 =	sshrl.u32 @!p1 s18, $0x11  }
0x28: {  	s18 =	smul.u32 @!p1 $0xF4280, s18  }
0x29: {  	s16 =	sshrl.u32 @!p1 s16, $0x11  }
0x2a: {  	s16 =	sand.u32 @!p1 $0x3F, s16;
	s17 =	ssub.s32 @!p1 s17, s18  }
0x2b: {  	s16 =	smul.u32 @!p1 $0xF428, s16;
	s18 =	sshrl.u32 @!p1 s17, $0x4  }
0x2c: {  	s19 =	sxor.u32 @!p1 $0xFFFFFFFF, s13;
	s17 =	sshll.u32 @!p1 s17, $0x11;
	s18 =	sadd.s32 @!p1 s2, s18  }
0x2d: {  	s17 =	sand.u32 @!p1 $0x1C0000, s17;
	s16 =	sadd.s32 @!p1 s16, s18;
	s18 =	sshll.u32 @!p1 s19, $0xC  }
0x2e: {  	s17 =	sor.u32 @!p1 $0x200, s17;
	s19 =	simm.s32 @!p1 $0x3D0A00;
	s18 =	sand.u32 @!p1 $0x1000, s18  }
0x2f: {  	[tilespmem:s18], [sflag:$0x1] =	stream.strided.gather @!p1 [hbm4b:s16+s17], $0x1000, s19, s17, $0x38;
	[tilespmem:$0x4080] =	vst v63  }
0x30: {  	p1 =	seq.s32 s13, $0x0  }
0x31: {  	p2 =	sge.u32 @!p1 s13, s7  }
0x32: {  	p1 =	por p1, p2  }
.Ltmp2:
0x33: {  	_ = 	snop;
	(pc) =	sbr.rel @p1 .LBB1_5-.Ltmp2, $1  }
0x34: {  	_ =	sdelay $0x3  }
0x35: {  	s16 =	simm.s32 $0x1  }
0x36: {  	_ =	swait.ge [sflag:s4], $0x1000;
	s16 =	simm.s32 @!p0 $0x0  }
0x37: {  	[sflag:s4] =	ssyncset.done $0x0;
	s16 =	sshll.u32 s16, $0xC  }
0x38: {  	[sflag:s4] =	ssyncadd.s32 $0xFFFFF000;
	s16 =	sor.u32 $0x40, s16  }
0x39: {  	v0 =	vld [tilespmem:s16+$0x20]  }
0x3a: {  	v1 =	vld [tilespmem:s16+$0x30]  }
0x3b: {  	v2 =	vld [tilespmem:s16+$0xFFFFFFD0]  }
0x3c: {  	v5 =	vld [tilespmem:s16+$0x0]  }
0x3d: {  	v6 =	vld [tilespmem:s16+$0x10]  }
0x3e: {  	s17 =	sand.u32 $0x1, s13;
	v3 =	vld [tilespmem:s16+$0xFFFFFFE0]  }
0x3f: {  	s17 =	smul.u32 $0x4100, s17;
	v4 =	vld [tilespmem:s16+$0xFFFFFFF0]  }
0x40: {  	s18 =	simm.s32 $0x0;
	v1 =	vperm.xlane.i2c.b16 v1  }
0x41: {  	s19 =	sand.u32 $0x3C, s18;
	s17 =	sshrl.u32 s17, $0x2;
	v8 =	vld [tilespmem:s16+$0xFFFFFFC0];
	s20 =	sadd.s32 $0x80, s16;
	v7 =	vperm.xlane.i2c.b16 v0;
	v0 =	vperm.xlane.i2c.b16 v2  }
0x42: {  	s30 =	sand.u32 $0x40, s18;
	s31 =	sshrl.u32 s19, $0x1;
	s16 =	sor.u32 $0x2000, s17;
	v11 =	vld [tilespmem:s20+$0x30];
	v10 =	vperm.xlane.i2c.b16 v5;
	v13 =	vperm.xlane.i2c.b16 v6  }
0x43: {  	s17 =	sshrl.u32 s30, $0x1;
	s18 =	sadd.s32 s31, s16;
	v2 =	vld [tilespmem:s20+$0x20];
	v3 =	vperm.xlane.i2c.b16 v3;
	v9 =	vcombine.low v7, v1  }
0x44: {  	v12 =	vld [tilespmem:s20+$0xFFFFFFD0];
	s17 =	sadd.s32 s17, s18;
	v4 =	vperm.xlane.i2c.b16 v4;
	v14 =	vcombine.low v10, v13  }
0x45: {  	v1 =	vcombine.high v7, v1;
	v7 =	vld [tilespmem:s20+$0xFFFFFFE0];
	[tilespmem:s17+$0xC30 ss:$0x41] =	vst.msk $0xffff, v9  }
0x46: {  	v6 =	vld [tilespmem:s20+$0xFFFFFFF0];
	v5 =	vperm.xlane.i2c.b16 v8;
	v9 =	vcombine.low v3, v4;
	[tilespmem:s17+$0x820 ss:$0x41] =	vst.msk $0xffff, v14  }
0x47: {  	s18 =	simm.s32 $0x4;
	v8 =	vperm.xlane.i2c.b16 v11;
	[tilespmem:s17+$0xC31 ss:$0x41] =	vst.msk $0xffff, v1;
	v1 =	vcombine.high v3, v4;
	v4 =	vld [tilespmem:s20+$0x0]  }
0x48: {  	s19 =	simm.s32 $0x2;
	s22 =	sand.u32 $0x3C, s18;
	v10 =	vcombine.high v10, v13;
	v3 =	vld [tilespmem:s20+$0x10];
	[tilespmem:s17+$0x410 ss:$0x41] =	vst.msk $0xffff, v9;
	v9 =	vperm.xlane.i2c.b16 v2  }
0x49: {  	s21 =	sand.u32 $0x40, s18;
	s22 =	sshrl.u32 s22, $0x1;
	v11 =	vcombine.low v5, v0;
	v2 =	vld [tilespmem:s20+$0xFFFFFFC0];
	s20 =	sadd.s32 $0x80, s20;
	[tilespmem:s17+$0x411 ss:$0x41] =	vst.msk $0xffff, v1;
	v1 =	vperm.xlane.i2c.b16 v12  }
.LBB1_3:
0x4a: {  	v12 =	vld [tilespmem:s20+$0x20];
	s22 =	sadd.s32 s22, s16;
	s21 =	sshrl.u32 s21, $0x1;
	v13 =	vperm.xlane.i2c.b16 v7;
	v7 =	vcombine.low v9, v8;
	[tilespmem:s17+$0x821 ss:$0x41] =	vst.msk $0xffff, v10  }
0x4b: {  	s19 =	sadd.s32 $0x2, s19;
	v14 =	vld [tilespmem:s20+$0x30];
	s21 =	sadd.s32 s21, s22;
	v10 =	vperm.xlane.i2c.b16 v6;
	v6 =	vcombine.high v9, v8;
	[tilespmem:s17+$0x0 ss:$0x41] =	vst.msk $0xffff, v11  }
0x4c: {  	p1 =	slt.u32 s19, $0x3E;
	v11 =	vld [tilespmem:s20+$0xFFFFFFD0];
	v8 =	vperm.xlane.i2c.b16 v4;
	[tilespmem:s21+$0xC30 ss:$0x41] =	vst.msk $0xffff, v7;
	v4 =	vcombine.high v5, v0;
	v0 =	vmov v1  }
.Ltmp3:
0x4d: {  	v7 =	vld [tilespmem:s20+$0xFFFFFFE0];
	v1 =	vcombine.low v13, v10;
	v3 =	vperm.xlane.i2c.b16 v3;
	[tilespmem:s21+$0xC31 ss:$0x41] =	vst.msk $0xffff, v6;
	(pc) =	sbr.rel @p1 .LBB1_3-.Ltmp3, $4  }
0x4e: {  	v6 =	vld [tilespmem:s20+$0xFFFFFFF0];
	v5 =	vperm.xlane.i2c.b16 v2;
	v2 =	vcombine.high v13, v10;
	[tilespmem:s17+$0x1 ss:$0x41] =	vst.msk $0xffff, v4;
	s17 =	smov.u32 s21  }
0x4f: {  	s18 =	sadd.s32 $0x4, s18;
	v4 =	vld [tilespmem:s20+$0x0];
	[tilespmem:s17+$0x410 ss:$0x41] =	vst.msk $0xffff, v1;
	v13 =	vcombine.low v8, v3;
	v10 =	vcombine.high v8, v3  }
0x50: {  	s22 =	sand.u32 $0x3C, s18;
	v9 =	vperm.xlane.i2c.b16 v12;
	v3 =	vld [tilespmem:s20+$0x10];
	v8 =	vperm.xlane.i2c.b16 v14;
	[tilespmem:s17+$0x411 ss:$0x41] =	vst.msk $0xffff, v2  }
0x51: {  	s22 =	sshrl.u32 s22, $0x1;
	s21 =	sand.u32 $0x40, s18;
	v2 =	vld [tilespmem:s20+$0xFFFFFFC0];
	v1 =	vperm.xlane.i2c.b16 v11;
	s20 =	sadd.s32 $0x80, s20;
	v11 =	vcombine.low v5, v0;
	[tilespmem:s17+$0x820 ss:$0x41] =	vst.msk $0xffff, v13  }
0x52: {  	s18 =	sadd.s32 s22, s16;
	s19 =	sshll.u32 s9, $0x7;
	s20 =	sshll.u32 s10, $0x3  }
0x53: {  	s21 =	sshrl.u32 s21, $0x1;
	s24 =	sshll.u32 s10, $0x1;
	p1 =	sgt.s32 s9, $0xF41C0  }
0x54: {  	s22 =	smov.u32 s9;
	s26 =	sshra.s32 s9, $0x1F;
	s23 =	sand.u32 $0xFFFFFC00, s19  }
0x55: {  	s20 =	sand.u32 $0xFFFFFC00, s20;
	s19 =	sand.u32 $0x300, s19;
	s25 =	sand.u32 $0x80, s24  }
0x56: {  	s18 =	sadd.s32 s21, s18;
	s22 =	simm.s32 @!p1 $0xF41C0;
	p1 =	sgt.s32 s10, $0x40  }
0x57: {  	s21 =	smov.u32 s10;
	s20 =	sadd.s32 s20, s23;
	s23 =	sshra.s32 s10, $0x1F  }
0x58: {  	s21 =	simm.s32 @!p1 $0x40;
	s19 =	sor.u32 s19, s20;
	s20 =	sand.u32 s26, s9  }
0x59: {  	v7 =	vperm.xlane.i2c.b16 v7;
	[tilespmem:s17+$0x821 ss:$0x41] =	vst.msk $0xffff, v10;
	v0 =	vcombine.high v5, v0;
	s23 =	sand.u32 s23, s10;
	s19 =	sor.u32 s25, s19;
	s20 =	ssub.s32 s22, s20  }
0x5a: {  	v57 =	vcombine.low v9, v8;
	v6 =	vperm.xlane.i2c.b16 v6;
	[tilespmem:s17+$0x0 ss:$0x41] =	vst.msk $0xffff, v11;
	s21 =	ssub.s32 s21, s23;
	s19 =	sshrl.u32 s19, $0x7;
	s22 =	sadd.s32 $0xFFF0BE40, s20  }
0x5b: {  	v58 =	vcombine.high v9, v8;
	v4 =	vperm.xlane.i2c.b16 v4;
	[tilespmem:s17+$0x1 ss:$0x41] =	vst.msk $0xffff, v0;
	s23 =	sadd.s32 $0xFFFFFFC0, s21;
	s20 =	ssub.s32 $0xF4240, s20;
	s21 =	ssub.s32 $0x80, s21  }
0x5c: {  	[tilespmem:s18+$0xC30 ss:$0x41] =	vst.msk $0xffff, v57;
	v59 =	vcombine.low v7, v6;
	v3 =	vperm.xlane.i2c.b16 v3;
	s27 =	smulhi.u32 $0x218DEF5, s19;
	p1 =	sgt.s32 s22, $0x7F;
	p2 =	sgt.s32 s23, $0x3F  }
0x5d: {  	[tilespmem:s18+$0xC31 ss:$0x41] =	vst.msk $0xffff, v58;
	v60 =	vcombine.high v7, v6;
	s20 =	simm.s32 @p1 $0x0;
	s21 =	simm.s32 @p2 $0x0  }
0x5e: {  	v2 =	vperm.xlane.i2c.b16 v2;
	[tilespmem:s18+$0x410 ss:$0x41] =	vst.msk $0xffff, v59;
	v61 =	vcombine.low v4, v3;
	s17 =	sshrl.u32 s27, $0xD;
	s20 =	smul.u32 s21, s20  }
0x5f: {  	v3 =	vcombine.high v4, v3;
	[tilespmem:s18+$0x411 ss:$0x41] =	vst.msk $0xffff, v60;
	s17 =	smul.u32 $0xF4240, s17  }
.Ltmp4:
0x60: {  	s28 =	sshrl.u32 s10, $0x3;
	s29 =	sand.u32 $0x7, s10;
	v62 =	vcombine.low v2, v1;
	[tilespmem:s18+$0x820 ss:$0x41] =	vst.msk $0xffff, v61;
	(pc) =	sbr.rel .LBB1_5-.Ltmp4, $4  }
0x61: {  	v63 =	vcombine.high v2, v1;
	[tilespmem:s18+$0x821 ss:$0x41] =	vst.msk $0xffff, v3;
	s21 =	sshll.u32 s29, $0x12;
	s17 =	ssub.s32 s19, s17;
	s19 =	sand.u32 $0x7, s28  }
0x62: {  	[tilespmem:s18+$0x0 ss:$0x41] =	vst.msk $0xffff, v62;
	s20 =	sshrl.u32 s20, $0x1;
	s17 =	sshll.u32 s17, $0x3;
	s19 =	sadd.s32 s5, s19  }
0x63: {  	[tilespmem:s18+$0x1 ss:$0x41] =	vst.msk $0xffff, v63;
	s31 =	sor.u32 $0x40, s21;
	s30 =	sand.u32 $0x3FFFFFFF, s20;
	s17 =	sadd.s32 s17, s19  }
0x64: {  	[hbm4b:s17+s31] =	stream.strided.scatter [tilespmem:s16], [sflag:$0x2], s30, s8, s31, $0x18;
	[tilespmem:$0x4080] =	vst v63  }
.LBB1_6:
0x65: {  	_ =	sfence.sel $0x180000  }
0x66: {  	s2 =	simm.s32 $0x1;
	[bflag:$0x0] =	sbarrier.arrive $0xFFFF  }
0x67: {  	s31 =	simm.s32 $0x2;
	[sflag:s2] =	ssyncpa.u1 $0x1  }
0x68: {  	[sflag:s31] =	ssyncpa.u1 $0x1  }
0x69: {  	p0 =	sne.s32 s1, $0x0;
	_ =	strace $0x9000004A  }
0x6a: {  	s0 =	sadd.s32 @!p0 $0x100000, s0;
	[bflag:$0x2] =	sbarrier.arrive $0xFFFF  }
0x6b: {  	[sflag:s0] =	ssyncadd.tile.s32 @!p0 $0x1;
	_ =	shalt  }
.Lfunc_end1:
_tile_overlayer_lowered:
.L_overlay_start_2:
0x6c: {  	(tag) =	ssettag $0x2  }
0x6d: {  	s0 =	rddreg [dreg:$0x0];
	s2 =	stileid.u32  }
0x6e: {  	s1 =	rddreg [dreg:$0x1];
	p0 =	sne.s32 s2, $0x0  }
0x6f: {  	s3 =	rddreg [dreg:$0x2];
	[bflag:$0x3] =	sbarrier.arrive $0xFFFF;
	s2 =	simm.s32 @!p0 $0x1C01  }
0x70: {  	[timem:s3], [sflag:s2] =	dma.local @!p0 [hbm:s0], s1  }
0x71: {  	s0 =	simm.s32 @!p0 $0x1  }
0x72: {  	_ =	swait.ge @!p0 [sflag:s0], s1  }
0x73: {  	s1 =	ssub.s32 @!p0 $0x0, s1;
	[sflag:s0] =	ssyncset.done @!p0 $0x0  }
0x74: {  	[sflag:s0] =	ssyncadd.s32 @!p0 s1  }
0x75: {  	[bflag:$0x3] =	sbarrier.arrive $0xFFFF  }
0x76: {  	_ =	shalt  }

// kernel: sparse-core-data-format-call.cloned.1.call-start
scs
called_computation_lowered:
.L_overlay_start_0:
0x0: {  	s1 =	sld [smem:$0x3FD9]  }
0x1: {  	s2 =	sld [smem:$0x3FFE];
	_ =	sdelay $0x1  }
0x2: {  	s3 =	srdreg.scid  }
0x3: {  	s0 =	sand.u32 $0x1, s3  }
0x4: {  	s17 =	sshll.u32 s0, $0xA;
	s1 =	sadd.s32 s2, s1  }
0x5: {  	s1 =	sadd.s32 s1, s17  }
0x6: {  	[smem:$0x3FC1] =	sst s1  }
0x7: {  	_ = 	snop  }
0x8: {  	(tm) =	ssettm $0x1  }
0x9: {  	s18 =	sld [smem:$0x3FFB];
	_ =	sdelay $0x3  }
0xa: {  	_ =	strace s18  }
0xb: {  	s1 =	sld [smem:$0x3FFC];
	_ =	sdelay $0x3  }
0xc: {  	_ =	strace s1  }
0xd: {  	s1 =	sld [smem:$0x3FFD];
	_ =	sdelay $0x3  }
0xe: {  	_ =	strace s1  }
0xf: {  	_ =	strace $0x8FFFFFFF  }
0x10: {  	s19 =	sld [smem:$0x3FDB];
	_ =	sdelay $0x1  }
0x11: {  	s20 =	simm.s32 $_scs_section_size  }
0x12: {  	s4 =	simm.s32 $_size__tile_overlayer_lowered;
	s5 =	simm.s32 $_tile_overlayer_lowered  }
0x13: {  	s23 =	simm.s32 $0x1BFF;
	s22 =	sshll.u32 s5, $0x1;
	s1 =	sadd.s32 s20, s19  }
0x14: {  	s6 =	simm.s32 $0x0;
	s21 =	sshll.u32 s4, $0x1;
	s4 =	sadd.s32 s22, s1  }
0x15: {  	[timem:s6], [sflag:s23] =	dma.local [hbm:s4], s21  }
0x16: {  	_ =	swait.ge [sflag:s23], s21  }
0x17: {  	s2 =	ssub.s32 $0x0, s21;
	[sflag:s23] =	ssyncset.done $0x0  }
0x18: {  	[sflag:s23] =	ssyncadd.s32 s2;
	_ =	sdelay $0x1  }
0x19: {  	s24 =	simm.s32 $0x1B8B  }
0x1a: {  	_ =	swait.ge [sflag:s24], $0x1  }
0x1b: {  	[sflag:s24] =	ssyncset.done $0x0  }
0x1c: {  	s26 =	simm.s32 $0x1B8E;
	s25 =	sld [smem:$0x3FFE];
	[sflag:s24] =	ssyncadd.s32 $0xFFFFFFFF  }
0x1d: {  	s27 =	simm.s32 $execute0_lowered;
	[smem:$0x3FD2] =	sst s26  }
0x1e: {  	s4 =	sshll.u32 s27, $0x1;
	_ =	strace $0x8000004C;
	[dreg:$0x1] =	wrdreg $0xFFFFFFFF  }
0x1f: {  	s28 =	simm.s32 $_size_execute0_lowered;
	s1 =	sadd.s32 s1, s4;
	[dreg:$0x0] =	wrdreg $0x0  }
0x20: {  	s4 =	sshll.u32 s28, $0x1;
	[dreg:$0x2] =	wrdreg s1  }
0x21: {  	[dreg:$0x3] =	wrdreg s4  }
0x22: {  	[dreg:$0x4] =	wrdreg $0xC0  }
0x23: {  	_ =	task [dreg:s6], $0x5FFFF  }
0x24: {  	[dreg:$0x1] =	wrdreg $0xFFFFFFFF  }
0x25: {  	[dreg:$0x0] =	wrdreg $0x60  }
0x26: {  	[dreg:$0x2] =	wrdreg s25  }
0x27: {  	[dreg:$0x3] =	wrdreg $0x9  }
0x28: {  	_ =	task.clear_ibuf [dreg:s6], $0x4FFFF;
	_ =	strace $0x9000004C  }
0x29: {  	s29 =	simm.s32 $0x9;
	_ =	strace $0x8000004E  }
0x2a: {  	_ =	swait.ge [sflag:s29], $0x1  }
0x2b: {  	[sflag:s29] =	ssyncadd.s32 $0xFFFFFFFF  }
0x2c: {  	_ =	strace $0x9000004E  }
0x2d: {  	_ =	sfence  }
0x2e: {  	s30 =	sld [smem:$0x0];
	_ =	sdelay $0x2  }
0x2f: {  	s31 =	sshll.u32 s3, $0xD;
	s3 =	sshrl.u32 s3, $0x2  }
0x30: {  	s2 =	sand.u32 $0x4000, s31;
	s1 =	sadd.s32 s3, s30  }
0x31: {  	s0 =	sor.u32 s2, s0;
	s1 =	sshll.u32 s1, $0x11  }
0x32: {  	s0 =	sor.u32 s1, s0  }
0x33: {  	s0 =	sadd.s32 $0x8F2B, s0  }
0x34: {  	[sflag:s0] =	ssyncadd.remote.s32 $0x1  }
0x35: {  	_ =	sfence.sel $0xFFFF  }
0x36: {  	[dreg:$0x0] =	wrdreg $0xFFFFFFFF;
	(pc) =	sbr.abs _section_cstart, $3  }
0x37: {  	[dreg:$0x1] =	wrdreg $0xFFFFFFFF  }
0x38: {  	_ =	task.clear_ibuf [dreg:s6], $0x2FFFF;
	_ =	strace $0x9FFFFFFF  }
0x39: {  	(tm) =	ssettm $0x7FFFFFFF  }
tec
execute0_lowered:
.L_overlay_start_1:
0x0: {  	(tag) =	ssettag $0x1  }
0x1: {  	s0 =	srdreg.scid  }
0x2: {  	s5 =	rddreg [dreg:$0x0];
	s1 =	stileid.u32;
	s4 =	simm.s32 $0x1  }
0x3: {  	s6 =	simm.s32 $0x2;
	s8 =	simm.s32 $0x0;
	s2 =	sshll.u32 s0, $0x4  }
0x4: {  	s9 =	simm.s32 $0x0;
	s13 =	simm.s32 $0x0;
	s2 =	sand.u32 $0x10, s2  }
.Ltmp0:
0x5: {  	s10 =	simm.s32 $0x0;
	s3 =	sor.u32 s1, s2;
	(pc) =	sbr.rel .LBB1_1-.Ltmp0, $4  }
0x6: {  	s0 =	rddreg [dreg:$0x1];
	_ =	strace $0x8000004D;
	s3 =	sshll.u32 s3, $0x4  }
0x7: {  	s12 =	simm.s32 $0x0;
	[sflag:s4] =	ssyncpa.u1 $0x0;
	s7 =	ssub.s32 $0xF420, s3  }
0x8: {  	s2 =	sadd.s32 $0x7A2600, s5;
	[sflag:s6] =	ssyncpa.u1 $0x0;
	s6 =	sshrl.u32 s7, $0x9  }
0x9: {  	s5 =	sadd.s32 $0x1400, s5;
	s11 =	smov.u32 s3;
	s7 =	sadd.s32 $0x2, s6  }
.LBB1_7:
0xa: {  	s15 =	sshll.u32 s12, $0xF  }
0xb: {  	s15 =	sand.u32 $0x8000, s15  }
0xc: {  	s16 =	sshll.u32 s10, $0x7;
	s15 =	sshrl.u32 s15, $0x1  }
0xd: {  	s16 =	sadd.s32 s5, s16;
	s15 =	sor.u32 $0x8000, s15  }
0xe: {  	[hbm4b:s16+s8] =	stream.linear.scatter [tilespmem:s15], [sflag:$0x2], s14, $0x38;
	[tilespmem:$0x10000] =	vst v63  }
.LBB1_8:
0xf: {  	p0 =	slt.u32 s12, $0x2  }
0x10: {  	p1 =	sgt.s32 @!p0 s13, $0xF414  }
0x11: {  	s14 =	smov.u32 s13;
	s15 =	sshra.s32 @!p0 s13, $0x1F;
	p1 =	por !p1, p0  }
0x12: {  	s13 =	sand.u32 @!p0 s15, s13;
	s14 =	simm.s32 @p1 $0xF414  }
0x13: {  	s13 =	ssub.s32 @!p0 s14, s13  }
0x14: {  	s13 =	sadd.s32 @!p0 $0xFFFF0BEC, s13  }
0x15: {  	s14 =	sshll.u32 @!p0 s13, $0xC  }
0x16: {  	p1 =	sgt.s32 @!p0 s13, $0xF;
	s13 =	ssub.s32 @!p0 $0x10000, s14  }
0x17: {  	s15 =	sadd.s32 $0x200, s11;
	p1 =	por !p1, p0;
	s13 =	sshrl.u32 @!p0 s13, $0x2  }
0x18: {  	s13 =	simm.s32 @!p1 $0x0;
	p1 =	sgt.s32 s15, $0xF423  }
0x19: {  	s15 =	smov.u32 @p1 s3;
	p1 =	sne.s32 s12, s7  }
.Ltmp1:
0x1a: {  	_ = 	snop;
	(pc) =	sbr.rel @!p1 .LBB1_9-.Ltmp1, $4  }
0x1b: {  	s14 =	simm.s32 @!p0 $0x2  }
0x1c: {  	s9 =	sadd.s32 $0x8000, s9;
	_ =	swait.ge @!p0 [sflag:s14], s13;
	s16 =	ssub.s32 @!p0 $0x0, s13  }
0x1d: {  	s13 =	smov.u32 s10;
	s12 =	sadd.s32 $0x1, s12;
	[sflag:s14] =	ssyncset.done @!p0 $0x0  }
0x1e: {  	s10 =	smov.u32 s11;
	s11 =	smov.u32 s15;
	[sflag:s14] =	ssyncadd.s32 @!p0 s16  }
.LBB1_1:
0x1f: {  	p0 =	sgt.u32 s12, s6  }
0x20: {  	p1 =	sgt.s32 @!p0 s11, $0xF414  }
0x21: {  	s14 =	smov.u32 s11;
	s15 =	sshra.s32 @!p0 s11, $0x1F;
	p1 =	por !p1, p0  }
0x22: {  	s15 =	sand.u32 @!p0 s15, s11;
	s14 =	simm.s32 @p1 $0xF414  }
0x23: {  	s14 =	ssub.s32 @!p0 s14, s15  }
0x24: {  	s14 =	sadd.s32 @!p0 $0xFFFF0BEC, s14  }
0x25: {  	s16 =	sshll.u32 @!p0 s11, $0x7;
	s17 =	simm.s32 @!p0 $0x0;
	s15 =	sshll.u32 @!p0 s14, $0xC  }
0x26: {  	p1 =	sgt.s32 @!p0 s14, $0xF;
	s14 =	ssub.s32 @!p0 $0x10000, s15;
	s15 =	sxor.u32 @!p0 $0xFFFFFFFF, s12  }
0x27: {  	p1 =	por !p1, p0;
	s14 =	sshrl.u32 @!p0 s14, $0x2;
	s15 =	sshll.u32 @!p0 s15, $0xE  }
0x28: {  	s16 =	sadd.s32 @!p0 s2, s16;
	s14 =	simm.s32 @!p1 $0x0;
	s15 =	sand.u32 @!p0 $0x4000, s15  }
0x29: {  	[tilespmem:s15], [sflag:$0x1] =	stream.linear.gather @!p0 [hbm4b:s16+s17], s14, $0x38;
	[tilespmem:$0x10000] =	vst v63  }
0x2a: {  	p0 =	seq.s32 s12, $0x0  }
0x2b: {  	p1 =	sge.u32 @!p0 s12, s7  }
0x2c: {  	p0 =	por p0, p1  }
.Ltmp2:
0x2d: {  	_ = 	snop;
	(pc) =	sbr.rel @p0 .LBB1_8-.Ltmp2, $1  }
0x2e: {  	_ =	sdelay $0x3  }
0x2f: {  	p0 =	sgt.s32 s10, $0xF414;
	s14 =	smov.u32 s10;
	s15 =	sshra.s32 s10, $0x1F  }
0x30: {  	s14 =	simm.s32 @!p0 $0xF414;
	s15 =	sand.u32 s15, s10  }
0x31: {  	s14 =	ssub.s32 s14, s15  }
0x32: {  	s16 =	sadd.s32 $0x10, s10;
	s14 =	sadd.s32 $0xFFFF0BEC, s14  }
0x33: {  	p1 =	slt.s32 s16, $0xF424;
	s30 =	sshll.u32 s14, $0xC  }
0x34: {  	s16 =	simm.s32 @!p1 $0xF424;
	s15 =	ssub.s32 $0x10000, s30  }
0x35: {  	p0 =	sgt.s32 s14, $0xF;
	s14 =	sshrl.u32 s15, $0x2;
	s15 =	ssub.s32 s16, s10  }
0x36: {  	s14 =	simm.s32 @p0 $0x0;
	p0 =	slt.s32 s15, $0x1  }
.Ltmp3:
0x37: {  	_ = 	snop;
	(pc) =	sbr.rel @p0 .LBB1_7-.Ltmp3, $4  }
0x38: {  	_ = 	snop  }
0x39: {  	_ =	swait.ge [sflag:s4], s14  }
0x3a: {  	s31 =	ssub.s32 $0x0, s14;
	[sflag:s4] =	ssyncset.done $0x0  }
0x3b: {  	[sflag:s4] =	ssyncadd.s32 s31  }
0x3c: {  	s16 =	sshrl.u32 s9, $0x1  }
0x3d: {  	s17 =	sand.u32 $0x4000, s16  }
0x3e: {  	s18 =	simm.s32 $0x0;
	s16 =	sor.u32 $0x200, s17;
	s17 =	sor.u32 $0x8080, s17  }
.LBB1_4:
0x3f: {  	v0 =	vld [tilespmem:s16+$0xFFFFFE70]  }
0x40: {  	v1 =	vld [tilespmem:s16+$0x70]  }
0x41: {  	v2 =	vld [tilespmem:s16+$0x0]  }
0x42: {  	v3 =	vld [tilespmem:s16+$0xFFFFFE10]  }
0x43: {  	v4 =	vld [tilespmem:s16+$0x10]  }
0x44: {  	v5 =	vld [tilespmem:s16+$0xFFFFFE20]  }
0x45: {  	v7 =	vld [tilespmem:s16+$0x20]  }
0x46: {  	v11 =	vld [tilespmem:s16+$0x30];
	v6 =	vunpack.i.l.s16.s32 v0;
	v8 =	vunpack.i.u.s16.s32 v0;
	v9 =	vunpack.i.u.s16.s32 v1  }
0x47: {  	v10 =	vunpack.i.l.s16.s32 v1;
	v0 =	vunpack.i.u.s16.s32 v2;
	v1 =	vunpack.i.l.s16.s32 v2;
	v2 =	vld [tilespmem:s16+$0xFFFFFE30]  }
0x48: {  	v8 =	vpack.i.b32.b16 v9, v8;
	v9 =	vunpack.i.u.s16.s32 v3;
	v3 =	vunpack.i.l.s16.s32 v3  }
0x49: {  	v12 =	vld [tilespmem:s16+$0xFFFFFE40];
	v6 =	vpack.i.b32.b16 v10, v6;
	[tilespmem:s17+$0x70] =	vst v8;
	v8 =	vunpack.i.u.s16.s32 v4;
	v4 =	vunpack.i.l.s16.s32 v4  }
0x4a: {  	v13 =	vld [tilespmem:s16+$0x40];
	v10 =	vunpack.i.u.s16.s32 v5;
	v5 =	vunpack.i.l.s16.s32 v5;
	[tilespmem:s17+$0xFFFFFFF0] =	vst v6;
	v3 =	vpack.i.b32.b16 v4, v3  }
0x4b: {  	v6 =	vunpack.i.l.s16.s32 v7;
	v4 =	vld [tilespmem:s16+$0xFFFFFE50];
	[tilespmem:s17+$0xFFFFFF90] =	vst v3;
	v3 =	vpack.i.b32.b16 v8, v9;
	v8 =	vunpack.i.u.s16.s32 v7  }
0x4c: {  	v7 =	vunpack.i.l.s16.s32 v11;
	[tilespmem:s17+$0x10] =	vst v3;
	v3 =	vpack.i.b32.b16 v6, v5;
	v9 =	vunpack.i.u.s16.s32 v2;
	v6 =	vld [tilespmem:s16+$0x50]  }
0x4d: {  	v5 =	vunpack.i.l.s16.s32 v2;
	v2 =	vld [tilespmem:s16+$0xFFFFFE60];
	[tilespmem:s17+$0xFFFFFFA0] =	vst v3;
	v3 =	vpack.i.b32.b16 v8, v10;
	v10 =	vunpack.i.u.s16.s32 v11  }
0x4e: {  	s21 =	simm.s32 $0x0;
	v11 =	vpack.i.b32.b16 v7, v5;
	v7 =	vunpack.i.u.s16.s32 v12;
	v8 =	vunpack.i.l.s16.s32 v12;
	[tilespmem:s17+$0x20] =	vst v3;
	v3 =	vld [tilespmem:s16+$0x60]  }
0x4f: {  	s22 =	sadd.s32 $0x80, s16;
	s20 =	smov.u32 s17;
	s19 =	smov.u32 s17;
	v5 =	vld [tilespmem:s16+$0xFFFFFE00];
	[tilespmem:s17+$0xFFFFFFB0] =	vst v11;
	v10 =	vpack.i.b32.b16 v10, v9;
	v9 =	vunpack.i.u.s16.s32 v13;
	v11 =	vunpack.i.l.s16.s32 v13  }
.LBB1_5:
0x50: {  	v12 =	vld [tilespmem:s22+$0xFFFFFE70];
	[tilespmem:s20+$0x30] =	vst v10;
	v8 =	vpack.i.b32.b16 v11, v8;
	v10 =	vunpack.i.u.s16.s32 v4;
	v4 =	vunpack.i.l.s16.s32 v4  }
0x51: {  	s21 =	sadd.s32 $0x2, s21;
	v7 =	vpack.i.b32.b16 v9, v7;
	v11 =	vld [tilespmem:s22+$0x70];
	[tilespmem:s20+$0xFFFFFFC0] =	vst v8;
	v8 =	vunpack.i.u.s16.s32 v6;
	v6 =	vunpack.i.l.s16.s32 v6  }
0x52: {  	p0 =	slt.u32 s21, $0x6;
	v9 =	vld [tilespmem:s22+$0x0];
	[tilespmem:s20+$0x40] =	vst v7;
	v4 =	vpack.i.b32.b16 v6, v4;
	v6 =	vunpack.i.u.s16.s32 v2;
	v2 =	vunpack.i.l.s16.s32 v2  }
0x53: {  	v7 =	vld [tilespmem:s22+$0xFFFFFE10];
	[tilespmem:s20+$0xFFFFFFD0] =	vst v4;
	v4 =	vpack.i.b32.b16 v8, v10;
	v8 =	vunpack.i.u.s16.s32 v3;
	v3 =	vunpack.i.l.s16.s32 v3  }
0x54: {  	v10 =	vld [tilespmem:s22+$0x10];
	v13 =	vunpack.i.u.s16.s32 v5;
	v5 =	vunpack.i.l.s16.s32 v5;
	[tilespmem:s20+$0x50] =	vst v4;
	v2 =	vpack.i.b32.b16 v3, v2  }
0x55: {  	v3 =	vld [tilespmem:s22+$0xFFFFFE20];
	v4 =	vunpack.i.l.s16.s32 v12;
	v1 =	vpack.i.b32.b16 v1, v5;
	v5 =	vpack.i.b32.b16 v0, v13;
	[tilespmem:s20+$0xFFFFFFE0] =	vst v2  }
0x56: {  	v12 =	vunpack.i.u.s16.s32 v12;
	v2 =	vld [tilespmem:s22+$0x20];
	v13 =	vunpack.i.u.s16.s32 v11;
	v11 =	vunpack.i.l.s16.s32 v11;
	[tilespmem:s20+$0xFFFFFF80] =	vst v1  }
0x57: {  	s20 =	sadd.s32 $0x100, s20;
	v0 =	vunpack.i.u.s16.s32 v9;
	v1 =	vunpack.i.l.s16.s32 v9;
	v9 =	vld [tilespmem:s22+$0xFFFFFE30];
	v12 =	vpack.i.b32.b16 v13, v12;
	[tilespmem:s19+$0x0] =	vst v5  }
0x58: {  	v6 =	vpack.i.b32.b16 v8, v6;
	v5 =	vunpack.i.u.s16.s32 v7;
	v7 =	vunpack.i.l.s16.s32 v7;
	v13 =	vld [tilespmem:s22+$0x30];
	[tilespmem:s20+$0x70] =	vst v12  }
0x59: {  	v4 =	vpack.i.b32.b16 v11, v4;
	v8 =	vunpack.i.u.s16.s32 v10;
	v10 =	vunpack.i.l.s16.s32 v10;
	v12 =	vld [tilespmem:s22+$0xFFFFFE40];
	[tilespmem:s19+$0x60] =	vst v6;
	s19 =	smov.u32 s20  }
0x5a: {  	v6 =	vpack.i.b32.b16 v10, v7;
	v7 =	vunpack.i.u.s16.s32 v3;
	v3 =	vunpack.i.l.s16.s32 v3;
	v11 =	vld [tilespmem:s22+$0x40];
	[tilespmem:s20+$0xFFFFFFF0] =	vst v4  }
.Ltmp4:
0x5b: {  	v5 =	vpack.i.b32.b16 v8, v5;
	[tilespmem:s20+$0xFFFFFF90] =	vst v6;
	v8 =	vunpack.i.u.s16.s32 v2;
	v2 =	vunpack.i.l.s16.s32 v2;
	v4 =	vld [tilespmem:s22+$0xFFFFFE50];
	(pc) =	sbr.rel @p0 .LBB1_5-.Ltmp4, $4  }
0x5c: {  	[tilespmem:s20+$0x10] =	vst v5;
	v2 =	vpack.i.b32.b16 v2, v3;
	v10 =	vunpack.i.u.s16.s32 v9;
	v3 =	vunpack.i.l.s16.s32 v9;
	v6 =	vld [tilespmem:s22+$0x50]  }
0x5d: {  	v5 =	vpack.i.b32.b16 v8, v7;
	[tilespmem:s20+$0xFFFFFFA0] =	vst v2;
	v9 =	vunpack.i.u.s16.s32 v13;
	v7 =	vunpack.i.l.s16.s32 v13;
	v2 =	vld [tilespmem:s22+$0xFFFFFE60]  }
0x5e: {  	[tilespmem:s20+$0x20] =	vst v5;
	v13 =	vpack.i.b32.b16 v7, v3;
	v7 =	vunpack.i.u.s16.s32 v12;
	v8 =	vunpack.i.l.s16.s32 v12;
	v3 =	vld [tilespmem:s22+$0x60]  }
0x5f: {  	v10 =	vpack.i.b32.b16 v9, v10;
	v5 =	vld [tilespmem:s22+$0xFFFFFE00];
	[tilespmem:s20+$0xFFFFFFB0] =	vst v13;
	v9 =	vunpack.i.u.s16.s32 v11;
	v11 =	vunpack.i.l.s16.s32 v11;
	s22 =	sadd.s32 $0x80, s22  }
0x60: {  	[tilespmem:s20+$0x30] =	vst v10;
	v8 =	vpack.i.b32.b16 v11, v8  }
0x61: {  	v51 =	vunpack.i.l.s16.s32 v4;
	v7 =	vpack.i.b32.b16 v9, v7;
	[tilespmem:s20+$0xFFFFFFC0] =	vst v8;
	v52 =	vunpack.i.l.s16.s32 v6  }
0x62: {  	v53 =	vunpack.i.u.s16.s32 v4;
	s18 =	sadd.s32 $0x1, s18;
	v54 =	vunpack.i.u.s16.s32 v6;
	[tilespmem:s20+$0x40] =	vst v7;
	v55 =	vpack.i.b32.b16 v52, v51  }
0x63: {  	p0 =	sne.s32 s18, s15;
	v56 =	vunpack.i.l.s16.s32 v2;
	v4 =	vpack.i.b32.b16 v54, v53;
	[tilespmem:s20+$0xFFFFFFD0] =	vst v55;
	v57 =	vunpack.i.l.s16.s32 v3  }
.Ltmp5:
0x64: {  	[tilespmem:s20+$0x50] =	vst v4;
	v58 =	vunpack.i.l.s16.s32 v5;
	v59 =	vpack.i.b32.b16 v57, v56;
	(pc) =	sbr.rel @p0 .LBB1_4-.Ltmp5, $4  }
.Ltmp6:
0x65: {  	v61 =	vunpack.i.u.s16.s32 v2;
	v62 =	vunpack.i.u.s16.s32 v3;
	v1 =	vpack.i.b32.b16 v1, v58;
	[tilespmem:s20+$0xFFFFFFE0] =	vst v59;
	(pc) =	sbr.rel @!p0 .LBB1_7-.Ltmp6, $4  }
0x66: {  	v60 =	vunpack.i.u.s16.s32 v5;
	v63 =	vpack.i.b32.b16 v62, v61;
	[tilespmem:s20+$0xFFFFFF80] =	vst v1  }
0x67: {  	v0 =	vpack.i.b32.b16 v0, v60;
	[tilespmem:s19+$0x60] =	vst v63  }
0x68: {  	s16 =	sadd.s32 $0x400, s16;
	s17 =	sadd.s32 $0x400, s17;
	[tilespmem:s19+$0x0] =	vst v0  }
0x69: {  	_ = 	snop  }
.LBB1_9:
0x6a: {  	_ =	sfence.sel $0x180000  }
0x6b: {  	s2 =	simm.s32 $0x1;
	[bflag:$0x0] =	sbarrier.arrive $0xFFFF  }
0x6c: {  	s31 =	simm.s32 $0x2;
	[sflag:s2] =	ssyncpa.u1 $0x1  }
0x6d: {  	[sflag:s31] =	ssyncpa.u1 $0x1  }
0x6e: {  	p0 =	sne.s32 s1, $0x0;
	_ =	strace $0x9000004D  }
0x6f: {  	s0 =	sadd.s32 @!p0 $0x100000, s0;
	[bflag:$0x2] =	sbarrier.arrive $0xFFFF  }
0x70: {  	[sflag:s0] =	ssyncadd.tile.s32 @!p0 $0x1;
	_ =	shalt  }
.Lfunc_end1:
_tile_overlayer_lowered:
.L_overlay_start_2:
0x71: {  	(tag) =	ssettag $0x2  }
0x72: {  	s0 =	rddreg [dreg:$0x0];
	s2 =	stileid.u32  }
0x73: {  	s1 =	rddreg [dreg:$0x1];
	p0 =	sne.s32 s2, $0x0  }
0x74: {  	s3 =	rddreg [dreg:$0x2];
	[bflag:$0x3] =	sbarrier.arrive $0xFFFF;
	s2 =	simm.s32 @!p0 $0x1C01  }
0x75: {  	[timem:s3], [sflag:s2] =	dma.local @!p0 [hbm:s0], s1  }
0x76: {  	s0 =	simm.s32 @!p0 $0x1  }
0x77: {  	_ =	swait.ge @!p0 [sflag:s0], s1  }
0x78: {  	s1 =	ssub.s32 @!p0 $0x0, s1;
	[sflag:s0] =	ssyncset.done @!p0 $0x0  }
0x79: {  	[sflag:s0] =	ssyncadd.s32 @!p0 s1  }
0x7a: {  	[bflag:$0x3] =	sbarrier.arrive $0xFFFF  }
0x7b: {  	_ =	shalt  }

</sc_bundles>
